<compile_context>
chip_gen: v7x
topology: tpu7x:2x2x1
jax: 0.10.2.dev20260603
libtpu: 0.0.44.dev20260713+nightly
codegen_flags: <defaults>
</compile_context>

<pallas_src>
import jax
import jax.numpy as jnp
import numpy as np
from jax import lax
from jax.experimental import pallas as pl
from jax.experimental.pallas import tpu as pltpu
from jax.experimental.pallas import tpu_sc as plsc

_B, _N, _C, _LC = 4, 20000, 20, 10
_TH = 0.05
_MAXD = 300
_KCAP = 304
_NG = _N // 16
_NSG = (_NG + 15) // 16
_L1P = _NSG * 16
_L2P = 80
_NT = _B * _C
_NW = 32
_NEG = float("-inf")
_LCROW = 128

_mesh = plsc.VectorSubcoreMesh(
    core_axis_name="c", subcore_axis_name="s", num_cores=2, num_subcores=16
)
_params = pltpu.CompilerParams(needs_layout_passes=False)


_SCPAD = _L1P * 16
_L1PAD = _L2P * 16
_BIG = 3.0e38


def _iota():
    return lax.iota(jnp.int32, 16)


def _bfull(x, dtype=None):
    v = jnp.full((16,), x)
    return v if dtype is None else v.astype(dtype)


def _al8(x):
    return pl.multiple_of(x, 8)


def _vmaxsplat(v):
    i = _iota()
    for sh in (8, 4, 2, 1):
        v = jnp.maximum(v, jnp.take(v, i ^ sh))
    return v


def _nms_body(cls_hbm, bx_hbm, ksc_hbm, kid_hbm, kbx_hbm, kcnt_hbm,
              sc_v, x1_v, y1_v, x2_v, y2_v, l1_v,
              kx1_v, ky1_v, kx2_v, ky2_v, kar_v, ksl_v, kil_v, cnt_v, sem):
    wid = lax.axis_index("s") * 2 + lax.axis_index("c")
    it16 = _iota()

    def do_task(t):
        b = t // _C
        cps = [
            pltpu.async_copy(
                cls_hbm.at[pl.ds(_al8(t * _N), _N)],
                sc_v.at[pl.ds(0, _N)], sem),
            pltpu.async_copy(
                bx_hbm.at[pl.ds(_al8(b * 4 * _N), _N)], x1_v, sem),
            pltpu.async_copy(
                bx_hbm.at[pl.ds(_al8((b * 4 + 1) * _N), _N)], y1_v, sem),
            pltpu.async_copy(
                bx_hbm.at[pl.ds(_al8((b * 4 + 2) * _N), _N)], x2_v, sem),
            pltpu.async_copy(
                bx_hbm.at[pl.ds(_al8((b * 4 + 3) * _N), _N)], y2_v, sem),
        ]
        for k in range((_SCPAD - _N) // 16):
            sc_v[pl.ds(_N + k * 16, 16)] = _bfull(_NEG)
        l1_v[pl.ds(_L1P, 16)] = _bfull(_NEG)

        def initk(k, _):
            for ref in (kx1_v, ky1_v, kx2_v, ky2_v, kar_v):
                ref[pl.ds(k * 16, 16)] = _bfull(jnp.float32(_BIG))
            return 0
        lax.fori_loop(0, _KCAP // 16, initk, 0)

        for cp in cps:
            cp.wait()

        def build(cidx):
            base = (cidx * 16 + it16) * 16
            mx = _bfull(_NEG)
            for j in range(16):
                mx = jnp.maximum(mx, plsc.load_gather(sc_v, [base + j]))
            mx = jnp.where(mx > jnp.float32(_TH), mx, _NEG)
            l1_v[pl.ds(cidx * 16, 16)] = mx
        plsc.parallel_loop(0, _NSG, 1, unroll=2)(build)

        l2init = []
        for c in range(_L2P // 16):
            base = (c * 16 + it16) * 16
            mx = _bfull(_NEG)
            for j in range(16):
                mx = jnp.maximum(mx, plsc.load_gather(l1_v, [base + j]))
            l2init.append(mx)
        l2init = tuple(l2init)

        def ex_cond(carry):
            return carry[3]

        def ex_body(carry):
            kc, kcv, it, _, l2r = carry
            mv = l2r[0]
            for k in range(1, _L2P // 16):
                mv = jnp.maximum(mv, l2r[k])
            msp = _vmaxsplat(mv)
            mokv = msp > _NEG
            m_ok = msp[0] > _NEG

            g2v = _bfull(jnp.int32(9 * _L2P))
            for k in range(_L2P // 16):
                nkv = plsc.all_reduce_ffs(l2r[k] == msp)
                g2v = jnp.minimum(
                    g2v, jnp.where(nkv < 16, k * 16 + nkv, 9 * _L2P))
            g2v = jnp.minimum(g2v, jnp.int32(_NSG - 1))
            l1g = plsc.load_gather(l1_v, [g2v * 16 + it16])
            n1v = jnp.minimum(plsc.all_reduce_ffs(l1g == msp), 15)
            gv = g2v * 16 + n1v
            sg = plsc.load_gather(sc_v, [gv * 16 + it16])
            lanev = jnp.minimum(plsc.all_reduce_ffs(sg == msp), 15)
            fv = gv * 16 + lanev
            cx1 = plsc.load_gather(x1_v, [fv])
            cy1 = plsc.load_gather(y1_v, [fv])
            cx2 = plsc.load_gather(x2_v, [fv])
            cy2 = plsc.load_gather(y2_v, [fv])
            ca = (cx2 - cx1) * (cy2 - cy1)

            nblk = (kc + 15) // 16

            def iou_body(j, acc):
                a1 = kx1_v[pl.ds(j * 16, 16)]
                b1 = ky1_v[pl.ds(j * 16, 16)]
                a2 = kx2_v[pl.ds(j * 16, 16)]
                b2 = ky2_v[pl.ds(j * 16, 16)]
                ar = kar_v[pl.ds(j * 16, 16)]
                iw = jnp.minimum(cx2, a2) - jnp.maximum(cx1, a1)
                ih = jnp.minimum(cy2, b2) - jnp.maximum(cy1, b1)
                inter = jnp.maximum(iw, 0.0) * jnp.maximum(ih, 0.0)
                un = jnp.maximum(ar + ca - inter, jnp.float32(1e-8))
                return acc | (inter > jnp.float32(0.5) * un)

            acc = plsc.parallel_loop(
                0, nblk, 1, unroll=2, carry=it16 < 0)(iou_body)
            popc = plsc.all_reduce_population_count(acc)
            supv = popc > 0

            keepm = (it16 == 0) & (~supv) & mokv
            plsc.store_scatter(kx1_v, [kcv], cx1, mask=keepm)
            plsc.store_scatter(ky1_v, [kcv], cy1, mask=keepm)
            plsc.store_scatter(kx2_v, [kcv], cx2, mask=keepm)
            plsc.store_scatter(ky2_v, [kcv], cy2, mask=keepm)
            plsc.store_scatter(kar_v, [kcv], ca, mask=keepm)
            plsc.store_scatter(ksl_v, [kcv], msp, mask=keepm)
            plsc.store_scatter(kil_v, [kcv], fv, mask=keepm)
            keep1 = jnp.where(supv, 0, 1)
            kcv2 = kcv + jnp.where(mokv, keep1, 0)
            kc2 = kc + jnp.where(m_ok & (popc[0] == 0), 1, 0)

            sg2 = jnp.where(it16 == lanev, _NEG, sg)
            plsc.store_scatter(sc_v, [gv * 16 + it16], sg2, mask=mokv)
            gmr = _vmaxsplat(sg2)
            gm = jnp.where(gmr > jnp.float32(_TH), gmr, _NEG)
            l1g2 = jnp.where(it16 == n1v, gm, l1g)
            plsc.store_scatter(l1_v, [g2v * 16 + it16], l1g2, mask=mokv)
            sgm = _vmaxsplat(l1g2)
            kvreg = g2v >> 4
            klane = g2v & jnp.int32(15)
            l2n = tuple(
                jnp.where(mokv & (kvreg == k) & (it16 == klane), sgm, l2r[k])
                for k in range(_L2P // 16))

            go = m_ok & (kc2 < _MAXD) & (it + 1 < _N)
            return kc2, kcv2, it + 1, go, l2n

        kcf, _, _, _, _ = lax.while_loop(
            ex_cond, ex_body,
            (jnp.int32(0), _bfull(jnp.int32(0)), jnp.int32(0), True, l2init))

        cnt_v[pl.ds(0, 16)] = _bfull(kcf, jnp.int32)
        ops = [
            pltpu.async_copy(cnt_v, kcnt_hbm.at[pl.ds(_al8(t * 16), 16)], sem),
            pltpu.async_copy(
                ksl_v, ksc_hbm.at[pl.ds(_al8(t * _KCAP), _KCAP)], sem),
            pltpu.async_copy(
                kil_v, kid_hbm.at[pl.ds(_al8(t * _KCAP), _KCAP)], sem),
        ]
        for j, ref in enumerate((kx1_v, ky1_v, kx2_v, ky2_v)):
            ops.append(pltpu.async_copy(
                ref, kbx_hbm.at[pl.ds(_al8((t * 4 + j) * _KCAP), _KCAP)], sem))
        for op in ops:
            op.wait()

    def tloop(i, _):
        t = wid + _NW * i

        @pl.when(t < _NT)
        def _():
            do_task(t)

        return 0

    lax.fori_loop(0, (_NT + _NW - 1) // _NW, tloop, 0)


_phase1 = pl.kernel(
    _nms_body,
    out_type=(
        jax.ShapeDtypeStruct((_NT * _KCAP,), jnp.float32),
        jax.ShapeDtypeStruct((_NT * _KCAP,), jnp.int32),
        jax.ShapeDtypeStruct((_NT * 4 * _KCAP,), jnp.float32),
        jax.ShapeDtypeStruct((_NT * 16,), jnp.int32),
    ),
    mesh=_mesh,
    compiler_params=_params,
    scratch_types=[
        pltpu.VMEM((_SCPAD,), jnp.float32),
        pltpu.VMEM((_N,), jnp.float32),
        pltpu.VMEM((_N,), jnp.float32),
        pltpu.VMEM((_N,), jnp.float32),
        pltpu.VMEM((_N,), jnp.float32),
        pltpu.VMEM((_L1PAD,), jnp.float32),
        pltpu.VMEM((_KCAP,), jnp.float32),
        pltpu.VMEM((_KCAP,), jnp.float32),
        pltpu.VMEM((_KCAP,), jnp.float32),
        pltpu.VMEM((_KCAP,), jnp.float32),
        pltpu.VMEM((_KCAP,), jnp.float32),
        pltpu.VMEM((_KCAP,), jnp.float32),
        pltpu.VMEM((_KCAP,), jnp.int32),
        pltpu.VMEM((16,), jnp.int32),
        pltpu.SemaphoreType.DMA,
    ],
)


def _merge_body(ksc_hbm, kid_hbm, kbx_hbm, kcnt_hbm, lc_hbm,
                obox_hbm, osc_hbm, olab_hbm, olsc_hbm, ollab_hbm,
                ksc_v, kid_v, kbx_v, kcnt_v,
                obf_v, osc_v, olab_v, olsc_v, ollab_v,
                idxa_v, idxb_v, idxc_v, sub_v, lcr_v, sem):
    wid = lax.axis_index("s") * 2 + lax.axis_index("c")
    it16 = _iota()

    @pl.when(wid < _B)
    def _():
        b = wid
        cps = [
            pltpu.async_copy(
                ksc_hbm.at[pl.ds(_al8(b * _C * _KCAP), _C * _KCAP)],
                ksc_v, sem),
            pltpu.async_copy(
                kid_hbm.at[pl.ds(_al8(b * _C * _KCAP), _C * _KCAP)],
                kid_v, sem),
            pltpu.async_copy(
                kbx_hbm.at[pl.ds(_al8(b * _C * 4 * _KCAP), _C * 4 * _KCAP)],
                kbx_v, sem),
            pltpu.async_copy(
                kcnt_hbm.at[pl.ds(_al8(b * _C * 16), _C * 16)], kcnt_v, sem),
        ]
        for cp in cps:
            cp.wait()

        def initf(k, _):
            osc_v[pl.ds(k * 16, 16)] = _bfull(jnp.float32(-1.0))
            olsc_v[pl.ds(k * 16, 16)] = _bfull(jnp.float32(-1.0))
            olab_v[pl.ds(k * 16, 16)] = _bfull(jnp.int32(-1))
            ollab_v[pl.ds(k * 16, 16)] = _bfull(jnp.int32(-1))
            sub_v[pl.ds(k * 16, 16)] = _bfull(jnp.int32(0))
            return 0
        lax.fori_loop(0, _KCAP // 16, initf, 0)

        def initb(k, _):
            obf_v[pl.ds(k * 16, 16)] = _bfull(jnp.float32(-1.0))
            return 0
        lax.fori_loop(0, (_KCAP * 4) // 16, initb, 0)

        def initi(k, _):
            @pl.when(k < 8)
            def _():
                idxa_v[pl.ds(k * 16, 16)] = _bfull(jnp.int32(0))
                idxb_v[pl.ds(k * 16, 16)] = _bfull(jnp.int32(0))

            @pl.when(k < 3)
            def _():
                idxc_v[pl.ds(k * 16, 16)] = _bfull(jnp.int32(0))

            return 0
        lax.fori_loop(0, 8, initi, 0)

        zeros = _bfull(jnp.int32(0))
        row1 = jnp.minimum(it16 + 16, jnp.int32(_C - 1))
        cnt0 = plsc.load_gather(kcnt_v, [it16 * 16])
        cnt1 = plsc.load_gather(kcnt_v, [row1 * 16])
        lane_ok1 = it16 < (_C - 16)

        s0i = plsc.load_gather(ksc_v, [it16 * _KCAP])
        s0i = jnp.where(cnt0 > 0, s0i, _NEG)
        s1i = plsc.load_gather(ksc_v, [row1 * _KCAP])
        s1i = jnp.where(lane_ok1 & (cnt1 > 0), s1i, _NEG)

        def mg_cond(carry):
            return carry[3]

        def mg_body(carry):
            r, h0, h1, _, s0, s1 = carry
            msp = _vmaxsplat(jnp.maximum(s0, s1))
            m_ok = msp[0] > _NEG

            def live(op):
                r, h0, h1, s0, s1 = op
                c0v = plsc.all_reduce_ffs(s0 == msp)
                c1v = plsc.all_reduce_ffs(s1 == msp)
                cbv = jnp.where(c0v < 16, c0v, c1v + 16)
                lanev = cbv & jnp.int32(15)
                in0 = cbv < 16
                hval = jnp.take(jnp.where(in0, h0, h1), lanev)
                sel0 = (it16 == lanev) & in0
                sel1 = (it16 == lanev) & (~in0)
                h0n = jnp.where(sel0, h0 + 1, h0)
                h1n = jnp.where(sel1, h1 + 1, h1)

                m0 = it16 == 0
                posv = _bfull(r, jnp.int32)
                plsc.store_scatter(osc_v, [posv], msp, mask=m0)
                plsc.store_scatter(olab_v, [posv], cbv, mask=m0)
                crd = jnp.minimum(it16, jnp.int32(3))
                bxv = plsc.load_gather(
                    kbx_v, [(cbv * 4 + crd) * _KCAP + hval])
                plsc.store_scatter(obf_v, [r * 4 + crd], bxv, mask=it16 < 4)
                fidx = plsc.load_gather(kid_v, [cbv * _KCAP + hval])
                gidx = fidx + b * _N
                ridx = gidx >> 3
                sub = gidx & jnp.int32(7)
                plsc.store_scatter(sub_v, [posv], sub, mask=m0)
                pa = _bfull(jnp.minimum(r, 127), jnp.int32)
                pb = _bfull(jnp.clip(r - 128, 0, 127), jnp.int32)
                pc = _bfull(jnp.clip(r - 256, 0, _KCAP - 257), jnp.int32)
                plsc.store_scatter(idxa_v, [pa], ridx, mask=m0 & (r < 128))
                plsc.store_scatter(idxb_v, [pb], ridx,
                                   mask=m0 & (r >= 128) & (r < 256))
                plsc.store_scatter(idxc_v, [pc], ridx, mask=m0 & (r >= 256))

                hn = hval + 1
                cntb = plsc.load_gather(kcnt_v, [cbv * 16])
                news = plsc.load_gather(
                    ksc_v, [cbv * _KCAP + jnp.minimum(hn, _KCAP - 1)])
                news = jnp.where(hn < cntb, news, _NEG)
                s0n = jnp.where(sel0, news, s0)
                s1n = jnp.where(sel1, news, s1)
                return r + 1, h0n, h1n, s0n, s1n

            r2, h0n, h1n, s0n, s1n = lax.cond(
                m_ok, live, lambda op: op, (r, h0, h1, s0, s1))
            return r2, h0n, h1n, m_ok & (r2 < _MAXD), s0n, s1n

        rf, _, _, _, _, _ = lax.while_loop(
            mg_cond, mg_body, (jnp.int32(0), zeros, zeros, True, s0i, s1i))

        g1 = pltpu.async_copy(lc_hbm.at[idxa_v], lcr_v.at[pl.ds(0, 128)], sem)
        g2 = pltpu.async_copy(
            lc_hbm.at[idxb_v], lcr_v.at[pl.ds(128, 128)], sem)
        g3 = pltpu.async_copy(
            lc_hbm.at[idxc_v], lcr_v.at[pl.ds(256, _KCAP - 256)], sem)
        g1.wait()
        g2.wait()
        g3.wait()

        def lcl(r):
            rv = _bfull(r, jnp.int32)
            sub16 = plsc.load_gather(sub_v, [rv])
            row = plsc.load_gather(lcr_v, [rv, sub16 * 16 + it16])
            lmv = _vmaxsplat(row)
            lav = plsc.all_reduce_ffs(row == lmv)
            m0 = it16 == 0
            plsc.store_scatter(olsc_v, [rv], lmv, mask=m0)
            plsc.store_scatter(ollab_v, [rv], lav, mask=m0)
        plsc.parallel_loop(0, rf, 1, unroll=2)(lcl)

        ops = [
            pltpu.async_copy(
                obf_v, obox_hbm.at[pl.ds(_al8(b * _KCAP * 4), _KCAP * 4)],
                sem),
            pltpu.async_copy(
                osc_v, osc_hbm.at[pl.ds(_al8(b * _KCAP), _KCAP)], sem),
            pltpu.async_copy(
                olab_v, olab_hbm.at[pl.ds(_al8(b * _KCAP), _KCAP)], sem),
            pltpu.async_copy(
                olsc_v, olsc_hbm.at[pl.ds(_al8(b * _KCAP), _KCAP)], sem),
            pltpu.async_copy(
                ollab_v, ollab_hbm.at[pl.ds(_al8(b * _KCAP), _KCAP)], sem),
        ]
        for op in ops:
            op.wait()


_phase2 = pl.kernel(
    _merge_body,
    out_type=(
        jax.ShapeDtypeStruct((_B * _KCAP * 4,), jnp.float32),
        jax.ShapeDtypeStruct((_B * _KCAP,), jnp.float32),
        jax.ShapeDtypeStruct((_B * _KCAP,), jnp.int32),
        jax.ShapeDtypeStruct((_B * _KCAP,), jnp.float32),
        jax.ShapeDtypeStruct((_B * _KCAP,), jnp.int32),
    ),
    mesh=_mesh,
    compiler_params=_params,
    scratch_types=[
        pltpu.VMEM((_C * _KCAP,), jnp.float32),
        pltpu.VMEM((_C * _KCAP,), jnp.int32),
        pltpu.VMEM((_C * 4 * _KCAP,), jnp.float32),
        pltpu.VMEM((_C * 16,), jnp.int32),
        pltpu.VMEM((_KCAP * 4,), jnp.float32),
        pltpu.VMEM((_KCAP,), jnp.float32),
        pltpu.VMEM((_KCAP,), jnp.int32),
        pltpu.VMEM((_KCAP,), jnp.float32),
        pltpu.VMEM((_KCAP,), jnp.int32),
        pltpu.VMEM((128,), jnp.int32),
        pltpu.VMEM((128,), jnp.int32),
        pltpu.VMEM((_KCAP - 256,), jnp.int32),
        pltpu.VMEM((_KCAP,), jnp.int32),
        pltpu.VMEM((_KCAP, _LCROW), jnp.float32),
        pltpu.SemaphoreType.DMA,
    ],
)


@jax.jit
def kernel(boxes, classification, l_classification):
    cls_t = jnp.transpose(classification, (0, 2, 1)).reshape(-1)
    bx_t = jnp.transpose(boxes, (0, 2, 1)).reshape(-1)
    lc = jnp.pad(
        l_classification, ((0, 0), (0, 0), (0, 16 - _LC)),
        constant_values=-np.inf,
    ).reshape(_B * _N * 16 // _LCROW, _LCROW)
    ksc, kid, kbx, kcnt = _phase1(cls_t, bx_t)
    obox, osc, olab, olsc, ollab = _phase2(ksc, kid, kbx, kcnt, lc)
    return (
        obox.reshape(_B, _KCAP, 4)[:, :_MAXD],
        osc.reshape(_B, _KCAP)[:, :_MAXD],
        olab.reshape(_B, _KCAP)[:, :_MAXD],
        olsc.reshape(_B, _KCAP)[:, :_MAXD],
        ollab.reshape(_B, _KCAP)[:, :_MAXD],
    )

# --- scband reference (transcript-rebuilt; emitter-appended) ---
"""Pipeline reference for scband-filter-detections-22308060135971 (READ-ONLY COPY).

The authoritative reference and input builder live on the scoring server;
editing this copy changes nothing except your own understanding.
"""

import jax, jax.numpy as jnp
import numpy as np

B, N, C, LC = 4, 20000, 20, 10
SCORE_THRESHOLD = 0.05
IOU_THRESHOLD = 0.5
MAX_DETECTIONS = 300


def setup_inputs(seed: int = 0) -> dict:
    key = jax.random.key(seed)
    k1, k2, k3, k4 = jax.random.split(key, 4)
    xy = jax.random.uniform(k1, (B, N, 2), dtype=jnp.float32) * 512.0
    wh = jax.random.uniform(k2, (B, N, 2), dtype=jnp.float32) * 64.0 + 1.0
    boxes = jnp.concatenate([xy, xy + wh], axis=-1)
    classification = jax.random.uniform(k3, (B, N, C), dtype=jnp.float32)
    l_classification = jax.random.uniform(k4, (B, N, LC), dtype=jnp.float32)
    return {"boxes": boxes, "classification": classification, "l_classification": l_classification}


def _nms_single(boxes, scores):
    # Greedy NMS with fixed iteration count (faithful to tf.image.non_max_suppression semantics).
    areas = (boxes[:, 2] - boxes[:, 0]) * (boxes[:, 3] - boxes[:, 1])
    neg_inf = jnp.float32(-jnp.inf)
    s0 = jnp.where(scores > SCORE_THRESHOLD, scores, neg_inf)

    def body(i, state):
        s, idxs, valids = state
        best = jnp.argmax(s)
        is_valid = s[best] > neg_inf
        bb = boxes[best]
        x1 = jnp.maximum(bb[0], boxes[:, 0])
        y1 = jnp.maximum(bb[1], boxes[:, 1])
        x2 = jnp.minimum(bb[2], boxes[:, 2])
        y2 = jnp.minimum(bb[3], boxes[:, 3])
        inter = jnp.clip(x2 - x1, 0.0) * jnp.clip(y2 - y1, 0.0)
        union = areas + areas[best] - inter
        iou = inter / jnp.maximum(union, 1e-8)
        suppress = (iou > IOU_THRESHOLD) & is_valid
        s = jnp.where(suppress, neg_inf, s)
        s = s.at[best].set(neg_inf)
        idxs = idxs.at[i].set(jnp.where(is_valid, best.astype(jnp.int32), jnp.int32(-1)))
        valids = valids.at[i].set(is_valid)
        return s, idxs, valids

    init = (s0, jnp.full((MAX_DETECTIONS,), -1, jnp.int32), jnp.zeros((MAX_DETECTIONS,), jnp.bool_))
    _, idxs, valids = jax.lax.fori_loop(0, MAX_DETECTIONS, body, init)
    return idxs, valids


def _filter_image(boxes, classification, l_classification):
    # Per-class score threshold + NMS (vmapped over classes).
    idxs, valids = jax.vmap(lambda s: _nms_single(boxes, s), in_axes=1)(classification)
    labels = jnp.broadcast_to(jnp.arange(C, dtype=jnp.int32)[:, None], (C, MAX_DETECTIONS))
    flat_idx = idxs.reshape(-1)
    flat_valid = valids.reshape(-1)
    flat_labels = labels.reshape(-1)
    safe_idx = jnp.clip(flat_idx, 0, N - 1)
    cand_scores = classification[safe_idx, flat_labels]
    cand_scores = jnp.where(flat_valid, cand_scores, jnp.float32(-jnp.inf))
    # Global top-k over all surviving (box, class) pairs.
    top_scores, top_pos = jax.lax.top_k(cand_scores, MAX_DETECTIONS)
    sel_idx = jnp.take(flat_idx, top_pos)
    sel_labels = jnp.take(flat_labels, top_pos)
    valid = top_scores > jnp.float32(-jnp.inf)
    safe_sel = jnp.clip(sel_idx, 0, N - 1)
    b = boxes[safe_sel]
    lc = l_classification[safe_sel]
    l_lab = jnp.argmax(lc, axis=-1).astype(jnp.int32)
    l_sc = jnp.max(lc, axis=-1)
    # Pad invalid slots with -1 (matches original padding semantics).
    boxes_out = jnp.where(valid[:, None], b, jnp.float32(-1.0))
    scores_out = jnp.where(valid, top_scores, jnp.float32(-1.0))
    labels_out = jnp.where(valid, sel_labels, jnp.int32(-1))
    l_scores_out = jnp.where(valid, l_sc, jnp.float32(-1.0))
    l_labels_out = jnp.where(valid, l_lab, jnp.int32(-1))
    return boxes_out, scores_out, labels_out, l_scores_out, l_labels_out


@jax.jit
def reference(boxes, classification, l_classification):
    # map_fn over the batch dimension -> vmap.
    return jax.vmap(_filter_image)(boxes, classification, l_classification)

if __name__ == "__main__":
    import jax
    _d = setup_inputs()
    print(jax.jit(kernel)(*tuple(_d.values())))

</pallas_src>

<mosaic_0001>
#map = affine_map<(d0, d1) -> (0)>
module attributes {stable_mosaic.version = 14 : i64} {
  func.func @_nms_body(%arg0: i32, %arg1: i32, %arg2: memref<1600000xf32, #tpu.memory_space<hbm>>, %arg3: memref<320000xf32, #tpu.memory_space<hbm>>, %arg4: memref<24320xf32, #tpu.memory_space<hbm>>, %arg5: memref<24320xi32, #tpu.memory_space<hbm>>, %arg6: memref<97280xf32, #tpu.memory_space<hbm>>, %arg7: memref<1280xi32, #tpu.memory_space<hbm>>, %arg8: memref<20224xf32, #tpu.memory_space<vmem>>, %arg9: memref<20000xf32, #tpu.memory_space<vmem>>, %arg10: memref<20000xf32, #tpu.memory_space<vmem>>, %arg11: memref<20000xf32, #tpu.memory_space<vmem>>, %arg12: memref<20000xf32, #tpu.memory_space<vmem>>, %arg13: memref<1280xf32, #tpu.memory_space<vmem>>, %arg14: memref<304xf32, #tpu.memory_space<vmem>>, %arg15: memref<304xf32, #tpu.memory_space<vmem>>, %arg16: memref<304xf32, #tpu.memory_space<vmem>>, %arg17: memref<304xf32, #tpu.memory_space<vmem>>, %arg18: memref<304xf32, #tpu.memory_space<vmem>>, %arg19: memref<304xf32, #tpu.memory_space<vmem>>, %arg20: memref<304xi32, #tpu.memory_space<vmem>>, %arg21: memref<16xi32, #tpu.memory_space<vmem>>, %arg22: memref<!tpu.dma_semaphore, #tpu.memory_space<semaphore_mem>>) attributes {dimension_semantics = [#tpu.dimension_semantics<core_parallel>, #tpu.dimension_semantics<subcore_parallel>], iteration_bounds = array<i64: 2, 16>, scalar_prefetch = 0 : i64, scratch_operands = 15 : i64, tpu.core_type = #tpu.core_type<sc_vector_subcore>, window_params = [{transform_indices = #map}, {transform_indices = #map}, {transform_indices = #map}, {transform_indices = #map}, {transform_indices = #map}, {transform_indices = #map}]} {
    %mul3A = arith.constant 2 : i32
    %mul3A_0 = arith.muli %arg1, %mul3A : i32
    %add3A = arith.addi %mul3A_0, %arg0 : i32
    %iota3A = tpu.iota {dimensions = array<i32: 0>} : vector<16xi32>
    %scan3A = arith.constant 0 : i32
    %scan3A_1 = arith.constant 0 : i32
    %scan3A_2 = arith.constant 3 : i32
    %scan3A_3 = arith.addi %scan3A_1, %scan3A_2 : i32
    %scan3A_4 = arith.constant 1 : i32
    %scan3A_5 = scf.for %scan3A_7 = %scan3A_1 to %scan3A_3 step %scan3A_4 iter_args(%scan3A_8 = %scan3A) -> (i32)  : i32 {
      %mul3A_9 = arith.constant 32 : i32
      %mul3A_10 = arith.muli %mul3A_9, %scan3A_7 : i32
      %add3A_11 = arith.addi %add3A, %mul3A_10 : i32
      %lt3A = arith.constant 80 : i32
      %lt3A_12 = arith.cmpi slt, %add3A_11, %lt3A : i32
      %convert_element_type3A = arith.extui %lt3A_12 : i1 to i32
      %cond3A = arith.constant 0 : i32
      %cond3A_13 = arith.cmpi ne, %convert_element_type3A, %cond3A : i32
      scf.if %cond3A_13 {
        %jit3A = arith.constant 20 : i32
        %div3A = arith.divsi %add3A_11, %jit3A : i32
        %sign3A = arith.constant 0 : i32
        %sign3A_15 = arith.cmpi sgt, %add3A_11, %sign3A : i32
        %sign3A_16 = arith.extui %sign3A_15 : i1 to i32
        %sign3A_17 = arith.constant 0 : i32
        %sign3A_18 = arith.cmpi slt, %add3A_11, %sign3A_17 : i32
        %sign3A_19 = arith.extui %sign3A_18 : i1 to i32
        %sign3A_20 = arith.subi %sign3A_16, %sign3A_19 : i32
        %sign3A_21 = arith.constant 0 : i32
        %sign3A_22 = arith.cmpi sgt, %jit3A, %sign3A_21 : i32
        %sign3A_23 = arith.extui %sign3A_22 : i1 to i32
        %sign3A_24 = arith.constant 0 : i32
        %sign3A_25 = arith.cmpi slt, %jit3A, %sign3A_24 : i32
        %sign3A_26 = arith.extui %sign3A_25 : i1 to i32
        %sign3A_27 = arith.subi %sign3A_23, %sign3A_26 : i32
        %ne3A = arith.cmpi ne, %sign3A_20, %sign3A_27 : i32
        %rem3A = arith.remsi %add3A_11, %jit3A : i32
        %ne3A_28 = arith.constant 0 : i32
        %ne3A_29 = arith.cmpi ne, %rem3A, %ne3A_28 : i32
        %and3A = arith.andi %ne3A, %ne3A_29 : i1
        %sub3A = arith.constant 1 : i32
        %sub3A_30 = arith.subi %div3A, %sub3A : i32
        %select_n3A = arith.select %and3A, %sub3A_30, %div3A : i32
        %mul3A_31 = arith.constant 20000 : i32
        %mul3A_32 = arith.muli %add3A_11, %mul3A_31 : i32
        %multiple_of3A = tpu.assume_multiple %mul3A_32, 8 : i32
        %dma_start3A = arith.constant 0 : i32
        %dma_start3A_33 = tpu.memref_slice %arg8[%dma_start3A] : memref<20224xf32, #tpu.memory_space<vmem>> -> memref<20000xf32, #tpu.memory_space<vmem>>
        %dma_start3A_34 = tpu.memref_slice %arg2[%multiple_of3A] : memref<1600000xf32, #tpu.memory_space<hbm>> -> memref<20000xf32, #tpu.memory_space<hbm>>
        %dma_start3A_35 = arith.constant 0 : i32
        %dma_start3A_36 = tpu.memref_slice %arg8[%dma_start3A_35] : memref<20224xf32, #tpu.memory_space<vmem>> -> memref<20000xf32, #tpu.memory_space<vmem>>
        %dma_start3A_37 = tpu.memref_slice %arg2[%multiple_of3A] : memref<1600000xf32, #tpu.memory_space<hbm>> -> memref<20000xf32, #tpu.memory_space<hbm>>
        tpu.enqueue_dma source(%dma_start3A_37 : memref<20000xf32, #tpu.memory_space<hbm>>) target(%dma_start3A_36 : memref<20000xf32, #tpu.memory_space<vmem>>) target_semaphore(%arg22 : memref<!tpu.dma_semaphore, #tpu.memory_space<semaphore_mem>>)
        %mul3A_38 = arith.constant 4 : i32
        %mul3A_39 = arith.muli %select_n3A, %mul3A_38 : i32
        %mul3A_40 = arith.constant 20000 : i32
        %mul3A_41 = arith.muli %mul3A_39, %mul3A_40 : i32
        %multiple_of3A_42 = tpu.assume_multiple %mul3A_41, 8 : i32
        %dma_start3A_43 = tpu.memref_slice %arg3[%multiple_of3A_42] : memref<320000xf32, #tpu.memory_space<hbm>> -> memref<20000xf32, #tpu.memory_space<hbm>>
        %dma_start3A_44 = tpu.memref_slice %arg3[%multiple_of3A_42] : memref<320000xf32, #tpu.memory_space<hbm>> -> memref<20000xf32, #tpu.memory_space<hbm>>
        tpu.enqueue_dma source(%dma_start3A_44 : memref<20000xf32, #tpu.memory_space<hbm>>) target(%arg9 : memref<20000xf32, #tpu.memory_space<vmem>>) target_semaphore(%arg22 : memref<!tpu.dma_semaphore, #tpu.memory_space<semaphore_mem>>)
        %mul3A_45 = arith.constant 4 : i32
        %mul3A_46 = arith.muli %select_n3A, %mul3A_45 : i32
        %add3A_47 = arith.constant 1 : i32
        %add3A_48 = arith.addi %mul3A_46, %add3A_47 : i32
        %mul3A_49 = arith.constant 20000 : i32
        %mul3A_50 = arith.muli %add3A_48, %mul3A_49 : i32
        %multiple_of3A_51 = tpu.assume_multiple %mul3A_50, 8 : i32
        %dma_start3A_52 = tpu.memref_slice %arg3[%multiple_of3A_51] : memref<320000xf32, #tpu.memory_space<hbm>> -> memref<20000xf32, #tpu.memory_space<hbm>>
        %dma_start3A_53 = tpu.memref_slice %arg3[%multiple_of3A_51] : memref<320000xf32, #tpu.memory_space<hbm>> -> memref<20000xf32, #tpu.memory_space<hbm>>
        tpu.enqueue_dma source(%dma_start3A_53 : memref<20000xf32, #tpu.memory_space<hbm>>) target(%arg10 : memref<20000xf32, #tpu.memory_space<vmem>>) target_semaphore(%arg22 : memref<!tpu.dma_semaphore, #tpu.memory_space<semaphore_mem>>)
        %mul3A_54 = arith.constant 4 : i32
        %mul3A_55 = arith.muli %select_n3A, %mul3A_54 : i32
        %add3A_56 = arith.constant 2 : i32
        %add3A_57 = arith.addi %mul3A_55, %add3A_56 : i32
        %mul3A_58 = arith.constant 20000 : i32
        %mul3A_59 = arith.muli %add3A_57, %mul3A_58 : i32
        %multiple_of3A_60 = tpu.assume_multiple %mul3A_59, 8 : i32
        %dma_start3A_61 = tpu.memref_slice %arg3[%multiple_of3A_60] : memref<320000xf32, #tpu.memory_space<hbm>> -> memref<20000xf32, #tpu.memory_space<hbm>>
        %dma_start3A_62 = tpu.memref_slice %arg3[%multiple_of3A_60] : memref<320000xf32, #tpu.memory_space<hbm>> -> memref<20000xf32, #tpu.memory_space<hbm>>
        tpu.enqueue_dma source(%dma_start3A_62 : memref<20000xf32, #tpu.memory_space<hbm>>) target(%arg11 : memref<20000xf32, #tpu.memory_space<vmem>>) target_semaphore(%arg22 : memref<!tpu.dma_semaphore, #tpu.memory_space<semaphore_mem>>)
        %mul3A_63 = arith.constant 4 : i32
        %mul3A_64 = arith.muli %select_n3A, %mul3A_63 : i32
        %add3A_65 = arith.constant 3 : i32
        %add3A_66 = arith.addi %mul3A_64, %add3A_65 : i32
        %mul3A_67 = arith.constant 20000 : i32
        %mul3A_68 = arith.muli %add3A_66, %mul3A_67 : i32
        %multiple_of3A_69 = tpu.assume_multiple %mul3A_68, 8 : i32
        %dma_start3A_70 = tpu.memref_slice %arg3[%multiple_of3A_69] : memref<320000xf32, #tpu.memory_space<hbm>> -> memref<20000xf32, #tpu.memory_space<hbm>>
        %dma_start3A_71 = tpu.memref_slice %arg3[%multiple_of3A_69] : memref<320000xf32, #tpu.memory_space<hbm>> -> memref<20000xf32, #tpu.memory_space<hbm>>
        tpu.enqueue_dma source(%dma_start3A_71 : memref<20000xf32, #tpu.memory_space<hbm>>) target(%arg12 : memref<20000xf32, #tpu.memory_space<vmem>>) target_semaphore(%arg22 : memref<!tpu.dma_semaphore, #tpu.memory_space<semaphore_mem>>)
        %broadcast_in_dim3A = arith.constant 0xFF800000 : f32
        %broadcast_in_dim3A_72 = vector.broadcast %broadcast_in_dim3A : f32 to vector<16xf32>
        %swap3A = arith.constant 20000 : index
        %swap3A_73 = tpu.vector_load %arg8[%swap3A] {strides = array<i32>} : memref<20224xf32, #tpu.memory_space<vmem>>, vector<16xf32>,
        tpu.vector_store %arg8[%swap3A], %broadcast_in_dim3A_72 {strides = array<i32>} : memref<20224xf32, #tpu.memory_space<vmem>>, vector<16xf32>,
        %broadcast_in_dim3A_74 = arith.constant 0xFF800000 : f32
        %broadcast_in_dim3A_75 = vector.broadcast %broadcast_in_dim3A_74 : f32 to vector<16xf32>
        %swap3A_76 = arith.constant 20016 : index
        %swap3A_77 = tpu.vector_load %arg8[%swap3A_76] {strides = array<i32>} : memref<20224xf32, #tpu.memory_space<vmem>>, vector<16xf32>,
        tpu.vector_store %arg8[%swap3A_76], %broadcast_in_dim3A_75 {strides = array<i32>} : memref<20224xf32, #tpu.memory_space<vmem>>, vector<16xf32>,
        %broadcast_in_dim3A_78 = arith.constant 0xFF800000 : f32
        %broadcast_in_dim3A_79 = vector.broadcast %broadcast_in_dim3A_78 : f32 to vector<16xf32>
        %swap3A_80 = arith.constant 20032 : index
        %swap3A_81 = tpu.vector_load %arg8[%swap3A_80] {strides = array<i32>} : memref<20224xf32, #tpu.memory_space<vmem>>, vector<16xf32>,
        tpu.vector_store %arg8[%swap3A_80], %broadcast_in_dim3A_79 {strides = array<i32>} : memref<20224xf32, #tpu.memory_space<vmem>>, vector<16xf32>,
        %broadcast_in_dim3A_82 = arith.constant 0xFF800000 : f32
        %broadcast_in_dim3A_83 = vector.broadcast %broadcast_in_dim3A_82 : f32 to vector<16xf32>
        %swap3A_84 = arith.constant 20048 : index
        %swap3A_85 = tpu.vector_load %arg8[%swap3A_84] {strides = array<i32>} : memref<20224xf32, #tpu.memory_space<vmem>>, vector<16xf32>,
        tpu.vector_store %arg8[%swap3A_84], %broadcast_in_dim3A_83 {strides = array<i32>} : memref<20224xf32, #tpu.memory_space<vmem>>, vector<16xf32>,
        %broadcast_in_dim3A_86 = arith.constant 0xFF800000 : f32
        %broadcast_in_dim3A_87 = vector.broadcast %broadcast_in_dim3A_86 : f32 to vector<16xf32>
        %swap3A_88 = arith.constant 20064 : index
        %swap3A_89 = tpu.vector_load %arg8[%swap3A_88] {strides = array<i32>} : memref<20224xf32, #tpu.memory_space<vmem>>, vector<16xf32>,
        tpu.vector_store %arg8[%swap3A_88], %broadcast_in_dim3A_87 {strides = array<i32>} : memref<20224xf32, #tpu.memory_space<vmem>>, vector<16xf32>,
        %broadcast_in_dim3A_90 = arith.constant 0xFF800000 : f32
        %broadcast_in_dim3A_91 = vector.broadcast %broadcast_in_dim3A_90 : f32 to vector<16xf32>
        %swap3A_92 = arith.constant 20080 : index
        %swap3A_93 = tpu.vector_load %arg8[%swap3A_92] {strides = array<i32>} : memref<20224xf32, #tpu.memory_space<vmem>>, vector<16xf32>,
        tpu.vector_store %arg8[%swap3A_92], %broadcast_in_dim3A_91 {strides = array<i32>} : memref<20224xf32, #tpu.memory_space<vmem>>, vector<16xf32>,
        %broadcast_in_dim3A_94 = arith.constant 0xFF800000 : f32
        %broadcast_in_dim3A_95 = vector.broadcast %broadcast_in_dim3A_94 : f32 to vector<16xf32>
        %swap3A_96 = arith.constant 20096 : index
        %swap3A_97 = tpu.vector_load %arg8[%swap3A_96] {strides = array<i32>} : memref<20224xf32, #tpu.memory_space<vmem>>, vector<16xf32>,
        tpu.vector_store %arg8[%swap3A_96], %broadcast_in_dim3A_95 {strides = array<i32>} : memref<20224xf32, #tpu.memory_space<vmem>>, vector<16xf32>,
        %broadcast_in_dim3A_98 = arith.constant 0xFF800000 : f32
        %broadcast_in_dim3A_99 = vector.broadcast %broadcast_in_dim3A_98 : f32 to vector<16xf32>
        %swap3A_100 = arith.constant 20112 : index
        %swap3A_101 = tpu.vector_load %arg8[%swap3A_100] {strides = array<i32>} : memref<20224xf32, #tpu.memory_space<vmem>>, vector<16xf32>,
        tpu.vector_store %arg8[%swap3A_100], %broadcast_in_dim3A_99 {strides = array<i32>} : memref<20224xf32, #tpu.memory_space<vmem>>, vector<16xf32>,
        %broadcast_in_dim3A_102 = arith.constant 0xFF800000 : f32
        %broadcast_in_dim3A_103 = vector.broadcast %broadcast_in_dim3A_102 : f32 to vector<16xf32>
        %swap3A_104 = arith.constant 20128 : index
        %swap3A_105 = tpu.vector_load %arg8[%swap3A_104] {strides = array<i32>} : memref<20224xf32, #tpu.memory_space<vmem>>, vector<16xf32>,
        tpu.vector_store %arg8[%swap3A_104], %broadcast_in_dim3A_103 {strides = array<i32>} : memref<20224xf32, #tpu.memory_space<vmem>>, vector<16xf32>,
        %broadcast_in_dim3A_106 = arith.constant 0xFF800000 : f32
        %broadcast_in_dim3A_107 = vector.broadcast %broadcast_in_dim3A_106 : f32 to vector<16xf32>
        %swap3A_108 = arith.constant 20144 : index
        %swap3A_109 = tpu.vector_load %arg8[%swap3A_108] {strides = array<i32>} : memref<20224xf32, #tpu.memory_space<vmem>>, vector<16xf32>,
        tpu.vector_store %arg8[%swap3A_108], %broadcast_in_dim3A_107 {strides = array<i32>} : memref<20224xf32, #tpu.memory_space<vmem>>, vector<16xf32>,
        %broadcast_in_dim3A_110 = arith.constant 0xFF800000 : f32
        %broadcast_in_dim3A_111 = vector.broadcast %broadcast_in_dim3A_110 : f32 to vector<16xf32>
        %swap3A_112 = arith.constant 20160 : index
        %swap3A_113 = tpu.vector_load %arg8[%swap3A_112] {strides = array<i32>} : memref<20224xf32, #tpu.memory_space<vmem>>, vector<16xf32>,
        tpu.vector_store %arg8[%swap3A_112], %broadcast_in_dim3A_111 {strides = array<i32>} : memref<20224xf32, #tpu.memory_space<vmem>>, vector<16xf32>,
        %broadcast_in_dim3A_114 = arith.constant 0xFF800000 : f32
        %broadcast_in_dim3A_115 = vector.broadcast %broadcast_in_dim3A_114 : f32 to vector<16xf32>
        %swap3A_116 = arith.constant 20176 : index
        %swap3A_117 = tpu.vector_load %arg8[%swap3A_116] {strides = array<i32>} : memref<20224xf32, #tpu.memory_space<vmem>>, vector<16xf32>,
        tpu.vector_store %arg8[%swap3A_116], %broadcast_in_dim3A_115 {strides = array<i32>} : memref<20224xf32, #tpu.memory_space<vmem>>, vector<16xf32>,
        %broadcast_in_dim3A_118 = arith.constant 0xFF800000 : f32
        %broadcast_in_dim3A_119 = vector.broadcast %broadcast_in_dim3A_118 : f32 to vector<16xf32>
        %swap3A_120 = arith.constant 20192 : index
        %swap3A_121 = tpu.vector_load %arg8[%swap3A_120] {strides = array<i32>} : memref<20224xf32, #tpu.memory_space<vmem>>, vector<16xf32>,
        tpu.vector_store %arg8[%swap3A_120], %broadcast_in_dim3A_119 {strides = array<i32>} : memref<20224xf32, #tpu.memory_space<vmem>>, vector<16xf32>,
        %broadcast_in_dim3A_122 = arith.constant 0xFF800000 : f32
        %broadcast_in_dim3A_123 = vector.broadcast %broadcast_in_dim3A_122 : f32 to vector<16xf32>
        %swap3A_124 = arith.constant 20208 : index
        %swap3A_125 = tpu.vector_load %arg8[%swap3A_124] {strides = array<i32>} : memref<20224xf32, #tpu.memory_space<vmem>>, vector<16xf32>,
        tpu.vector_store %arg8[%swap3A_124], %broadcast_in_dim3A_123 {strides = array<i32>} : memref<20224xf32, #tpu.memory_space<vmem>>, vector<16xf32>,
        %broadcast_in_dim3A_126 = arith.constant 0xFF800000 : f32
        %broadcast_in_dim3A_127 = vector.broadcast %broadcast_in_dim3A_126 : f32 to vector<16xf32>
        %swap3A_128 = arith.constant 1264 : index
        %swap3A_129 = tpu.vector_load %arg13[%swap3A_128] {strides = array<i32>} : memref<1280xf32, #tpu.memory_space<vmem>>, vector<16xf32>,
        tpu.vector_store %arg13[%swap3A_128], %broadcast_in_dim3A_127 {strides = array<i32>} : memref<1280xf32, #tpu.memory_space<vmem>>, vector<16xf32>,
        %scan3A_130 = arith.constant 0 : i32
        %scan3A_131 = arith.constant 0 : i32
        %scan3A_132 = arith.constant 19 : i32
        %scan3A_133 = arith.addi %scan3A_131, %scan3A_132 : i32
        %scan3A_134 = arith.constant 1 : i32
        %scan3A_135 = scf.for %scan3A_663 = %scan3A_131 to %scan3A_133 step %scan3A_134 iter_args(%scan3A_664 = %scan3A_130) -> (i32)  : i32 {
          %broadcast_in_dim3A_665 = arith.constant 3.000000e+38 : f32
          %broadcast_in_dim3A_666 = vector.broadcast %broadcast_in_dim3A_665 : f32 to vector<16xf32>
          %mul3A_667 = arith.constant 16 : i32
          %mul3A_668 = arith.muli %scan3A_663, %mul3A_667 : i32
          %swap3A_669 = arith.index_cast %mul3A_668 : i32 to index
          %swap3A_670 = tpu.vector_load %arg14[%swap3A_669] {strides = array<i32>} : memref<304xf32, #tpu.memory_space<vmem>>, vector<16xf32>,
          tpu.vector_store %arg14[%swap3A_669], %broadcast_in_dim3A_666 {strides = array<i32>} : memref<304xf32, #tpu.memory_space<vmem>>, vector<16xf32>,
          %broadcast_in_dim3A_671 = arith.constant 3.000000e+38 : f32
          %broadcast_in_dim3A_672 = vector.broadcast %broadcast_in_dim3A_671 : f32 to vector<16xf32>
          %mul3A_673 = arith.constant 16 : i32
          %mul3A_674 = arith.muli %scan3A_663, %mul3A_673 : i32
          %swap3A_675 = arith.index_cast %mul3A_674 : i32 to index
          %swap3A_676 = tpu.vector_load %arg15[%swap3A_675] {strides = array<i32>} : memref<304xf32, #tpu.memory_space<vmem>>, vector<16xf32>,
          tpu.vector_store %arg15[%swap3A_675], %broadcast_in_dim3A_672 {strides = array<i32>} : memref<304xf32, #tpu.memory_space<vmem>>, vector<16xf32>,
          %broadcast_in_dim3A_677 = arith.constant 3.000000e+38 : f32
          %broadcast_in_dim3A_678 = vector.broadcast %broadcast_in_dim3A_677 : f32 to vector<16xf32>
          %mul3A_679 = arith.constant 16 : i32
          %mul3A_680 = arith.muli %scan3A_663, %mul3A_679 : i32
          %swap3A_681 = arith.index_cast %mul3A_680 : i32 to index
          %swap3A_682 = tpu.vector_load %arg16[%swap3A_681] {strides = array<i32>} : memref<304xf32, #tpu.memory_space<vmem>>, vector<16xf32>,
          tpu.vector_store %arg16[%swap3A_681], %broadcast_in_dim3A_678 {strides = array<i32>} : memref<304xf32, #tpu.memory_space<vmem>>, vector<16xf32>,
          %broadcast_in_dim3A_683 = arith.constant 3.000000e+38 : f32
          %broadcast_in_dim3A_684 = vector.broadcast %broadcast_in_dim3A_683 : f32 to vector<16xf32>
          %mul3A_685 = arith.constant 16 : i32
          %mul3A_686 = arith.muli %scan3A_663, %mul3A_685 : i32
          %swap3A_687 = arith.index_cast %mul3A_686 : i32 to index
          %swap3A_688 = tpu.vector_load %arg17[%swap3A_687] {strides = array<i32>} : memref<304xf32, #tpu.memory_space<vmem>>, vector<16xf32>,
          tpu.vector_store %arg17[%swap3A_687], %broadcast_in_dim3A_684 {strides = array<i32>} : memref<304xf32, #tpu.memory_space<vmem>>, vector<16xf32>,
          %broadcast_in_dim3A_689 = arith.constant 3.000000e+38 : f32
          %broadcast_in_dim3A_690 = vector.broadcast %broadcast_in_dim3A_689 : f32 to vector<16xf32>
          %mul3A_691 = arith.constant 16 : i32
          %mul3A_692 = arith.muli %scan3A_663, %mul3A_691 : i32
          %swap3A_693 = arith.index_cast %mul3A_692 : i32 to index
          %swap3A_694 = tpu.vector_load %arg18[%swap3A_693] {strides = array<i32>} : memref<304xf32, #tpu.memory_space<vmem>>, vector<16xf32>,
          tpu.vector_store %arg18[%swap3A_693], %broadcast_in_dim3A_690 {strides = array<i32>} : memref<304xf32, #tpu.memory_space<vmem>>, vector<16xf32>,
          %scan3A_695 = arith.constant 0 : i32
          scf.yield %scan3A_695 : i32
        }
        %scan3A_136 = arith.constant 19 : i32
        %dma_wait3A = arith.constant 0 : i32
        %dma_wait3A_137 = tpu.memref_slice %arg8[%dma_wait3A] : memref<20224xf32, #tpu.memory_space<vmem>> -> memref<20000xf32, #tpu.memory_space<vmem>>
        %dma_wait3A_138 = tpu.memref_slice %arg2[%multiple_of3A] : memref<1600000xf32, #tpu.memory_space<hbm>> -> memref<20000xf32, #tpu.memory_space<hbm>>
        %dma_wait3A_139 = arith.constant 0 : i32
        %dma_wait3A_140 = tpu.memref_slice %arg8[%dma_wait3A_139] : memref<20224xf32, #tpu.memory_space<vmem>> -> memref<20000xf32, #tpu.memory_space<vmem>>
        %dma_wait3A_141 = tpu.memref_slice %arg2[%multiple_of3A] : memref<1600000xf32, #tpu.memory_space<hbm>> -> memref<20000xf32, #tpu.memory_space<hbm>>
        tpu.wait_dma2 semaphore(%arg22 : memref<!tpu.dma_semaphore, #tpu.memory_space<semaphore_mem>>) src(%dma_wait3A_141 : memref<20000xf32, #tpu.memory_space<hbm>>) dst(%dma_wait3A_140 : memref<20000xf32, #tpu.memory_space<vmem>>)
        %dma_wait3A_142 = tpu.memref_slice %arg3[%multiple_of3A_42] : memref<320000xf32, #tpu.memory_space<hbm>> -> memref<20000xf32, #tpu.memory_space<hbm>>
        %dma_wait3A_143 = tpu.memref_slice %arg3[%multiple_of3A_42] : memref<320000xf32, #tpu.memory_space<hbm>> -> memref<20000xf32, #tpu.memory_space<hbm>>
        tpu.wait_dma2 semaphore(%arg22 : memref<!tpu.dma_semaphore, #tpu.memory_space<semaphore_mem>>) src(%dma_wait3A_143 : memref<20000xf32, #tpu.memory_space<hbm>>) dst(%arg9 : memref<20000xf32, #tpu.memory_space<vmem>>)
        %dma_wait3A_144 = tpu.memref_slice %arg3[%multiple_of3A_51] : memref<320000xf32, #tpu.memory_space<hbm>> -> memref<20000xf32, #tpu.memory_space<hbm>>
        %dma_wait3A_145 = tpu.memref_slice %arg3[%multiple_of3A_51] : memref<320000xf32, #tpu.memory_space<hbm>> -> memref<20000xf32, #tpu.memory_space<hbm>>
        tpu.wait_dma2 semaphore(%arg22 : memref<!tpu.dma_semaphore, #tpu.memory_space<semaphore_mem>>) src(%dma_wait3A_145 : memref<20000xf32, #tpu.memory_space<hbm>>) dst(%arg10 : memref<20000xf32, #tpu.memory_space<vmem>>)
        %dma_wait3A_146 = tpu.memref_slice %arg3[%multiple_of3A_60] : memref<320000xf32, #tpu.memory_space<hbm>> -> memref<20000xf32, #tpu.memory_space<hbm>>
        %dma_wait3A_147 = tpu.memref_slice %arg3[%multiple_of3A_60] : memref<320000xf32, #tpu.memory_space<hbm>> -> memref<20000xf32, #tpu.memory_space<hbm>>
        tpu.wait_dma2 semaphore(%arg22 : memref<!tpu.dma_semaphore, #tpu.memory_space<semaphore_mem>>) src(%dma_wait3A_147 : memref<20000xf32, #tpu.memory_space<hbm>>) dst(%arg11 : memref<20000xf32, #tpu.memory_space<vmem>>)
        %dma_wait3A_148 = tpu.memref_slice %arg3[%multiple_of3A_69] : memref<320000xf32, #tpu.memory_space<hbm>> -> memref<20000xf32, #tpu.memory_space<hbm>>
        %dma_wait3A_149 = tpu.memref_slice %arg3[%multiple_of3A_69] : memref<320000xf32, #tpu.memory_space<hbm>> -> memref<20000xf32, #tpu.memory_space<hbm>>
        tpu.wait_dma2 semaphore(%arg22 : memref<!tpu.dma_semaphore, #tpu.memory_space<semaphore_mem>>) src(%dma_wait3A_149 : memref<20000xf32, #tpu.memory_space<hbm>>) dst(%arg12 : memref<20000xf32, #tpu.memory_space<vmem>>)
        %parallel_loop3A = arith.constant 0 : i32
        %parallel_loop3A_150 = arith.constant 79 : i32
        %parallel_loop3A_151 = arith.constant 1 : i32
        scf.for %parallel_loop3A_663 = %parallel_loop3A to %parallel_loop3A_150 step %parallel_loop3A_151  : i32 {
          %parallel_loop3A_664 = arith.constant 16 : i32
          %parallel_loop3A_665 = arith.muli %parallel_loop3A_663, %parallel_loop3A_664 : i32
          %parallel_loop3A_666 = vector.broadcast %parallel_loop3A_665 : i32 to vector<16xi32>
          %parallel_loop3A_667 = arith.addi %parallel_loop3A_666, %iota3A : vector<16xi32>
          %parallel_loop3A_668 = arith.constant 16 : i32
          %parallel_loop3A_669 = vector.broadcast %parallel_loop3A_668 : i32 to vector<16xi32>
          %parallel_loop3A_670 = arith.muli %parallel_loop3A_667, %parallel_loop3A_669 : vector<16xi32>
          %parallel_loop3A_671 = arith.constant 0xFF800000 : f32
          %parallel_loop3A_672 = vector.broadcast %parallel_loop3A_671 : f32 to vector<16xf32>
          %parallel_loop3A_673 = arith.constant 0 : i32
          %parallel_loop3A_674 = vector.broadcast %parallel_loop3A_673 : i32 to vector<16xi32>
          %parallel_loop3A_675 = arith.addi %parallel_loop3A_670, %parallel_loop3A_674 : vector<16xi32>
          %parallel_loop3A_676 = tpu.vector_load_idx %arg8[%parallel_loop3A_675] : memref<20224xf32, #tpu.memory_space<vmem>>[vector<16xi32>], vector<16xf32>,
          %parallel_loop3A_677 = arith.maximumf %parallel_loop3A_672, %parallel_loop3A_676 : vector<16xf32>
          %parallel_loop3A_678 = arith.constant 1 : i32
          %parallel_loop3A_679 = vector.broadcast %parallel_loop3A_678 : i32 to vector<16xi32>
          %parallel_loop3A_680 = arith.addi %parallel_loop3A_670, %parallel_loop3A_679 : vector<16xi32>
          %parallel_loop3A_681 = tpu.vector_load_idx %arg8[%parallel_loop3A_680] : memref<20224xf32, #tpu.memory_space<vmem>>[vector<16xi32>], vector<16xf32>,
          %parallel_loop3A_682 = arith.maximumf %parallel_loop3A_677, %parallel_loop3A_681 : vector<16xf32>
          %parallel_loop3A_683 = arith.constant 2 : i32
          %parallel_loop3A_684 = vector.broadcast %parallel_loop3A_683 : i32 to vector<16xi32>
          %parallel_loop3A_685 = arith.addi %parallel_loop3A_670, %parallel_loop3A_684 : vector<16xi32>
          %parallel_loop3A_686 = tpu.vector_load_idx %arg8[%parallel_loop3A_685] : memref<20224xf32, #tpu.memory_space<vmem>>[vector<16xi32>], vector<16xf32>,
          %parallel_loop3A_687 = arith.maximumf %parallel_loop3A_682, %parallel_loop3A_686 : vector<16xf32>
          %parallel_loop3A_688 = arith.constant 3 : i32
          %parallel_loop3A_689 = vector.broadcast %parallel_loop3A_688 : i32 to vector<16xi32>
          %parallel_loop3A_690 = arith.addi %parallel_loop3A_670, %parallel_loop3A_689 : vector<16xi32>
          %parallel_loop3A_691 = tpu.vector_load_idx %arg8[%parallel_loop3A_690] : memref<20224xf32, #tpu.memory_space<vmem>>[vector<16xi32>], vector<16xf32>,
          %parallel_loop3A_692 = arith.maximumf %parallel_loop3A_687, %parallel_loop3A_691 : vector<16xf32>
          %parallel_loop3A_693 = arith.constant 4 : i32
          %parallel_loop3A_694 = vector.broadcast %parallel_loop3A_693 : i32 to vector<16xi32>
          %parallel_loop3A_695 = arith.addi %parallel_loop3A_670, %parallel_loop3A_694 : vector<16xi32>
          %parallel_loop3A_696 = tpu.vector_load_idx %arg8[%parallel_loop3A_695] : memref<20224xf32, #tpu.memory_space<vmem>>[vector<16xi32>], vector<16xf32>,
          %parallel_loop3A_697 = arith.maximumf %parallel_loop3A_692, %parallel_loop3A_696 : vector<16xf32>
          %parallel_loop3A_698 = arith.constant 5 : i32
          %parallel_loop3A_699 = vector.broadcast %parallel_loop3A_698 : i32 to vector<16xi32>
          %parallel_loop3A_700 = arith.addi %parallel_loop3A_670, %parallel_loop3A_699 : vector<16xi32>
          %parallel_loop3A_701 = tpu.vector_load_idx %arg8[%parallel_loop3A_700] : memref<20224xf32, #tpu.memory_space<vmem>>[vector<16xi32>], vector<16xf32>,
          %parallel_loop3A_702 = arith.maximumf %parallel_loop3A_697, %parallel_loop3A_701 : vector<16xf32>
          %parallel_loop3A_703 = arith.constant 6 : i32
          %parallel_loop3A_704 = vector.broadcast %parallel_loop3A_703 : i32 to vector<16xi32>
          %parallel_loop3A_705 = arith.addi %parallel_loop3A_670, %parallel_loop3A_704 : vector<16xi32>
          %parallel_loop3A_706 = tpu.vector_load_idx %arg8[%parallel_loop3A_705] : memref<20224xf32, #tpu.memory_space<vmem>>[vector<16xi32>], vector<16xf32>,
          %parallel_loop3A_707 = arith.maximumf %parallel_loop3A_702, %parallel_loop3A_706 : vector<16xf32>
          %parallel_loop3A_708 = arith.constant 7 : i32
          %parallel_loop3A_709 = vector.broadcast %parallel_loop3A_708 : i32 to vector<16xi32>
          %parallel_loop3A_710 = arith.addi %parallel_loop3A_670, %parallel_loop3A_709 : vector<16xi32>
          %parallel_loop3A_711 = tpu.vector_load_idx %arg8[%parallel_loop3A_710] : memref<20224xf32, #tpu.memory_space<vmem>>[vector<16xi32>], vector<16xf32>,
          %parallel_loop3A_712 = arith.maximumf %parallel_loop3A_707, %parallel_loop3A_711 : vector<16xf32>
          %parallel_loop3A_713 = arith.constant 8 : i32
          %parallel_loop3A_714 = vector.broadcast %parallel_loop3A_713 : i32 to vector<16xi32>
          %parallel_loop3A_715 = arith.addi %parallel_loop3A_670, %parallel_loop3A_714 : vector<16xi32>
          %parallel_loop3A_716 = tpu.vector_load_idx %arg8[%parallel_loop3A_715] : memref<20224xf32, #tpu.memory_space<vmem>>[vector<16xi32>], vector<16xf32>,
          %parallel_loop3A_717 = arith.maximumf %parallel_loop3A_712, %parallel_loop3A_716 : vector<16xf32>
          %parallel_loop3A_718 = arith.constant 9 : i32
          %parallel_loop3A_719 = vector.broadcast %parallel_loop3A_718 : i32 to vector<16xi32>
          %parallel_loop3A_720 = arith.addi %parallel_loop3A_670, %parallel_loop3A_719 : vector<16xi32>
          %parallel_loop3A_721 = tpu.vector_load_idx %arg8[%parallel_loop3A_720] : memref<20224xf32, #tpu.memory_space<vmem>>[vector<16xi32>], vector<16xf32>,
          %parallel_loop3A_722 = arith.maximumf %parallel_loop3A_717, %parallel_loop3A_721 : vector<16xf32>
          %parallel_loop3A_723 = arith.constant 10 : i32
          %parallel_loop3A_724 = vector.broadcast %parallel_loop3A_723 : i32 to vector<16xi32>
          %parallel_loop3A_725 = arith.addi %parallel_loop3A_670, %parallel_loop3A_724 : vector<16xi32>
          %parallel_loop3A_726 = tpu.vector_load_idx %arg8[%parallel_loop3A_725] : memref<20224xf32, #tpu.memory_space<vmem>>[vector<16xi32>], vector<16xf32>,
          %parallel_loop3A_727 = arith.maximumf %parallel_loop3A_722, %parallel_loop3A_726 : vector<16xf32>
          %parallel_loop3A_728 = arith.constant 11 : i32
          %parallel_loop3A_729 = vector.broadcast %parallel_loop3A_728 : i32 to vector<16xi32>
          %parallel_loop3A_730 = arith.addi %parallel_loop3A_670, %parallel_loop3A_729 : vector<16xi32>
          %parallel_loop3A_731 = tpu.vector_load_idx %arg8[%parallel_loop3A_730] : memref<20224xf32, #tpu.memory_space<vmem>>[vector<16xi32>], vector<16xf32>,
          %parallel_loop3A_732 = arith.maximumf %parallel_loop3A_727, %parallel_loop3A_731 : vector<16xf32>
          %parallel_loop3A_733 = arith.constant 12 : i32
          %parallel_loop3A_734 = vector.broadcast %parallel_loop3A_733 : i32 to vector<16xi32>
          %parallel_loop3A_735 = arith.addi %parallel_loop3A_670, %parallel_loop3A_734 : vector<16xi32>
          %parallel_loop3A_736 = tpu.vector_load_idx %arg8[%parallel_loop3A_735] : memref<20224xf32, #tpu.memory_space<vmem>>[vector<16xi32>], vector<16xf32>,
          %parallel_loop3A_737 = arith.maximumf %parallel_loop3A_732, %parallel_loop3A_736 : vector<16xf32>
          %parallel_loop3A_738 = arith.constant 13 : i32
          %parallel_loop3A_739 = vector.broadcast %parallel_loop3A_738 : i32 to vector<16xi32>
          %parallel_loop3A_740 = arith.addi %parallel_loop3A_670, %parallel_loop3A_739 : vector<16xi32>
          %parallel_loop3A_741 = tpu.vector_load_idx %arg8[%parallel_loop3A_740] : memref<20224xf32, #tpu.memory_space<vmem>>[vector<16xi32>], vector<16xf32>,
          %parallel_loop3A_742 = arith.maximumf %parallel_loop3A_737, %parallel_loop3A_741 : vector<16xf32>
          %parallel_loop3A_743 = arith.constant 14 : i32
          %parallel_loop3A_744 = vector.broadcast %parallel_loop3A_743 : i32 to vector<16xi32>
          %parallel_loop3A_745 = arith.addi %parallel_loop3A_670, %parallel_loop3A_744 : vector<16xi32>
          %parallel_loop3A_746 = tpu.vector_load_idx %arg8[%parallel_loop3A_745] : memref<20224xf32, #tpu.memory_space<vmem>>[vector<16xi32>], vector<16xf32>,
          %parallel_loop3A_747 = arith.maximumf %parallel_loop3A_742, %parallel_loop3A_746 : vector<16xf32>
          %parallel_loop3A_748 = arith.constant 15 : i32
          %parallel_loop3A_749 = vector.broadcast %parallel_loop3A_748 : i32 to vector<16xi32>
          %parallel_loop3A_750 = arith.addi %parallel_loop3A_670, %parallel_loop3A_749 : vector<16xi32>
          %parallel_loop3A_751 = tpu.vector_load_idx %arg8[%parallel_loop3A_750] : memref<20224xf32, #tpu.memory_space<vmem>>[vector<16xi32>], vector<16xf32>,
          %parallel_loop3A_752 = arith.maximumf %parallel_loop3A_747, %parallel_loop3A_751 : vector<16xf32>
          %parallel_loop3A_753 = arith.constant 5.000000e-02 : f32
          %parallel_loop3A_754 = vector.broadcast %parallel_loop3A_753 : f32 to vector<16xf32>
          %parallel_loop3A_755 = arith.cmpf ogt, %parallel_loop3A_752, %parallel_loop3A_754 : vector<16xf32>
          %parallel_loop3A_756 = arith.constant 0xFF800000 : f32
          %parallel_loop3A_757 = vector.broadcast %parallel_loop3A_756 : f32 to vector<16xf32>
          %parallel_loop3A_758 = arith.select %parallel_loop3A_755, %parallel_loop3A_752, %parallel_loop3A_757 : vector<16xi1>, vector<16xf32>
          %parallel_loop3A_759 = arith.constant 16 : i32
          %parallel_loop3A_760 = arith.muli %parallel_loop3A_663, %parallel_loop3A_759 : i32
          %parallel_loop3A_761 = arith.index_cast %parallel_loop3A_760 : i32 to index
          %parallel_loop3A_762 = tpu.vector_load %arg13[%parallel_loop3A_761] {strides = array<i32>} : memref<1280xf32, #tpu.memory_space<vmem>>, vector<16xf32>,
          tpu.vector_store %arg13[%parallel_loop3A_761], %parallel_loop3A_758 {strides = array<i32>} : memref<1280xf32, #tpu.memory_space<vmem>>, vector<16xf32>,
        } {sc.loop_unroll_factor = 2 : i64, sc.parallel_access}
        %add3A_152 = arith.constant 0 : i32
        %add3A_153 = vector.broadcast %add3A_152 : i32 to vector<16xi32>
        %add3A_154 = arith.addi %add3A_153, %iota3A : vector<16xi32>
        %mul3A_155 = arith.constant 16 : i32
        %mul3A_156 = vector.broadcast %mul3A_155 : i32 to vector<16xi32>
        %mul3A_157 = arith.muli %add3A_154, %mul3A_156 : vector<16xi32>
        %broadcast_in_dim3A_158 = arith.constant 0xFF800000 : f32
        %broadcast_in_dim3A_159 = vector.broadcast %broadcast_in_dim3A_158 : f32 to vector<16xf32>
        %add3A_160 = arith.constant 0 : i32
        %add3A_161 = vector.broadcast %add3A_160 : i32 to vector<16xi32>
        %add3A_162 = arith.addi %mul3A_157, %add3A_161 : vector<16xi32>
        %gather3A = tpu.vector_load_idx %arg13[%add3A_162] : memref<1280xf32, #tpu.memory_space<vmem>>[vector<16xi32>], vector<16xf32>,
        %max3A = arith.maximumf %broadcast_in_dim3A_159, %gather3A : vector<16xf32>
        %add3A_163 = arith.constant 1 : i32
        %add3A_164 = vector.broadcast %add3A_163 : i32 to vector<16xi32>
        %add3A_165 = arith.addi %mul3A_157, %add3A_164 : vector<16xi32>
        %gather3A_166 = tpu.vector_load_idx %arg13[%add3A_165] : memref<1280xf32, #tpu.memory_space<vmem>>[vector<16xi32>], vector<16xf32>,
        %max3A_167 = arith.maximumf %max3A, %gather3A_166 : vector<16xf32>
        %add3A_168 = arith.constant 2 : i32
        %add3A_169 = vector.broadcast %add3A_168 : i32 to vector<16xi32>
        %add3A_170 = arith.addi %mul3A_157, %add3A_169 : vector<16xi32>
        %gather3A_171 = tpu.vector_load_idx %arg13[%add3A_170] : memref<1280xf32, #tpu.memory_space<vmem>>[vector<16xi32>], vector<16xf32>,
        %max3A_172 = arith.maximumf %max3A_167, %gather3A_171 : vector<16xf32>
        %add3A_173 = arith.constant 3 : i32
        %add3A_174 = vector.broadcast %add3A_173 : i32 to vector<16xi32>
        %add3A_175 = arith.addi %mul3A_157, %add3A_174 : vector<16xi32>
        %gather3A_176 = tpu.vector_load_idx %arg13[%add3A_175] : memref<1280xf32, #tpu.memory_space<vmem>>[vector<16xi32>], vector<16xf32>,
        %max3A_177 = arith.maximumf %max3A_172, %gather3A_176 : vector<16xf32>
        %add3A_178 = arith.constant 4 : i32
        %add3A_179 = vector.broadcast %add3A_178 : i32 to vector<16xi32>
        %add3A_180 = arith.addi %mul3A_157, %add3A_179 : vector<16xi32>
        %gather3A_181 = tpu.vector_load_idx %arg13[%add3A_180] : memref<1280xf32, #tpu.memory_space<vmem>>[vector<16xi32>], vector<16xf32>,
        %max3A_182 = arith.maximumf %max3A_177, %gather3A_181 : vector<16xf32>
        %add3A_183 = arith.constant 5 : i32
        %add3A_184 = vector.broadcast %add3A_183 : i32 to vector<16xi32>
        %add3A_185 = arith.addi %mul3A_157, %add3A_184 : vector<16xi32>
        %gather3A_186 = tpu.vector_load_idx %arg13[%add3A_185] : memref<1280xf32, #tpu.memory_space<vmem>>[vector<16xi32>], vector<16xf32>,
        %max3A_187 = arith.maximumf %max3A_182, %gather3A_186 : vector<16xf32>
        %add3A_188 = arith.constant 6 : i32
        %add3A_189 = vector.broadcast %add3A_188 : i32 to vector<16xi32>
        %add3A_190 = arith.addi %mul3A_157, %add3A_189 : vector<16xi32>
        %gather3A_191 = tpu.vector_load_idx %arg13[%add3A_190] : memref<1280xf32, #tpu.memory_space<vmem>>[vector<16xi32>], vector<16xf32>,
        %max3A_192 = arith.maximumf %max3A_187, %gather3A_191 : vector<16xf32>
        %add3A_193 = arith.constant 7 : i32
        %add3A_194 = vector.broadcast %add3A_193 : i32 to vector<16xi32>
        %add3A_195 = arith.addi %mul3A_157, %add3A_194 : vector<16xi32>
        %gather3A_196 = tpu.vector_load_idx %arg13[%add3A_195] : memref<1280xf32, #tpu.memory_space<vmem>>[vector<16xi32>], vector<16xf32>,
        %max3A_197 = arith.maximumf %max3A_192, %gather3A_196 : vector<16xf32>
        %add3A_198 = arith.constant 8 : i32
        %add3A_199 = vector.broadcast %add3A_198 : i32 to vector<16xi32>
        %add3A_200 = arith.addi %mul3A_157, %add3A_199 : vector<16xi32>
        %gather3A_201 = tpu.vector_load_idx %arg13[%add3A_200] : memref<1280xf32, #tpu.memory_space<vmem>>[vector<16xi32>], vector<16xf32>,
        %max3A_202 = arith.maximumf %max3A_197, %gather3A_201 : vector<16xf32>
        %add3A_203 = arith.constant 9 : i32
        %add3A_204 = vector.broadcast %add3A_203 : i32 to vector<16xi32>
        %add3A_205 = arith.addi %mul3A_157, %add3A_204 : vector<16xi32>
        %gather3A_206 = tpu.vector_load_idx %arg13[%add3A_205] : memref<1280xf32, #tpu.memory_space<vmem>>[vector<16xi32>], vector<16xf32>,
        %max3A_207 = arith.maximumf %max3A_202, %gather3A_206 : vector<16xf32>
        %add3A_208 = arith.constant 10 : i32
        %add3A_209 = vector.broadcast %add3A_208 : i32 to vector<16xi32>
        %add3A_210 = arith.addi %mul3A_157, %add3A_209 : vector<16xi32>
        %gather3A_211 = tpu.vector_load_idx %arg13[%add3A_210] : memref<1280xf32, #tpu.memory_space<vmem>>[vector<16xi32>], vector<16xf32>,
        %max3A_212 = arith.maximumf %max3A_207, %gather3A_211 : vector<16xf32>
        %add3A_213 = arith.constant 11 : i32
        %add3A_214 = vector.broadcast %add3A_213 : i32 to vector<16xi32>
        %add3A_215 = arith.addi %mul3A_157, %add3A_214 : vector<16xi32>
        %gather3A_216 = tpu.vector_load_idx %arg13[%add3A_215] : memref<1280xf32, #tpu.memory_space<vmem>>[vector<16xi32>], vector<16xf32>,
        %max3A_217 = arith.maximumf %max3A_212, %gather3A_216 : vector<16xf32>
        %add3A_218 = arith.constant 12 : i32
        %add3A_219 = vector.broadcast %add3A_218 : i32 to vector<16xi32>
        %add3A_220 = arith.addi %mul3A_157, %add3A_219 : vector<16xi32>
        %gather3A_221 = tpu.vector_load_idx %arg13[%add3A_220] : memref<1280xf32, #tpu.memory_space<vmem>>[vector<16xi32>], vector<16xf32>,
        %max3A_222 = arith.maximumf %max3A_217, %gather3A_221 : vector<16xf32>
        %add3A_223 = arith.constant 13 : i32
        %add3A_224 = vector.broadcast %add3A_223 : i32 to vector<16xi32>
        %add3A_225 = arith.addi %mul3A_157, %add3A_224 : vector<16xi32>
        %gather3A_226 = tpu.vector_load_idx %arg13[%add3A_225] : memref<1280xf32, #tpu.memory_space<vmem>>[vector<16xi32>], vector<16xf32>,
        %max3A_227 = arith.maximumf %max3A_222, %gather3A_226 : vector<16xf32>
        %add3A_228 = arith.constant 14 : i32
        %add3A_229 = vector.broadcast %add3A_228 : i32 to vector<16xi32>
        %add3A_230 = arith.addi %mul3A_157, %add3A_229 : vector<16xi32>
        %gather3A_231 = tpu.vector_load_idx %arg13[%add3A_230] : memref<1280xf32, #tpu.memory_space<vmem>>[vector<16xi32>], vector<16xf32>,
        %max3A_232 = arith.maximumf %max3A_227, %gather3A_231 : vector<16xf32>
        %add3A_233 = arith.constant 15 : i32
        %add3A_234 = vector.broadcast %add3A_233 : i32 to vector<16xi32>
        %add3A_235 = arith.addi %mul3A_157, %add3A_234 : vector<16xi32>
        %gather3A_236 = tpu.vector_load_idx %arg13[%add3A_235] : memref<1280xf32, #tpu.memory_space<vmem>>[vector<16xi32>], vector<16xf32>,
        %max3A_237 = arith.maximumf %max3A_232, %gather3A_236 : vector<16xf32>
        %add3A_238 = arith.constant 16 : i32
        %add3A_239 = vector.broadcast %add3A_238 : i32 to vector<16xi32>
        %add3A_240 = arith.addi %add3A_239, %iota3A : vector<16xi32>
        %mul3A_241 = arith.constant 16 : i32
        %mul3A_242 = vector.broadcast %mul3A_241 : i32 to vector<16xi32>
        %mul3A_243 = arith.muli %add3A_240, %mul3A_242 : vector<16xi32>
        %broadcast_in_dim3A_244 = arith.constant 0xFF800000 : f32
        %broadcast_in_dim3A_245 = vector.broadcast %broadcast_in_dim3A_244 : f32 to vector<16xf32>
        %add3A_246 = arith.constant 0 : i32
        %add3A_247 = vector.broadcast %add3A_246 : i32 to vector<16xi32>
        %add3A_248 = arith.addi %mul3A_243, %add3A_247 : vector<16xi32>
        %gather3A_249 = tpu.vector_load_idx %arg13[%add3A_248] : memref<1280xf32, #tpu.memory_space<vmem>>[vector<16xi32>], vector<16xf32>,
        %max3A_250 = arith.maximumf %broadcast_in_dim3A_245, %gather3A_249 : vector<16xf32>
        %add3A_251 = arith.constant 1 : i32
        %add3A_252 = vector.broadcast %add3A_251 : i32 to vector<16xi32>
        %add3A_253 = arith.addi %mul3A_243, %add3A_252 : vector<16xi32>
        %gather3A_254 = tpu.vector_load_idx %arg13[%add3A_253] : memref<1280xf32, #tpu.memory_space<vmem>>[vector<16xi32>], vector<16xf32>,
        %max3A_255 = arith.maximumf %max3A_250, %gather3A_254 : vector<16xf32>
        %add3A_256 = arith.constant 2 : i32
        %add3A_257 = vector.broadcast %add3A_256 : i32 to vector<16xi32>
        %add3A_258 = arith.addi %mul3A_243, %add3A_257 : vector<16xi32>
        %gather3A_259 = tpu.vector_load_idx %arg13[%add3A_258] : memref<1280xf32, #tpu.memory_space<vmem>>[vector<16xi32>], vector<16xf32>,
        %max3A_260 = arith.maximumf %max3A_255, %gather3A_259 : vector<16xf32>
        %add3A_261 = arith.constant 3 : i32
        %add3A_262 = vector.broadcast %add3A_261 : i32 to vector<16xi32>
        %add3A_263 = arith.addi %mul3A_243, %add3A_262 : vector<16xi32>
        %gather3A_264 = tpu.vector_load_idx %arg13[%add3A_263] : memref<1280xf32, #tpu.memory_space<vmem>>[vector<16xi32>], vector<16xf32>,
        %max3A_265 = arith.maximumf %max3A_260, %gather3A_264 : vector<16xf32>
        %add3A_266 = arith.constant 4 : i32
        %add3A_267 = vector.broadcast %add3A_266 : i32 to vector<16xi32>
        %add3A_268 = arith.addi %mul3A_243, %add3A_267 : vector<16xi32>
        %gather3A_269 = tpu.vector_load_idx %arg13[%add3A_268] : memref<1280xf32, #tpu.memory_space<vmem>>[vector<16xi32>], vector<16xf32>,
        %max3A_270 = arith.maximumf %max3A_265, %gather3A_269 : vector<16xf32>
        %add3A_271 = arith.constant 5 : i32
        %add3A_272 = vector.broadcast %add3A_271 : i32 to vector<16xi32>
        %add3A_273 = arith.addi %mul3A_243, %add3A_272 : vector<16xi32>
        %gather3A_274 = tpu.vector_load_idx %arg13[%add3A_273] : memref<1280xf32, #tpu.memory_space<vmem>>[vector<16xi32>], vector<16xf32>,
        %max3A_275 = arith.maximumf %max3A_270, %gather3A_274 : vector<16xf32>
        %add3A_276 = arith.constant 6 : i32
        %add3A_277 = vector.broadcast %add3A_276 : i32 to vector<16xi32>
        %add3A_278 = arith.addi %mul3A_243, %add3A_277 : vector<16xi32>
        %gather3A_279 = tpu.vector_load_idx %arg13[%add3A_278] : memref<1280xf32, #tpu.memory_space<vmem>>[vector<16xi32>], vector<16xf32>,
        %max3A_280 = arith.maximumf %max3A_275, %gather3A_279 : vector<16xf32>
        %add3A_281 = arith.constant 7 : i32
        %add3A_282 = vector.broadcast %add3A_281 : i32 to vector<16xi32>
        %add3A_283 = arith.addi %mul3A_243, %add3A_282 : vector<16xi32>
        %gather3A_284 = tpu.vector_load_idx %arg13[%add3A_283] : memref<1280xf32, #tpu.memory_space<vmem>>[vector<16xi32>], vector<16xf32>,
        %max3A_285 = arith.maximumf %max3A_280, %gather3A_284 : vector<16xf32>
        %add3A_286 = arith.constant 8 : i32
        %add3A_287 = vector.broadcast %add3A_286 : i32 to vector<16xi32>
        %add3A_288 = arith.addi %mul3A_243, %add3A_287 : vector<16xi32>
        %gather3A_289 = tpu.vector_load_idx %arg13[%add3A_288] : memref<1280xf32, #tpu.memory_space<vmem>>[vector<16xi32>], vector<16xf32>,
        %max3A_290 = arith.maximumf %max3A_285, %gather3A_289 : vector<16xf32>
        %add3A_291 = arith.constant 9 : i32
        %add3A_292 = vector.broadcast %add3A_291 : i32 to vector<16xi32>
        %add3A_293 = arith.addi %mul3A_243, %add3A_292 : vector<16xi32>
        %gather3A_294 = tpu.vector_load_idx %arg13[%add3A_293] : memref<1280xf32, #tpu.memory_space<vmem>>[vector<16xi32>], vector<16xf32>,
        %max3A_295 = arith.maximumf %max3A_290, %gather3A_294 : vector<16xf32>
        %add3A_296 = arith.constant 10 : i32
        %add3A_297 = vector.broadcast %add3A_296 : i32 to vector<16xi32>
        %add3A_298 = arith.addi %mul3A_243, %add3A_297 : vector<16xi32>
        %gather3A_299 = tpu.vector_load_idx %arg13[%add3A_298] : memref<1280xf32, #tpu.memory_space<vmem>>[vector<16xi32>], vector<16xf32>,
        %max3A_300 = arith.maximumf %max3A_295, %gather3A_299 : vector<16xf32>
        %add3A_301 = arith.constant 11 : i32
        %add3A_302 = vector.broadcast %add3A_301 : i32 to vector<16xi32>
        %add3A_303 = arith.addi %mul3A_243, %add3A_302 : vector<16xi32>
        %gather3A_304 = tpu.vector_load_idx %arg13[%add3A_303] : memref<1280xf32, #tpu.memory_space<vmem>>[vector<16xi32>], vector<16xf32>,
        %max3A_305 = arith.maximumf %max3A_300, %gather3A_304 : vector<16xf32>
        %add3A_306 = arith.constant 12 : i32
        %add3A_307 = vector.broadcast %add3A_306 : i32 to vector<16xi32>
        %add3A_308 = arith.addi %mul3A_243, %add3A_307 : vector<16xi32>
        %gather3A_309 = tpu.vector_load_idx %arg13[%add3A_308] : memref<1280xf32, #tpu.memory_space<vmem>>[vector<16xi32>], vector<16xf32>,
        %max3A_310 = arith.maximumf %max3A_305, %gather3A_309 : vector<16xf32>
        %add3A_311 = arith.constant 13 : i32
        %add3A_312 = vector.broadcast %add3A_311 : i32 to vector<16xi32>
        %add3A_313 = arith.addi %mul3A_243, %add3A_312 : vector<16xi32>
        %gather3A_314 = tpu.vector_load_idx %arg13[%add3A_313] : memref<1280xf32, #tpu.memory_space<vmem>>[vector<16xi32>], vector<16xf32>,
        %max3A_315 = arith.maximumf %max3A_310, %gather3A_314 : vector<16xf32>
        %add3A_316 = arith.constant 14 : i32
        %add3A_317 = vector.broadcast %add3A_316 : i32 to vector<16xi32>
        %add3A_318 = arith.addi %mul3A_243, %add3A_317 : vector<16xi32>
        %gather3A_319 = tpu.vector_load_idx %arg13[%add3A_318] : memref<1280xf32, #tpu.memory_space<vmem>>[vector<16xi32>], vector<16xf32>,
        %max3A_320 = arith.maximumf %max3A_315, %gather3A_319 : vector<16xf32>
        %add3A_321 = arith.constant 15 : i32
        %add3A_322 = vector.broadcast %add3A_321 : i32 to vector<16xi32>
        %add3A_323 = arith.addi %mul3A_243, %add3A_322 : vector<16xi32>
        %gather3A_324 = tpu.vector_load_idx %arg13[%add3A_323] : memref<1280xf32, #tpu.memory_space<vmem>>[vector<16xi32>], vector<16xf32>,
        %max3A_325 = arith.maximumf %max3A_320, %gather3A_324 : vector<16xf32>
        %add3A_326 = arith.constant 32 : i32
        %add3A_327 = vector.broadcast %add3A_326 : i32 to vector<16xi32>
        %add3A_328 = arith.addi %add3A_327, %iota3A : vector<16xi32>
        %mul3A_329 = arith.constant 16 : i32
        %mul3A_330 = vector.broadcast %mul3A_329 : i32 to vector<16xi32>
        %mul3A_331 = arith.muli %add3A_328, %mul3A_330 : vector<16xi32>
        %broadcast_in_dim3A_332 = arith.constant 0xFF800000 : f32
        %broadcast_in_dim3A_333 = vector.broadcast %broadcast_in_dim3A_332 : f32 to vector<16xf32>
        %add3A_334 = arith.constant 0 : i32
        %add3A_335 = vector.broadcast %add3A_334 : i32 to vector<16xi32>
        %add3A_336 = arith.addi %mul3A_331, %add3A_335 : vector<16xi32>
        %gather3A_337 = tpu.vector_load_idx %arg13[%add3A_336] : memref<1280xf32, #tpu.memory_space<vmem>>[vector<16xi32>], vector<16xf32>,
        %max3A_338 = arith.maximumf %broadcast_in_dim3A_333, %gather3A_337 : vector<16xf32>
        %add3A_339 = arith.constant 1 : i32
        %add3A_340 = vector.broadcast %add3A_339 : i32 to vector<16xi32>
        %add3A_341 = arith.addi %mul3A_331, %add3A_340 : vector<16xi32>
        %gather3A_342 = tpu.vector_load_idx %arg13[%add3A_341] : memref<1280xf32, #tpu.memory_space<vmem>>[vector<16xi32>], vector<16xf32>,
        %max3A_343 = arith.maximumf %max3A_338, %gather3A_342 : vector<16xf32>
        %add3A_344 = arith.constant 2 : i32
        %add3A_345 = vector.broadcast %add3A_344 : i32 to vector<16xi32>
        %add3A_346 = arith.addi %mul3A_331, %add3A_345 : vector<16xi32>
        %gather3A_347 = tpu.vector_load_idx %arg13[%add3A_346] : memref<1280xf32, #tpu.memory_space<vmem>>[vector<16xi32>], vector<16xf32>,
        %max3A_348 = arith.maximumf %max3A_343, %gather3A_347 : vector<16xf32>
        %add3A_349 = arith.constant 3 : i32
        %add3A_350 = vector.broadcast %add3A_349 : i32 to vector<16xi32>
        %add3A_351 = arith.addi %mul3A_331, %add3A_350 : vector<16xi32>
        %gather3A_352 = tpu.vector_load_idx %arg13[%add3A_351] : memref<1280xf32, #tpu.memory_space<vmem>>[vector<16xi32>], vector<16xf32>,
        %max3A_353 = arith.maximumf %max3A_348, %gather3A_352 : vector<16xf32>
        %add3A_354 = arith.constant 4 : i32
        %add3A_355 = vector.broadcast %add3A_354 : i32 to vector<16xi32>
        %add3A_356 = arith.addi %mul3A_331, %add3A_355 : vector<16xi32>
        %gather3A_357 = tpu.vector_load_idx %arg13[%add3A_356] : memref<1280xf32, #tpu.memory_space<vmem>>[vector<16xi32>], vector<16xf32>,
        %max3A_358 = arith.maximumf %max3A_353, %gather3A_357 : vector<16xf32>
        %add3A_359 = arith.constant 5 : i32
        %add3A_360 = vector.broadcast %add3A_359 : i32 to vector<16xi32>
        %add3A_361 = arith.addi %mul3A_331, %add3A_360 : vector<16xi32>
        %gather3A_362 = tpu.vector_load_idx %arg13[%add3A_361] : memref<1280xf32, #tpu.memory_space<vmem>>[vector<16xi32>], vector<16xf32>,
        %max3A_363 = arith.maximumf %max3A_358, %gather3A_362 : vector<16xf32>
        %add3A_364 = arith.constant 6 : i32
        %add3A_365 = vector.broadcast %add3A_364 : i32 to vector<16xi32>
        %add3A_366 = arith.addi %mul3A_331, %add3A_365 : vector<16xi32>
        %gather3A_367 = tpu.vector_load_idx %arg13[%add3A_366] : memref<1280xf32, #tpu.memory_space<vmem>>[vector<16xi32>], vector<16xf32>,
        %max3A_368 = arith.maximumf %max3A_363, %gather3A_367 : vector<16xf32>
        %add3A_369 = arith.constant 7 : i32
        %add3A_370 = vector.broadcast %add3A_369 : i32 to vector<16xi32>
        %add3A_371 = arith.addi %mul3A_331, %add3A_370 : vector<16xi32>
        %gather3A_372 = tpu.vector_load_idx %arg13[%add3A_371] : memref<1280xf32, #tpu.memory_space<vmem>>[vector<16xi32>], vector<16xf32>,
        %max3A_373 = arith.maximumf %max3A_368, %gather3A_372 : vector<16xf32>
        %add3A_374 = arith.constant 8 : i32
        %add3A_375 = vector.broadcast %add3A_374 : i32 to vector<16xi32>
        %add3A_376 = arith.addi %mul3A_331, %add3A_375 : vector<16xi32>
        %gather3A_377 = tpu.vector_load_idx %arg13[%add3A_376] : memref<1280xf32, #tpu.memory_space<vmem>>[vector<16xi32>], vector<16xf32>,
        %max3A_378 = arith.maximumf %max3A_373, %gather3A_377 : vector<16xf32>
        %add3A_379 = arith.constant 9 : i32
        %add3A_380 = vector.broadcast %add3A_379 : i32 to vector<16xi32>
        %add3A_381 = arith.addi %mul3A_331, %add3A_380 : vector<16xi32>
        %gather3A_382 = tpu.vector_load_idx %arg13[%add3A_381] : memref<1280xf32, #tpu.memory_space<vmem>>[vector<16xi32>], vector<16xf32>,
        %max3A_383 = arith.maximumf %max3A_378, %gather3A_382 : vector<16xf32>
        %add3A_384 = arith.constant 10 : i32
        %add3A_385 = vector.broadcast %add3A_384 : i32 to vector<16xi32>
        %add3A_386 = arith.addi %mul3A_331, %add3A_385 : vector<16xi32>
        %gather3A_387 = tpu.vector_load_idx %arg13[%add3A_386] : memref<1280xf32, #tpu.memory_space<vmem>>[vector<16xi32>], vector<16xf32>,
        %max3A_388 = arith.maximumf %max3A_383, %gather3A_387 : vector<16xf32>
        %add3A_389 = arith.constant 11 : i32
        %add3A_390 = vector.broadcast %add3A_389 : i32 to vector<16xi32>
        %add3A_391 = arith.addi %mul3A_331, %add3A_390 : vector<16xi32>
        %gather3A_392 = tpu.vector_load_idx %arg13[%add3A_391] : memref<1280xf32, #tpu.memory_space<vmem>>[vector<16xi32>], vector<16xf32>,
        %max3A_393 = arith.maximumf %max3A_388, %gather3A_392 : vector<16xf32>
        %add3A_394 = arith.constant 12 : i32
        %add3A_395 = vector.broadcast %add3A_394 : i32 to vector<16xi32>
        %add3A_396 = arith.addi %mul3A_331, %add3A_395 : vector<16xi32>
        %gather3A_397 = tpu.vector_load_idx %arg13[%add3A_396] : memref<1280xf32, #tpu.memory_space<vmem>>[vector<16xi32>], vector<16xf32>,
        %max3A_398 = arith.maximumf %max3A_393, %gather3A_397 : vector<16xf32>
        %add3A_399 = arith.constant 13 : i32
        %add3A_400 = vector.broadcast %add3A_399 : i32 to vector<16xi32>
        %add3A_401 = arith.addi %mul3A_331, %add3A_400 : vector<16xi32>
        %gather3A_402 = tpu.vector_load_idx %arg13[%add3A_401] : memref<1280xf32, #tpu.memory_space<vmem>>[vector<16xi32>], vector<16xf32>,
        %max3A_403 = arith.maximumf %max3A_398, %gather3A_402 : vector<16xf32>
        %add3A_404 = arith.constant 14 : i32
        %add3A_405 = vector.broadcast %add3A_404 : i32 to vector<16xi32>
        %add3A_406 = arith.addi %mul3A_331, %add3A_405 : vector<16xi32>
        %gather3A_407 = tpu.vector_load_idx %arg13[%add3A_406] : memref<1280xf32, #tpu.memory_space<vmem>>[vector<16xi32>], vector<16xf32>,
        %max3A_408 = arith.maximumf %max3A_403, %gather3A_407 : vector<16xf32>
        %add3A_409 = arith.constant 15 : i32
        %add3A_410 = vector.broadcast %add3A_409 : i32 to vector<16xi32>
        %add3A_411 = arith.addi %mul3A_331, %add3A_410 : vector<16xi32>
        %gather3A_412 = tpu.vector_load_idx %arg13[%add3A_411] : memref<1280xf32, #tpu.memory_space<vmem>>[vector<16xi32>], vector<16xf32>,
        %max3A_413 = arith.maximumf %max3A_408, %gather3A_412 : vector<16xf32>
        %add3A_414 = arith.constant 48 : i32
        %add3A_415 = vector.broadcast %add3A_414 : i32 to vector<16xi32>
        %add3A_416 = arith.addi %add3A_415, %iota3A : vector<16xi32>
        %mul3A_417 = arith.constant 16 : i32
        %mul3A_418 = vector.broadcast %mul3A_417 : i32 to vector<16xi32>
        %mul3A_419 = arith.muli %add3A_416, %mul3A_418 : vector<16xi32>
        %broadcast_in_dim3A_420 = arith.constant 0xFF800000 : f32
        %broadcast_in_dim3A_421 = vector.broadcast %broadcast_in_dim3A_420 : f32 to vector<16xf32>
        %add3A_422 = arith.constant 0 : i32
        %add3A_423 = vector.broadcast %add3A_422 : i32 to vector<16xi32>
        %add3A_424 = arith.addi %mul3A_419, %add3A_423 : vector<16xi32>
        %gather3A_425 = tpu.vector_load_idx %arg13[%add3A_424] : memref<1280xf32, #tpu.memory_space<vmem>>[vector<16xi32>], vector<16xf32>,
        %max3A_426 = arith.maximumf %broadcast_in_dim3A_421, %gather3A_425 : vector<16xf32>
        %add3A_427 = arith.constant 1 : i32
        %add3A_428 = vector.broadcast %add3A_427 : i32 to vector<16xi32>
        %add3A_429 = arith.addi %mul3A_419, %add3A_428 : vector<16xi32>
        %gather3A_430 = tpu.vector_load_idx %arg13[%add3A_429] : memref<1280xf32, #tpu.memory_space<vmem>>[vector<16xi32>], vector<16xf32>,
        %max3A_431 = arith.maximumf %max3A_426, %gather3A_430 : vector<16xf32>
        %add3A_432 = arith.constant 2 : i32
        %add3A_433 = vector.broadcast %add3A_432 : i32 to vector<16xi32>
        %add3A_434 = arith.addi %mul3A_419, %add3A_433 : vector<16xi32>
        %gather3A_435 = tpu.vector_load_idx %arg13[%add3A_434] : memref<1280xf32, #tpu.memory_space<vmem>>[vector<16xi32>], vector<16xf32>,
        %max3A_436 = arith.maximumf %max3A_431, %gather3A_435 : vector<16xf32>
        %add3A_437 = arith.constant 3 : i32
        %add3A_438 = vector.broadcast %add3A_437 : i32 to vector<16xi32>
        %add3A_439 = arith.addi %mul3A_419, %add3A_438 : vector<16xi32>
        %gather3A_440 = tpu.vector_load_idx %arg13[%add3A_439] : memref<1280xf32, #tpu.memory_space<vmem>>[vector<16xi32>], vector<16xf32>,
        %max3A_441 = arith.maximumf %max3A_436, %gather3A_440 : vector<16xf32>
        %add3A_442 = arith.constant 4 : i32
        %add3A_443 = vector.broadcast %add3A_442 : i32 to vector<16xi32>
        %add3A_444 = arith.addi %mul3A_419, %add3A_443 : vector<16xi32>
        %gather3A_445 = tpu.vector_load_idx %arg13[%add3A_444] : memref<1280xf32, #tpu.memory_space<vmem>>[vector<16xi32>], vector<16xf32>,
        %max3A_446 = arith.maximumf %max3A_441, %gather3A_445 : vector<16xf32>
        %add3A_447 = arith.constant 5 : i32
        %add3A_448 = vector.broadcast %add3A_447 : i32 to vector<16xi32>
        %add3A_449 = arith.addi %mul3A_419, %add3A_448 : vector<16xi32>
        %gather3A_450 = tpu.vector_load_idx %arg13[%add3A_449] : memref<1280xf32, #tpu.memory_space<vmem>>[vector<16xi32>], vector<16xf32>,
        %max3A_451 = arith.maximumf %max3A_446, %gather3A_450 : vector<16xf32>
        %add3A_452 = arith.constant 6 : i32
        %add3A_453 = vector.broadcast %add3A_452 : i32 to vector<16xi32>
        %add3A_454 = arith.addi %mul3A_419, %add3A_453 : vector<16xi32>
        %gather3A_455 = tpu.vector_load_idx %arg13[%add3A_454] : memref<1280xf32, #tpu.memory_space<vmem>>[vector<16xi32>], vector<16xf32>,
        %max3A_456 = arith.maximumf %max3A_451, %gather3A_455 : vector<16xf32>
        %add3A_457 = arith.constant 7 : i32
        %add3A_458 = vector.broadcast %add3A_457 : i32 to vector<16xi32>
        %add3A_459 = arith.addi %mul3A_419, %add3A_458 : vector<16xi32>
        %gather3A_460 = tpu.vector_load_idx %arg13[%add3A_459] : memref<1280xf32, #tpu.memory_space<vmem>>[vector<16xi32>], vector<16xf32>,
        %max3A_461 = arith.maximumf %max3A_456, %gather3A_460 : vector<16xf32>
        %add3A_462 = arith.constant 8 : i32
        %add3A_463 = vector.broadcast %add3A_462 : i32 to vector<16xi32>
        %add3A_464 = arith.addi %mul3A_419, %add3A_463 : vector<16xi32>
        %gather3A_465 = tpu.vector_load_idx %arg13[%add3A_464] : memref<1280xf32, #tpu.memory_space<vmem>>[vector<16xi32>], vector<16xf32>,
        %max3A_466 = arith.maximumf %max3A_461, %gather3A_465 : vector<16xf32>
        %add3A_467 = arith.constant 9 : i32
        %add3A_468 = vector.broadcast %add3A_467 : i32 to vector<16xi32>
        %add3A_469 = arith.addi %mul3A_419, %add3A_468 : vector<16xi32>
        %gather3A_470 = tpu.vector_load_idx %arg13[%add3A_469] : memref<1280xf32, #tpu.memory_space<vmem>>[vector<16xi32>], vector<16xf32>,
        %max3A_471 = arith.maximumf %max3A_466, %gather3A_470 : vector<16xf32>
        %add3A_472 = arith.constant 10 : i32
        %add3A_473 = vector.broadcast %add3A_472 : i32 to vector<16xi32>
        %add3A_474 = arith.addi %mul3A_419, %add3A_473 : vector<16xi32>
        %gather3A_475 = tpu.vector_load_idx %arg13[%add3A_474] : memref<1280xf32, #tpu.memory_space<vmem>>[vector<16xi32>], vector<16xf32>,
        %max3A_476 = arith.maximumf %max3A_471, %gather3A_475 : vector<16xf32>
        %add3A_477 = arith.constant 11 : i32
        %add3A_478 = vector.broadcast %add3A_477 : i32 to vector<16xi32>
        %add3A_479 = arith.addi %mul3A_419, %add3A_478 : vector<16xi32>
        %gather3A_480 = tpu.vector_load_idx %arg13[%add3A_479] : memref<1280xf32, #tpu.memory_space<vmem>>[vector<16xi32>], vector<16xf32>,
        %max3A_481 = arith.maximumf %max3A_476, %gather3A_480 : vector<16xf32>
        %add3A_482 = arith.constant 12 : i32
        %add3A_483 = vector.broadcast %add3A_482 : i32 to vector<16xi32>
        %add3A_484 = arith.addi %mul3A_419, %add3A_483 : vector<16xi32>
        %gather3A_485 = tpu.vector_load_idx %arg13[%add3A_484] : memref<1280xf32, #tpu.memory_space<vmem>>[vector<16xi32>], vector<16xf32>,
        %max3A_486 = arith.maximumf %max3A_481, %gather3A_485 : vector<16xf32>
        %add3A_487 = arith.constant 13 : i32
        %add3A_488 = vector.broadcast %add3A_487 : i32 to vector<16xi32>
        %add3A_489 = arith.addi %mul3A_419, %add3A_488 : vector<16xi32>
        %gather3A_490 = tpu.vector_load_idx %arg13[%add3A_489] : memref<1280xf32, #tpu.memory_space<vmem>>[vector<16xi32>], vector<16xf32>,
        %max3A_491 = arith.maximumf %max3A_486, %gather3A_490 : vector<16xf32>
        %add3A_492 = arith.constant 14 : i32
        %add3A_493 = vector.broadcast %add3A_492 : i32 to vector<16xi32>
        %add3A_494 = arith.addi %mul3A_419, %add3A_493 : vector<16xi32>
        %gather3A_495 = tpu.vector_load_idx %arg13[%add3A_494] : memref<1280xf32, #tpu.memory_space<vmem>>[vector<16xi32>], vector<16xf32>,
        %max3A_496 = arith.maximumf %max3A_491, %gather3A_495 : vector<16xf32>
        %add3A_497 = arith.constant 15 : i32
        %add3A_498 = vector.broadcast %add3A_497 : i32 to vector<16xi32>
        %add3A_499 = arith.addi %mul3A_419, %add3A_498 : vector<16xi32>
        %gather3A_500 = tpu.vector_load_idx %arg13[%add3A_499] : memref<1280xf32, #tpu.memory_space<vmem>>[vector<16xi32>], vector<16xf32>,
        %max3A_501 = arith.maximumf %max3A_496, %gather3A_500 : vector<16xf32>
        %add3A_502 = arith.constant 64 : i32
        %add3A_503 = vector.broadcast %add3A_502 : i32 to vector<16xi32>
        %add3A_504 = arith.addi %add3A_503, %iota3A : vector<16xi32>
        %mul3A_505 = arith.constant 16 : i32
        %mul3A_506 = vector.broadcast %mul3A_505 : i32 to vector<16xi32>
        %mul3A_507 = arith.muli %add3A_504, %mul3A_506 : vector<16xi32>
        %broadcast_in_dim3A_508 = arith.constant 0xFF800000 : f32
        %broadcast_in_dim3A_509 = vector.broadcast %broadcast_in_dim3A_508 : f32 to vector<16xf32>
        %add3A_510 = arith.constant 0 : i32
        %add3A_511 = vector.broadcast %add3A_510 : i32 to vector<16xi32>
        %add3A_512 = arith.addi %mul3A_507, %add3A_511 : vector<16xi32>
        %gather3A_513 = tpu.vector_load_idx %arg13[%add3A_512] : memref<1280xf32, #tpu.memory_space<vmem>>[vector<16xi32>], vector<16xf32>,
        %max3A_514 = arith.maximumf %broadcast_in_dim3A_509, %gather3A_513 : vector<16xf32>
        %add3A_515 = arith.constant 1 : i32
        %add3A_516 = vector.broadcast %add3A_515 : i32 to vector<16xi32>
        %add3A_517 = arith.addi %mul3A_507, %add3A_516 : vector<16xi32>
        %gather3A_518 = tpu.vector_load_idx %arg13[%add3A_517] : memref<1280xf32, #tpu.memory_space<vmem>>[vector<16xi32>], vector<16xf32>,
        %max3A_519 = arith.maximumf %max3A_514, %gather3A_518 : vector<16xf32>
        %add3A_520 = arith.constant 2 : i32
        %add3A_521 = vector.broadcast %add3A_520 : i32 to vector<16xi32>
        %add3A_522 = arith.addi %mul3A_507, %add3A_521 : vector<16xi32>
        %gather3A_523 = tpu.vector_load_idx %arg13[%add3A_522] : memref<1280xf32, #tpu.memory_space<vmem>>[vector<16xi32>], vector<16xf32>,
        %max3A_524 = arith.maximumf %max3A_519, %gather3A_523 : vector<16xf32>
        %add3A_525 = arith.constant 3 : i32
        %add3A_526 = vector.broadcast %add3A_525 : i32 to vector<16xi32>
        %add3A_527 = arith.addi %mul3A_507, %add3A_526 : vector<16xi32>
        %gather3A_528 = tpu.vector_load_idx %arg13[%add3A_527] : memref<1280xf32, #tpu.memory_space<vmem>>[vector<16xi32>], vector<16xf32>,
        %max3A_529 = arith.maximumf %max3A_524, %gather3A_528 : vector<16xf32>
        %add3A_530 = arith.constant 4 : i32
        %add3A_531 = vector.broadcast %add3A_530 : i32 to vector<16xi32>
        %add3A_532 = arith.addi %mul3A_507, %add3A_531 : vector<16xi32>
        %gather3A_533 = tpu.vector_load_idx %arg13[%add3A_532] : memref<1280xf32, #tpu.memory_space<vmem>>[vector<16xi32>], vector<16xf32>,
        %max3A_534 = arith.maximumf %max3A_529, %gather3A_533 : vector<16xf32>
        %add3A_535 = arith.constant 5 : i32
        %add3A_536 = vector.broadcast %add3A_535 : i32 to vector<16xi32>
        %add3A_537 = arith.addi %mul3A_507, %add3A_536 : vector<16xi32>
        %gather3A_538 = tpu.vector_load_idx %arg13[%add3A_537] : memref<1280xf32, #tpu.memory_space<vmem>>[vector<16xi32>], vector<16xf32>,
        %max3A_539 = arith.maximumf %max3A_534, %gather3A_538 : vector<16xf32>
        %add3A_540 = arith.constant 6 : i32
        %add3A_541 = vector.broadcast %add3A_540 : i32 to vector<16xi32>
        %add3A_542 = arith.addi %mul3A_507, %add3A_541 : vector<16xi32>
        %gather3A_543 = tpu.vector_load_idx %arg13[%add3A_542] : memref<1280xf32, #tpu.memory_space<vmem>>[vector<16xi32>], vector<16xf32>,
        %max3A_544 = arith.maximumf %max3A_539, %gather3A_543 : vector<16xf32>
        %add3A_545 = arith.constant 7 : i32
        %add3A_546 = vector.broadcast %add3A_545 : i32 to vector<16xi32>
        %add3A_547 = arith.addi %mul3A_507, %add3A_546 : vector<16xi32>
        %gather3A_548 = tpu.vector_load_idx %arg13[%add3A_547] : memref<1280xf32, #tpu.memory_space<vmem>>[vector<16xi32>], vector<16xf32>,
        %max3A_549 = arith.maximumf %max3A_544, %gather3A_548 : vector<16xf32>
        %add3A_550 = arith.constant 8 : i32
        %add3A_551 = vector.broadcast %add3A_550 : i32 to vector<16xi32>
        %add3A_552 = arith.addi %mul3A_507, %add3A_551 : vector<16xi32>
        %gather3A_553 = tpu.vector_load_idx %arg13[%add3A_552] : memref<1280xf32, #tpu.memory_space<vmem>>[vector<16xi32>], vector<16xf32>,
        %max3A_554 = arith.maximumf %max3A_549, %gather3A_553 : vector<16xf32>
        %add3A_555 = arith.constant 9 : i32
        %add3A_556 = vector.broadcast %add3A_555 : i32 to vector<16xi32>
        %add3A_557 = arith.addi %mul3A_507, %add3A_556 : vector<16xi32>
        %gather3A_558 = tpu.vector_load_idx %arg13[%add3A_557] : memref<1280xf32, #tpu.memory_space<vmem>>[vector<16xi32>], vector<16xf32>,
        %max3A_559 = arith.maximumf %max3A_554, %gather3A_558 : vector<16xf32>
        %add3A_560 = arith.constant 10 : i32
        %add3A_561 = vector.broadcast %add3A_560 : i32 to vector<16xi32>
        %add3A_562 = arith.addi %mul3A_507, %add3A_561 : vector<16xi32>
        %gather3A_563 = tpu.vector_load_idx %arg13[%add3A_562] : memref<1280xf32, #tpu.memory_space<vmem>>[vector<16xi32>], vector<16xf32>,
        %max3A_564 = arith.maximumf %max3A_559, %gather3A_563 : vector<16xf32>
        %add3A_565 = arith.constant 11 : i32
        %add3A_566 = vector.broadcast %add3A_565 : i32 to vector<16xi32>
        %add3A_567 = arith.addi %mul3A_507, %add3A_566 : vector<16xi32>
        %gather3A_568 = tpu.vector_load_idx %arg13[%add3A_567] : memref<1280xf32, #tpu.memory_space<vmem>>[vector<16xi32>], vector<16xf32>,
        %max3A_569 = arith.maximumf %max3A_564, %gather3A_568 : vector<16xf32>
        %add3A_570 = arith.constant 12 : i32
        %add3A_571 = vector.broadcast %add3A_570 : i32 to vector<16xi32>
        %add3A_572 = arith.addi %mul3A_507, %add3A_571 : vector<16xi32>
        %gather3A_573 = tpu.vector_load_idx %arg13[%add3A_572] : memref<1280xf32, #tpu.memory_space<vmem>>[vector<16xi32>], vector<16xf32>,
        %max3A_574 = arith.maximumf %max3A_569, %gather3A_573 : vector<16xf32>
        %add3A_575 = arith.constant 13 : i32
        %add3A_576 = vector.broadcast %add3A_575 : i32 to vector<16xi32>
        %add3A_577 = arith.addi %mul3A_507, %add3A_576 : vector<16xi32>
        %gather3A_578 = tpu.vector_load_idx %arg13[%add3A_577] : memref<1280xf32, #tpu.memory_space<vmem>>[vector<16xi32>], vector<16xf32>,
        %max3A_579 = arith.maximumf %max3A_574, %gather3A_578 : vector<16xf32>
        %add3A_580 = arith.constant 14 : i32
        %add3A_581 = vector.broadcast %add3A_580 : i32 to vector<16xi32>
        %add3A_582 = arith.addi %mul3A_507, %add3A_581 : vector<16xi32>
        %gather3A_583 = tpu.vector_load_idx %arg13[%add3A_582] : memref<1280xf32, #tpu.memory_space<vmem>>[vector<16xi32>], vector<16xf32>,
        %max3A_584 = arith.maximumf %max3A_579, %gather3A_583 : vector<16xf32>
        %add3A_585 = arith.constant 15 : i32
        %add3A_586 = vector.broadcast %add3A_585 : i32 to vector<16xi32>
        %add3A_587 = arith.addi %mul3A_507, %add3A_586 : vector<16xi32>
        %gather3A_588 = tpu.vector_load_idx %arg13[%add3A_587] : memref<1280xf32, #tpu.memory_space<vmem>>[vector<16xi32>], vector<16xf32>,
        %max3A_589 = arith.maximumf %max3A_584, %gather3A_588 : vector<16xf32>
        %broadcast_in_dim3A_590 = arith.constant 0 : i32
        %broadcast_in_dim3A_591 = vector.broadcast %broadcast_in_dim3A_590 : i32 to vector<16xi32>
        %while3A = arith.constant 0 : i32
        %while3A_592 = arith.constant 0 : i32
        %while3A_593 = arith.constant true
        %while3A_594:9 = scf.while (%while3A_663 = %while3A, %while3A_664 = %broadcast_in_dim3A_591, %while3A_665 = %while3A_592, %while3A_666 = %while3A_593, %while3A_667 = %max3A_237, %while3A_668 = %max3A_325, %while3A_669 = %max3A_413, %while3A_670 = %max3A_501, %while3A_671 = %max3A_589) : (i32, vector<16xi32>, i32, i1, vector<16xf32>, vector<16xf32>, vector<16xf32>, vector<16xf32>, vector<16xf32>) -> (i32, vector<16xi32>, i32, i1, vector<16xf32>, vector<16xf32>, vector<16xf32>, vector<16xf32>, vector<16xf32>) {
          scf.condition(%while3A_666) %while3A_663, %while3A_664, %while3A_665, %while3A_666, %while3A_667, %while3A_668, %while3A_669, %while3A_670, %while3A_671 : i32, vector<16xi32>, i32, i1, vector<16xf32>, vector<16xf32>, vector<16xf32>, vector<16xf32>, vector<16xf32>
        } do {
        ^bb0(%while3A_663: i32, %while3A_664: vector<16xi32>, %while3A_665: i32, %while3A_666: i1, %while3A_667: vector<16xf32>, %while3A_668: vector<16xf32>, %while3A_669: vector<16xf32>, %while3A_670: vector<16xf32>, %while3A_671: vector<16xf32>):
          %max3A_672 = arith.maximumf %while3A_667, %while3A_668 : vector<16xf32>
          %max3A_673 = arith.maximumf %max3A_672, %while3A_669 : vector<16xf32>
          %max3A_674 = arith.maximumf %max3A_673, %while3A_670 : vector<16xf32>
          %max3A_675 = arith.maximumf %max3A_674, %while3A_671 : vector<16xf32>
          %iota3A_676 = tpu.iota {dimensions = array<i32: 0>} : vector<16xi32>
          %xor3A = arith.constant 8 : i32
          %xor3A_677 = vector.broadcast %xor3A : i32 to vector<16xi32>
          %xor3A_678 = arith.xori %iota3A_676, %xor3A_677 : vector<16xi32>
          %lt3A_679 = arith.constant 0 : i32
          %lt3A_680 = vector.broadcast %lt3A_679 : i32 to vector<16xi32>
          %lt3A_681 = arith.cmpi slt, %xor3A_678, %lt3A_680 : vector<16xi32>
          %add3A_682 = arith.constant 16 : i32
          %add3A_683 = vector.broadcast %add3A_682 : i32 to vector<16xi32>
          %add3A_684 = arith.addi %xor3A_678, %add3A_683 : vector<16xi32>
          %select_n3A_685 = arith.select %lt3A_681, %add3A_684, %xor3A_678 : vector<16xi1>, vector<16xi32>
          %broadcast_in_dim3A_686 = vector.shape_cast %select_n3A_685 : vector<16xi32> to vector<16x1xi32>
          %gather3A_687 = vector.shape_cast %broadcast_in_dim3A_686 : vector<16x1xi32> to vector<16xi32>
          %gather3A_688 = tpu.dynamic_gather %max3A_675[%gather3A_687] in [0] : vector<16xf32>, vector<16xi32> -> vector<16xf32>
          %max3A_689 = arith.maximumf %max3A_675, %gather3A_688 : vector<16xf32>
          %xor3A_690 = arith.constant 4 : i32
          %xor3A_691 = vector.broadcast %xor3A_690 : i32 to vector<16xi32>
          %xor3A_692 = arith.xori %iota3A_676, %xor3A_691 : vector<16xi32>
          %lt3A_693 = arith.constant 0 : i32
          %lt3A_694 = vector.broadcast %lt3A_693 : i32 to vector<16xi32>
          %lt3A_695 = arith.cmpi slt, %xor3A_692, %lt3A_694 : vector<16xi32>
          %add3A_696 = arith.constant 16 : i32
          %add3A_697 = vector.broadcast %add3A_696 : i32 to vector<16xi32>
          %add3A_698 = arith.addi %xor3A_692, %add3A_697 : vector<16xi32>
          %select_n3A_699 = arith.select %lt3A_695, %add3A_698, %xor3A_692 : vector<16xi1>, vector<16xi32>
          %broadcast_in_dim3A_700 = vector.shape_cast %select_n3A_699 : vector<16xi32> to vector<16x1xi32>
          %gather3A_701 = vector.shape_cast %broadcast_in_dim3A_700 : vector<16x1xi32> to vector<16xi32>
          %gather3A_702 = tpu.dynamic_gather %max3A_689[%gather3A_701] in [0] : vector<16xf32>, vector<16xi32> -> vector<16xf32>
          %max3A_703 = arith.maximumf %max3A_689, %gather3A_702 : vector<16xf32>
          %xor3A_704 = arith.constant 2 : i32
          %xor3A_705 = vector.broadcast %xor3A_704 : i32 to vector<16xi32>
          %xor3A_706 = arith.xori %iota3A_676, %xor3A_705 : vector<16xi32>
          %lt3A_707 = arith.constant 0 : i32
          %lt3A_708 = vector.broadcast %lt3A_707 : i32 to vector<16xi32>
          %lt3A_709 = arith.cmpi slt, %xor3A_706, %lt3A_708 : vector<16xi32>
          %add3A_710 = arith.constant 16 : i32
          %add3A_711 = vector.broadcast %add3A_710 : i32 to vector<16xi32>
          %add3A_712 = arith.addi %xor3A_706, %add3A_711 : vector<16xi32>
          %select_n3A_713 = arith.select %lt3A_709, %add3A_712, %xor3A_706 : vector<16xi1>, vector<16xi32>
          %broadcast_in_dim3A_714 = vector.shape_cast %select_n3A_713 : vector<16xi32> to vector<16x1xi32>
          %gather3A_715 = vector.shape_cast %broadcast_in_dim3A_714 : vector<16x1xi32> to vector<16xi32>
          %gather3A_716 = tpu.dynamic_gather %max3A_703[%gather3A_715] in [0] : vector<16xf32>, vector<16xi32> -> vector<16xf32>
          %max3A_717 = arith.maximumf %max3A_703, %gather3A_716 : vector<16xf32>
          %xor3A_718 = arith.constant 1 : i32
          %xor3A_719 = vector.broadcast %xor3A_718 : i32 to vector<16xi32>
          %xor3A_720 = arith.xori %iota3A_676, %xor3A_719 : vector<16xi32>
          %lt3A_721 = arith.constant 0 : i32
          %lt3A_722 = vector.broadcast %lt3A_721 : i32 to vector<16xi32>
          %lt3A_723 = arith.cmpi slt, %xor3A_720, %lt3A_722 : vector<16xi32>
          %add3A_724 = arith.constant 16 : i32
          %add3A_725 = vector.broadcast %add3A_724 : i32 to vector<16xi32>
          %add3A_726 = arith.addi %xor3A_720, %add3A_725 : vector<16xi32>
          %select_n3A_727 = arith.select %lt3A_723, %add3A_726, %xor3A_720 : vector<16xi1>, vector<16xi32>
          %broadcast_in_dim3A_728 = vector.shape_cast %select_n3A_727 : vector<16xi32> to vector<16x1xi32>
          %gather3A_729 = vector.shape_cast %broadcast_in_dim3A_728 : vector<16x1xi32> to vector<16xi32>
          %gather3A_730 = tpu.dynamic_gather %max3A_717[%gather3A_729] in [0] : vector<16xf32>, vector<16xi32> -> vector<16xf32>
          %max3A_731 = arith.maximumf %max3A_717, %gather3A_730 : vector<16xf32>
          %gt3A = arith.constant 0xFF800000 : f32
          %gt3A_732 = vector.broadcast %gt3A : f32 to vector<16xf32>
          %gt3A_733 = arith.cmpf ogt, %max3A_731, %gt3A_732 : vector<16xf32>
          %slice3A = vector.extract_strided_slice %max3A_731 {offsets = [0], sizes = [1], strides = [1]} : vector<16xf32> to vector<1xf32>
          %squeeze3A = vector.extract %slice3A[0] : f32 from vector<1xf32>
          %gt3A_734 = arith.constant 0xFF800000 : f32
          %gt3A_735 = arith.cmpf ogt, %squeeze3A, %gt3A_734 : f32
          %broadcast_in_dim3A_736 = arith.constant 720 : i32
          %broadcast_in_dim3A_737 = vector.broadcast %broadcast_in_dim3A_736 : i32 to vector<16xi32>
          %eq3A = arith.cmpf oeq, %while3A_667, %max3A_731 : vector<16xf32>
          %all_reduce_ffs3A = tpu.all_reduce %eq3A {dim = 0 : i64, kind = #tpu.reduction_kind<find_first_set>} : vector<16xi1> -> vector<16xi32>
          %lt3A_738 = arith.constant 16 : i32
          %lt3A_739 = vector.broadcast %lt3A_738 : i32 to vector<16xi32>
          %lt3A_740 = arith.cmpi slt, %all_reduce_ffs3A, %lt3A_739 : vector<16xi32>
          %add3A_741 = arith.constant 0 : i32
          %add3A_742 = vector.broadcast %add3A_741 : i32 to vector<16xi32>
          %add3A_743 = arith.addi %add3A_742, %all_reduce_ffs3A : vector<16xi32>
          %jit3A_744 = arith.constant 720 : i32
          %broadcast_in_dim3A_745 = vector.broadcast %jit3A_744 : i32 to vector<16xi32>
          %select_n3A_746 = arith.select %lt3A_740, %add3A_743, %broadcast_in_dim3A_745 : vector<16xi1>, vector<16xi32>
          %min3A = arith.minsi %broadcast_in_dim3A_737, %select_n3A_746 : vector<16xi32>
          %eq3A_747 = arith.cmpf oeq, %while3A_668, %max3A_731 : vector<16xf32>
          %all_reduce_ffs3A_748 = tpu.all_reduce %eq3A_747 {dim = 0 : i64, kind = #tpu.reduction_kind<find_first_set>} : vector<16xi1> -> vector<16xi32>
          %lt3A_749 = arith.constant 16 : i32
          %lt3A_750 = vector.broadcast %lt3A_749 : i32 to vector<16xi32>
          %lt3A_751 = arith.cmpi slt, %all_reduce_ffs3A_748, %lt3A_750 : vector<16xi32>
          %add3A_752 = arith.constant 16 : i32
          %add3A_753 = vector.broadcast %add3A_752 : i32 to vector<16xi32>
          %add3A_754 = arith.addi %add3A_753, %all_reduce_ffs3A_748 : vector<16xi32>
          %jit3A_755 = arith.constant 720 : i32
          %broadcast_in_dim3A_756 = vector.broadcast %jit3A_755 : i32 to vector<16xi32>
          %select_n3A_757 = arith.select %lt3A_751, %add3A_754, %broadcast_in_dim3A_756 : vector<16xi1>, vector<16xi32>
          %min3A_758 = arith.minsi %min3A, %select_n3A_757 : vector<16xi32>
          %eq3A_759 = arith.cmpf oeq, %while3A_669, %max3A_731 : vector<16xf32>
          %all_reduce_ffs3A_760 = tpu.all_reduce %eq3A_759 {dim = 0 : i64, kind = #tpu.reduction_kind<find_first_set>} : vector<16xi1> -> vector<16xi32>
          %lt3A_761 = arith.constant 16 : i32
          %lt3A_762 = vector.broadcast %lt3A_761 : i32 to vector<16xi32>
          %lt3A_763 = arith.cmpi slt, %all_reduce_ffs3A_760, %lt3A_762 : vector<16xi32>
          %add3A_764 = arith.constant 32 : i32
          %add3A_765 = vector.broadcast %add3A_764 : i32 to vector<16xi32>
          %add3A_766 = arith.addi %add3A_765, %all_reduce_ffs3A_760 : vector<16xi32>
          %jit3A_767 = arith.constant 720 : i32
          %broadcast_in_dim3A_768 = vector.broadcast %jit3A_767 : i32 to vector<16xi32>
          %select_n3A_769 = arith.select %lt3A_763, %add3A_766, %broadcast_in_dim3A_768 : vector<16xi1>, vector<16xi32>
          %min3A_770 = arith.minsi %min3A_758, %select_n3A_769 : vector<16xi32>
          %eq3A_771 = arith.cmpf oeq, %while3A_670, %max3A_731 : vector<16xf32>
          %all_reduce_ffs3A_772 = tpu.all_reduce %eq3A_771 {dim = 0 : i64, kind = #tpu.reduction_kind<find_first_set>} : vector<16xi1> -> vector<16xi32>
          %lt3A_773 = arith.constant 16 : i32
          %lt3A_774 = vector.broadcast %lt3A_773 : i32 to vector<16xi32>
          %lt3A_775 = arith.cmpi slt, %all_reduce_ffs3A_772, %lt3A_774 : vector<16xi32>
          %add3A_776 = arith.constant 48 : i32
          %add3A_777 = vector.broadcast %add3A_776 : i32 to vector<16xi32>
          %add3A_778 = arith.addi %add3A_777, %all_reduce_ffs3A_772 : vector<16xi32>
          %jit3A_779 = arith.constant 720 : i32
          %broadcast_in_dim3A_780 = vector.broadcast %jit3A_779 : i32 to vector<16xi32>
          %select_n3A_781 = arith.select %lt3A_775, %add3A_778, %broadcast_in_dim3A_780 : vector<16xi1>, vector<16xi32>
          %min3A_782 = arith.minsi %min3A_770, %select_n3A_781 : vector<16xi32>
          %eq3A_783 = arith.cmpf oeq, %while3A_671, %max3A_731 : vector<16xf32>
          %all_reduce_ffs3A_784 = tpu.all_reduce %eq3A_783 {dim = 0 : i64, kind = #tpu.reduction_kind<find_first_set>} : vector<16xi1> -> vector<16xi32>
          %lt3A_785 = arith.constant 16 : i32
          %lt3A_786 = vector.broadcast %lt3A_785 : i32 to vector<16xi32>
          %lt3A_787 = arith.cmpi slt, %all_reduce_ffs3A_784, %lt3A_786 : vector<16xi32>
          %add3A_788 = arith.constant 64 : i32
          %add3A_789 = vector.broadcast %add3A_788 : i32 to vector<16xi32>
          %add3A_790 = arith.addi %add3A_789, %all_reduce_ffs3A_784 : vector<16xi32>
          %jit3A_791 = arith.constant 720 : i32
          %broadcast_in_dim3A_792 = vector.broadcast %jit3A_791 : i32 to vector<16xi32>
          %select_n3A_793 = arith.select %lt3A_787, %add3A_790, %broadcast_in_dim3A_792 : vector<16xi1>, vector<16xi32>
          %min3A_794 = arith.minsi %min3A_782, %select_n3A_793 : vector<16xi32>
          %min3A_795 = arith.constant 78 : i32
          %min3A_796 = vector.broadcast %min3A_795 : i32 to vector<16xi32>
          %min3A_797 = arith.minsi %min3A_794, %min3A_796 : vector<16xi32>
          %mul3A_798 = arith.constant 16 : i32
          %mul3A_799 = vector.broadcast %mul3A_798 : i32 to vector<16xi32>
          %mul3A_800 = arith.muli %min3A_797, %mul3A_799 : vector<16xi32>
          %add3A_801 = arith.addi %mul3A_800, %iota3A : vector<16xi32>
          %gather3A_802 = tpu.vector_load_idx %arg13[%add3A_801] : memref<1280xf32, #tpu.memory_space<vmem>>[vector<16xi32>], vector<16xf32>,
          %eq3A_803 = arith.cmpf oeq, %gather3A_802, %max3A_731 : vector<16xf32>
          %all_reduce_ffs3A_804 = tpu.all_reduce %eq3A_803 {dim = 0 : i64, kind = #tpu.reduction_kind<find_first_set>} : vector<16xi1> -> vector<16xi32>
          %min3A_805 = arith.constant 15 : i32
          %min3A_806 = vector.broadcast %min3A_805 : i32 to vector<16xi32>
          %min3A_807 = arith.minsi %all_reduce_ffs3A_804, %min3A_806 : vector<16xi32>
          %mul3A_808 = arith.constant 16 : i32
          %mul3A_809 = vector.broadcast %mul3A_808 : i32 to vector<16xi32>
          %mul3A_810 = arith.muli %min3A_797, %mul3A_809 : vector<16xi32>
          %add3A_811 = arith.addi %mul3A_810, %min3A_807 : vector<16xi32>
          %mul3A_812 = arith.constant 16 : i32
          %mul3A_813 = vector.broadcast %mul3A_812 : i32 to vector<16xi32>
          %mul3A_814 = arith.muli %add3A_811, %mul3A_813 : vector<16xi32>
          %add3A_815 = arith.addi %mul3A_814, %iota3A : vector<16xi32>
          %gather3A_816 = tpu.vector_load_idx %arg8[%add3A_815] : memref<20224xf32, #tpu.memory_space<vmem>>[vector<16xi32>], vector<16xf32>,
          %eq3A_817 = arith.cmpf oeq, %gather3A_816, %max3A_731 : vector<16xf32>
          %all_reduce_ffs3A_818 = tpu.all_reduce %eq3A_817 {dim = 0 : i64, kind = #tpu.reduction_kind<find_first_set>} : vector<16xi1> -> vector<16xi32>
          %min3A_819 = arith.constant 15 : i32
          %min3A_820 = vector.broadcast %min3A_819 : i32 to vector<16xi32>
          %min3A_821 = arith.minsi %all_reduce_ffs3A_818, %min3A_820 : vector<16xi32>
          %mul3A_822 = arith.constant 16 : i32
          %mul3A_823 = vector.broadcast %mul3A_822 : i32 to vector<16xi32>
          %mul3A_824 = arith.muli %add3A_811, %mul3A_823 : vector<16xi32>
          %add3A_825 = arith.addi %mul3A_824, %min3A_821 : vector<16xi32>
          %gather3A_826 = tpu.vector_load_idx %arg9[%add3A_825] : memref<20000xf32, #tpu.memory_space<vmem>>[vector<16xi32>], vector<16xf32>,
          %gather3A_827 = tpu.vector_load_idx %arg10[%add3A_825] : memref<20000xf32, #tpu.memory_space<vmem>>[vector<16xi32>], vector<16xf32>,
          %gather3A_828 = tpu.vector_load_idx %arg11[%add3A_825] : memref<20000xf32, #tpu.memory_space<vmem>>[vector<16xi32>], vector<16xf32>,
          %gather3A_829 = tpu.vector_load_idx %arg12[%add3A_825] : memref<20000xf32, #tpu.memory_space<vmem>>[vector<16xi32>], vector<16xf32>,
          %sub3A_830 = arith.subf %gather3A_828, %gather3A_826 : vector<16xf32>
          %sub3A_831 = arith.subf %gather3A_829, %gather3A_827 : vector<16xf32>
          %mul3A_832 = arith.mulf %sub3A_830, %sub3A_831 : vector<16xf32>
          %add3A_833 = arith.constant 15 : i32
          %add3A_834 = arith.addi %while3A_663, %add3A_833 : i32
          %jit3A_835 = arith.constant 16 : i32
          %div3A_836 = arith.divsi %add3A_834, %jit3A_835 : i32
          %sign3A_837 = arith.constant 0 : i32
          %sign3A_838 = arith.cmpi sgt, %add3A_834, %sign3A_837 : i32
          %sign3A_839 = arith.extui %sign3A_838 : i1 to i32
          %sign3A_840 = arith.constant 0 : i32
          %sign3A_841 = arith.cmpi slt, %add3A_834, %sign3A_840 : i32
          %sign3A_842 = arith.extui %sign3A_841 : i1 to i32
          %sign3A_843 = arith.subi %sign3A_839, %sign3A_842 : i32
          %sign3A_844 = arith.constant 0 : i32
          %sign3A_845 = arith.cmpi sgt, %jit3A_835, %sign3A_844 : i32
          %sign3A_846 = arith.extui %sign3A_845 : i1 to i32
          %sign3A_847 = arith.constant 0 : i32
          %sign3A_848 = arith.cmpi slt, %jit3A_835, %sign3A_847 : i32
          %sign3A_849 = arith.extui %sign3A_848 : i1 to i32
          %sign3A_850 = arith.subi %sign3A_846, %sign3A_849 : i32
          %ne3A_851 = arith.cmpi ne, %sign3A_843, %sign3A_850 : i32
          %rem3A_852 = arith.remsi %add3A_834, %jit3A_835 : i32
          %ne3A_853 = arith.constant 0 : i32
          %ne3A_854 = arith.cmpi ne, %rem3A_852, %ne3A_853 : i32
          %and3A_855 = arith.andi %ne3A_851, %ne3A_854 : i1
          %sub3A_856 = arith.constant 1 : i32
          %sub3A_857 = arith.subi %div3A_836, %sub3A_856 : i32
          %select_n3A_858 = arith.select %and3A_855, %sub3A_857, %div3A_836 : i32
          %lt3A_859 = arith.constant 0 : i32
          %lt3A_860 = vector.broadcast %lt3A_859 : i32 to vector<16xi32>
          %lt3A_861 = arith.cmpi slt, %iota3A, %lt3A_860 : vector<16xi32>
          %parallel_loop3A_862 = arith.constant 0 : i32
          %parallel_loop3A_863 = arith.constant 1 : i32
          %parallel_loop3A_864 = scf.for %parallel_loop3A_1076 = %parallel_loop3A_862 to %select_n3A_858 step %parallel_loop3A_863 iter_args(%parallel_loop3A_1077 = %lt3A_861) -> (vector<16xi1>)  : i32 {
            %parallel_loop3A_1078 = arith.constant 16 : i32
            %parallel_loop3A_1079 = arith.muli %parallel_loop3A_1076, %parallel_loop3A_1078 : i32
            %parallel_loop3A_1080 = arith.index_cast %parallel_loop3A_1079 : i32 to index
            %parallel_loop3A_1081 = tpu.vector_load %arg14[%parallel_loop3A_1080] {strides = array<i32>} : memref<304xf32, #tpu.memory_space<vmem>>, vector<16xf32>,
            %parallel_loop3A_1082 = arith.constant 16 : i32
            %parallel_loop3A_1083 = arith.muli %parallel_loop3A_1076, %parallel_loop3A_1082 : i32
            %parallel_loop3A_1084 = arith.index_cast %parallel_loop3A_1083 : i32 to index
            %parallel_loop3A_1085 = tpu.vector_load %arg15[%parallel_loop3A_1084] {strides = array<i32>} : memref<304xf32, #tpu.memory_space<vmem>>, vector<16xf32>,
            %parallel_loop3A_1086 = arith.constant 16 : i32
            %parallel_loop3A_1087 = arith.muli %parallel_loop3A_1076, %parallel_loop3A_1086 : i32
            %parallel_loop3A_1088 = arith.index_cast %parallel_loop3A_1087 : i32 to index
            %parallel_loop3A_1089 = tpu.vector_load %arg16[%parallel_loop3A_1088] {strides = array<i32>} : memref<304xf32, #tpu.memory_space<vmem>>, vector<16xf32>,
            %parallel_loop3A_1090 = arith.constant 16 : i32
            %parallel_loop3A_1091 = arith.muli %parallel_loop3A_1076, %parallel_loop3A_1090 : i32
            %parallel_loop3A_1092 = arith.index_cast %parallel_loop3A_1091 : i32 to index
            %parallel_loop3A_1093 = tpu.vector_load %arg17[%parallel_loop3A_1092] {strides = array<i32>} : memref<304xf32, #tpu.memory_space<vmem>>, vector<16xf32>,
            %parallel_loop3A_1094 = arith.constant 16 : i32
            %parallel_loop3A_1095 = arith.muli %parallel_loop3A_1076, %parallel_loop3A_1094 : i32
            %parallel_loop3A_1096 = arith.index_cast %parallel_loop3A_1095 : i32 to index
            %parallel_loop3A_1097 = tpu.vector_load %arg18[%parallel_loop3A_1096] {strides = array<i32>} : memref<304xf32, #tpu.memory_space<vmem>>, vector<16xf32>,
            %parallel_loop3A_1098 = arith.minimumf %gather3A_828, %parallel_loop3A_1089 : vector<16xf32>
            %parallel_loop3A_1099 = arith.maximumf %gather3A_826, %parallel_loop3A_1081 : vector<16xf32>
            %parallel_loop3A_1100 = arith.subf %parallel_loop3A_1098, %parallel_loop3A_1099 : vector<16xf32>
            %parallel_loop3A_1101 = arith.minimumf %gather3A_829, %parallel_loop3A_1093 : vector<16xf32>
            %parallel_loop3A_1102 = arith.maximumf %gather3A_827, %parallel_loop3A_1085 : vector<16xf32>
            %parallel_loop3A_1103 = arith.subf %parallel_loop3A_1101, %parallel_loop3A_1102 : vector<16xf32>
            %parallel_loop3A_1104 = arith.constant 0.000000e+00 : f32
            %parallel_loop3A_1105 = vector.broadcast %parallel_loop3A_1104 : f32 to vector<16xf32>
            %parallel_loop3A_1106 = arith.maximumf %parallel_loop3A_1100, %parallel_loop3A_1105 : vector<16xf32>
            %parallel_loop3A_1107 = arith.constant 0.000000e+00 : f32
            %parallel_loop3A_1108 = vector.broadcast %parallel_loop3A_1107 : f32 to vector<16xf32>
            %parallel_loop3A_1109 = arith.maximumf %parallel_loop3A_1103, %parallel_loop3A_1108 : vector<16xf32>
            %parallel_loop3A_1110 = arith.mulf %parallel_loop3A_1106, %parallel_loop3A_1109 : vector<16xf32>
            %parallel_loop3A_1111 = arith.addf %parallel_loop3A_1097, %mul3A_832 : vector<16xf32>
            %parallel_loop3A_1112 = arith.subf %parallel_loop3A_1111, %parallel_loop3A_1110 : vector<16xf32>
            %parallel_loop3A_1113 = arith.constant 9.99999993E-9 : f32
            %parallel_loop3A_1114 = vector.broadcast %parallel_loop3A_1113 : f32 to vector<16xf32>
            %parallel_loop3A_1115 = arith.maximumf %parallel_loop3A_1112, %parallel_loop3A_1114 : vector<16xf32>
            %parallel_loop3A_1116 = arith.constant 5.000000e-01 : f32
            %parallel_loop3A_1117 = vector.broadcast %parallel_loop3A_1116 : f32 to vector<16xf32>
            %parallel_loop3A_1118 = arith.mulf %parallel_loop3A_1117, %parallel_loop3A_1115 : vector<16xf32>
            %parallel_loop3A_1119 = arith.cmpf ogt, %parallel_loop3A_1110, %parallel_loop3A_1118 : vector<16xf32>
            %parallel_loop3A_1120 = arith.ori %parallel_loop3A_1077, %parallel_loop3A_1119 : vector<16xi1>
            scf.yield %parallel_loop3A_1120 : vector<16xi1>
          } {sc.loop_unroll_factor = 2 : i64, sc.parallel_access}
          %all_reduce_population_count3A = tpu.all_reduce %parallel_loop3A_864 {dim = 0 : i64, kind = #tpu.reduction_kind<sum>} : vector<16xi1> -> vector<16xi32>
          %gt3A_865 = arith.constant 0 : i32
          %gt3A_866 = vector.broadcast %gt3A_865 : i32 to vector<16xi32>
          %gt3A_867 = arith.cmpi sgt, %all_reduce_population_count3A, %gt3A_866 : vector<16xi32>
          %eq3A_868 = arith.constant 0 : i32
          %eq3A_869 = vector.broadcast %eq3A_868 : i32 to vector<16xi32>
          %eq3A_870 = arith.cmpi eq, %iota3A, %eq3A_869 : vector<16xi32>
          %not3A = arith.constant dense<true> : vector<16xi1>
          %not3A_871 = arith.xori %gt3A_867, %not3A : vector<16xi1>
          %and3A_872 = arith.andi %eq3A_870, %not3A_871 : vector<16xi1>
          %and3A_873 = arith.andi %and3A_872, %gt3A_733 : vector<16xi1>
          tpu.vector_store_idx %arg14[%while3A_664], %gather3A_826 masked %and3A_873 : memref<304xf32, #tpu.memory_space<vmem>>[vector<16xi32>], vector<16xf32>, vector<16xi1>
          tpu.vector_store_idx %arg15[%while3A_664], %gather3A_827 masked %and3A_873 : memref<304xf32, #tpu.memory_space<vmem>>[vector<16xi32>], vector<16xf32>, vector<16xi1>
          tpu.vector_store_idx %arg16[%while3A_664], %gather3A_828 masked %and3A_873 : memref<304xf32, #tpu.memory_space<vmem>>[vector<16xi32>], vector<16xf32>, vector<16xi1>
          tpu.vector_store_idx %arg17[%while3A_664], %gather3A_829 masked %and3A_873 : memref<304xf32, #tpu.memory_space<vmem>>[vector<16xi32>], vector<16xf32>, vector<16xi1>
          tpu.vector_store_idx %arg18[%while3A_664], %mul3A_832 masked %and3A_873 : memref<304xf32, #tpu.memory_space<vmem>>[vector<16xi32>], vector<16xf32>, vector<16xi1>
          tpu.vector_store_idx %arg19[%while3A_664], %max3A_731 masked %and3A_873 : memref<304xf32, #tpu.memory_space<vmem>>[vector<16xi32>], vector<16xf32>, vector<16xi1>
          tpu.vector_store_idx %arg20[%while3A_664], %add3A_825 masked %and3A_873 : memref<304xi32, #tpu.memory_space<vmem>>[vector<16xi32>], vector<16xi32>, vector<16xi1>
          %jit3A_874 = arith.constant 0 : i32
          %jit3A_875 = arith.constant 1 : i32
          %broadcast_in_dim3A_876 = vector.broadcast %jit3A_874 : i32 to vector<16xi32>
          %broadcast_in_dim3A_877 = vector.broadcast %jit3A_875 : i32 to vector<16xi32>
          %select_n3A_878 = arith.select %gt3A_867, %broadcast_in_dim3A_876, %broadcast_in_dim3A_877 : vector<16xi1>, vector<16xi32>
          %jit3A_879 = arith.constant 0 : i32
          %broadcast_in_dim3A_880 = vector.broadcast %jit3A_879 : i32 to vector<16xi32>
          %select_n3A_881 = arith.select %gt3A_733, %select_n3A_878, %broadcast_in_dim3A_880 : vector<16xi1>, vector<16xi32>
          %add3A_882 = arith.addi %while3A_664, %select_n3A_881 : vector<16xi32>
          %slice3A_883 = vector.extract_strided_slice %all_reduce_population_count3A {offsets = [0], sizes = [1], strides = [1]} : vector<16xi32> to vector<1xi32>
          %squeeze3A_884 = vector.extract %slice3A_883[0] : i32 from vector<1xi32>
          %eq3A_885 = arith.constant 0 : i32
          %eq3A_886 = arith.cmpi eq, %squeeze3A_884, %eq3A_885 : i32
          %and3A_887 = arith.andi %gt3A_735, %eq3A_886 : i1
          %jit3A_888 = arith.constant 1 : i32
          %jit3A_889 = arith.constant 0 : i32
          %select_n3A_890 = arith.select %and3A_887, %jit3A_888, %jit3A_889 : i32
          %add3A_891 = arith.addi %while3A_663, %select_n3A_890 : i32
          %eq3A_892 = arith.cmpi eq, %iota3A, %min3A_821 : vector<16xi32>
          %jit3A_893 = arith.constant 0xFF800000 : f32
          %broadcast_in_dim3A_894 = vector.broadcast %jit3A_893 : f32 to vector<16xf32>
          %select_n3A_895 = arith.select %eq3A_892, %broadcast_in_dim3A_894, %gather3A_816 : vector<16xi1>, vector<16xf32>
          %mul3A_896 = arith.constant 16 : i32
          %mul3A_897 = vector.broadcast %mul3A_896 : i32 to vector<16xi32>
          %mul3A_898 = arith.muli %add3A_811, %mul3A_897 : vector<16xi32>
          %add3A_899 = arith.addi %mul3A_898, %iota3A : vector<16xi32>
          tpu.vector_store_idx %arg8[%add3A_899], %select_n3A_895 masked %gt3A_733 : memref<20224xf32, #tpu.memory_space<vmem>>[vector<16xi32>], vector<16xf32>, vector<16xi1>
          %iota3A_900 = tpu.iota {dimensions = array<i32: 0>} : vector<16xi32>
          %xor3A_901 = arith.constant 8 : i32
          %xor3A_902 = vector.broadcast %xor3A_901 : i32 to vector<16xi32>
          %xor3A_903 = arith.xori %iota3A_900, %xor3A_902 : vector<16xi32>
          %lt3A_904 = arith.constant 0 : i32
          %lt3A_905 = vector.broadcast %lt3A_904 : i32 to vector<16xi32>
          %lt3A_906 = arith.cmpi slt, %xor3A_903, %lt3A_905 : vector<16xi32>
          %add3A_907 = arith.constant 16 : i32
          %add3A_908 = vector.broadcast %add3A_907 : i32 to vector<16xi32>
          %add3A_909 = arith.addi %xor3A_903, %add3A_908 : vector<16xi32>
          %select_n3A_910 = arith.select %lt3A_906, %add3A_909, %xor3A_903 : vector<16xi1>, vector<16xi32>
          %broadcast_in_dim3A_911 = vector.shape_cast %select_n3A_910 : vector<16xi32> to vector<16x1xi32>
          %gather3A_912 = vector.shape_cast %broadcast_in_dim3A_911 : vector<16x1xi32> to vector<16xi32>
          %gather3A_913 = tpu.dynamic_gather %select_n3A_895[%gather3A_912] in [0] : vector<16xf32>, vector<16xi32> -> vector<16xf32>
          %max3A_914 = arith.maximumf %select_n3A_895, %gather3A_913 : vector<16xf32>
          %xor3A_915 = arith.constant 4 : i32
          %xor3A_916 = vector.broadcast %xor3A_915 : i32 to vector<16xi32>
          %xor3A_917 = arith.xori %iota3A_900, %xor3A_916 : vector<16xi32>
          %lt3A_918 = arith.constant 0 : i32
          %lt3A_919 = vector.broadcast %lt3A_918 : i32 to vector<16xi32>
          %lt3A_920 = arith.cmpi slt, %xor3A_917, %lt3A_919 : vector<16xi32>
          %add3A_921 = arith.constant 16 : i32
          %add3A_922 = vector.broadcast %add3A_921 : i32 to vector<16xi32>
          %add3A_923 = arith.addi %xor3A_917, %add3A_922 : vector<16xi32>
          %select_n3A_924 = arith.select %lt3A_920, %add3A_923, %xor3A_917 : vector<16xi1>, vector<16xi32>
          %broadcast_in_dim3A_925 = vector.shape_cast %select_n3A_924 : vector<16xi32> to vector<16x1xi32>
          %gather3A_926 = vector.shape_cast %broadcast_in_dim3A_925 : vector<16x1xi32> to vector<16xi32>
          %gather3A_927 = tpu.dynamic_gather %max3A_914[%gather3A_926] in [0] : vector<16xf32>, vector<16xi32> -> vector<16xf32>
          %max3A_928 = arith.maximumf %max3A_914, %gather3A_927 : vector<16xf32>
          %xor3A_929 = arith.constant 2 : i32
          %xor3A_930 = vector.broadcast %xor3A_929 : i32 to vector<16xi32>
          %xor3A_931 = arith.xori %iota3A_900, %xor3A_930 : vector<16xi32>
          %lt3A_932 = arith.constant 0 : i32
          %lt3A_933 = vector.broadcast %lt3A_932 : i32 to vector<16xi32>
          %lt3A_934 = arith.cmpi slt, %xor3A_931, %lt3A_933 : vector<16xi32>
          %add3A_935 = arith.constant 16 : i32
          %add3A_936 = vector.broadcast %add3A_935 : i32 to vector<16xi32>
          %add3A_937 = arith.addi %xor3A_931, %add3A_936 : vector<16xi32>
          %select_n3A_938 = arith.select %lt3A_934, %add3A_937, %xor3A_931 : vector<16xi1>, vector<16xi32>
          %broadcast_in_dim3A_939 = vector.shape_cast %select_n3A_938 : vector<16xi32> to vector<16x1xi32>
          %gather3A_940 = vector.shape_cast %broadcast_in_dim3A_939 : vector<16x1xi32> to vector<16xi32>
          %gather3A_941 = tpu.dynamic_gather %max3A_928[%gather3A_940] in [0] : vector<16xf32>, vector<16xi32> -> vector<16xf32>
          %max3A_942 = arith.maximumf %max3A_928, %gather3A_941 : vector<16xf32>
          %xor3A_943 = arith.constant 1 : i32
          %xor3A_944 = vector.broadcast %xor3A_943 : i32 to vector<16xi32>
          %xor3A_945 = arith.xori %iota3A_900, %xor3A_944 : vector<16xi32>
          %lt3A_946 = arith.constant 0 : i32
          %lt3A_947 = vector.broadcast %lt3A_946 : i32 to vector<16xi32>
          %lt3A_948 = arith.cmpi slt, %xor3A_945, %lt3A_947 : vector<16xi32>
          %add3A_949 = arith.constant 16 : i32
          %add3A_950 = vector.broadcast %add3A_949 : i32 to vector<16xi32>
          %add3A_951 = arith.addi %xor3A_945, %add3A_950 : vector<16xi32>
          %select_n3A_952 = arith.select %lt3A_948, %add3A_951, %xor3A_945 : vector<16xi1>, vector<16xi32>
          %broadcast_in_dim3A_953 = vector.shape_cast %select_n3A_952 : vector<16xi32> to vector<16x1xi32>
          %gather3A_954 = vector.shape_cast %broadcast_in_dim3A_953 : vector<16x1xi32> to vector<16xi32>
          %gather3A_955 = tpu.dynamic_gather %max3A_942[%gather3A_954] in [0] : vector<16xf32>, vector<16xi32> -> vector<16xf32>
          %max3A_956 = arith.maximumf %max3A_942, %gather3A_955 : vector<16xf32>
          %gt3A_957 = arith.constant 5.000000e-02 : f32
          %gt3A_958 = vector.broadcast %gt3A_957 : f32 to vector<16xf32>
          %gt3A_959 = arith.cmpf ogt, %max3A_956, %gt3A_958 : vector<16xf32>
          %jit3A_960 = arith.constant 0xFF800000 : f32
          %broadcast_in_dim3A_961 = vector.broadcast %jit3A_960 : f32 to vector<16xf32>
          %select_n3A_962 = arith.select %gt3A_959, %max3A_956, %broadcast_in_dim3A_961 : vector<16xi1>, vector<16xf32>
          %eq3A_963 = arith.cmpi eq, %iota3A, %min3A_807 : vector<16xi32>
          %select_n3A_964 = arith.select %eq3A_963, %select_n3A_962, %gather3A_802 : vector<16xi1>, vector<16xf32>
          %mul3A_965 = arith.constant 16 : i32
          %mul3A_966 = vector.broadcast %mul3A_965 : i32 to vector<16xi32>
          %mul3A_967 = arith.muli %min3A_797, %mul3A_966 : vector<16xi32>
          %add3A_968 = arith.addi %mul3A_967, %iota3A : vector<16xi32>
          tpu.vector_store_idx %arg13[%add3A_968], %select_n3A_964 masked %gt3A_733 : memref<1280xf32, #tpu.memory_space<vmem>>[vector<16xi32>], vector<16xf32>, vector<16xi1>
          %iota3A_969 = tpu.iota {dimensions = array<i32: 0>} : vector<16xi32>
          %xor3A_970 = arith.constant 8 : i32
          %xor3A_971 = vector.broadcast %xor3A_970 : i32 to vector<16xi32>
          %xor3A_972 = arith.xori %iota3A_969, %xor3A_971 : vector<16xi32>
          %lt3A_973 = arith.constant 0 : i32
          %lt3A_974 = vector.broadcast %lt3A_973 : i32 to vector<16xi32>
          %lt3A_975 = arith.cmpi slt, %xor3A_972, %lt3A_974 : vector<16xi32>
          %add3A_976 = arith.constant 16 : i32
          %add3A_977 = vector.broadcast %add3A_976 : i32 to vector<16xi32>
          %add3A_978 = arith.addi %xor3A_972, %add3A_977 : vector<16xi32>
          %select_n3A_979 = arith.select %lt3A_975, %add3A_978, %xor3A_972 : vector<16xi1>, vector<16xi32>
          %broadcast_in_dim3A_980 = vector.shape_cast %select_n3A_979 : vector<16xi32> to vector<16x1xi32>
          %gather3A_981 = vector.shape_cast %broadcast_in_dim3A_980 : vector<16x1xi32> to vector<16xi32>
          %gather3A_982 = tpu.dynamic_gather %select_n3A_964[%gather3A_981] in [0] : vector<16xf32>, vector<16xi32> -> vector<16xf32>
          %max3A_983 = arith.maximumf %select_n3A_964, %gather3A_982 : vector<16xf32>
          %xor3A_984 = arith.constant 4 : i32
          %xor3A_985 = vector.broadcast %xor3A_984 : i32 to vector<16xi32>
          %xor3A_986 = arith.xori %iota3A_969, %xor3A_985 : vector<16xi32>
          %lt3A_987 = arith.constant 0 : i32
          %lt3A_988 = vector.broadcast %lt3A_987 : i32 to vector<16xi32>
          %lt3A_989 = arith.cmpi slt, %xor3A_986, %lt3A_988 : vector<16xi32>
          %add3A_990 = arith.constant 16 : i32
          %add3A_991 = vector.broadcast %add3A_990 : i32 to vector<16xi32>
          %add3A_992 = arith.addi %xor3A_986, %add3A_991 : vector<16xi32>
          %select_n3A_993 = arith.select %lt3A_989, %add3A_992, %xor3A_986 : vector<16xi1>, vector<16xi32>
          %broadcast_in_dim3A_994 = vector.shape_cast %select_n3A_993 : vector<16xi32> to vector<16x1xi32>
          %gather3A_995 = vector.shape_cast %broadcast_in_dim3A_994 : vector<16x1xi32> to vector<16xi32>
          %gather3A_996 = tpu.dynamic_gather %max3A_983[%gather3A_995] in [0] : vector<16xf32>, vector<16xi32> -> vector<16xf32>
          %max3A_997 = arith.maximumf %max3A_983, %gather3A_996 : vector<16xf32>
          %xor3A_998 = arith.constant 2 : i32
          %xor3A_999 = vector.broadcast %xor3A_998 : i32 to vector<16xi32>
          %xor3A_1000 = arith.xori %iota3A_969, %xor3A_999 : vector<16xi32>
          %lt3A_1001 = arith.constant 0 : i32
          %lt3A_1002 = vector.broadcast %lt3A_1001 : i32 to vector<16xi32>
          %lt3A_1003 = arith.cmpi slt, %xor3A_1000, %lt3A_1002 : vector<16xi32>
          %add3A_1004 = arith.constant 16 : i32
          %add3A_1005 = vector.broadcast %add3A_1004 : i32 to vector<16xi32>
          %add3A_1006 = arith.addi %xor3A_1000, %add3A_1005 : vector<16xi32>
          %select_n3A_1007 = arith.select %lt3A_1003, %add3A_1006, %xor3A_1000 : vector<16xi1>, vector<16xi32>
          %broadcast_in_dim3A_1008 = vector.shape_cast %select_n3A_1007 : vector<16xi32> to vector<16x1xi32>
          %gather3A_1009 = vector.shape_cast %broadcast_in_dim3A_1008 : vector<16x1xi32> to vector<16xi32>
          %gather3A_1010 = tpu.dynamic_gather %max3A_997[%gather3A_1009] in [0] : vector<16xf32>, vector<16xi32> -> vector<16xf32>
          %max3A_1011 = arith.maximumf %max3A_997, %gather3A_1010 : vector<16xf32>
          %xor3A_1012 = arith.constant 1 : i32
          %xor3A_1013 = vector.broadcast %xor3A_1012 : i32 to vector<16xi32>
          %xor3A_1014 = arith.xori %iota3A_969, %xor3A_1013 : vector<16xi32>
          %lt3A_1015 = arith.constant 0 : i32
          %lt3A_1016 = vector.broadcast %lt3A_1015 : i32 to vector<16xi32>
          %lt3A_1017 = arith.cmpi slt, %xor3A_1014, %lt3A_1016 : vector<16xi32>
          %add3A_1018 = arith.constant 16 : i32
          %add3A_1019 = vector.broadcast %add3A_1018 : i32 to vector<16xi32>
          %add3A_1020 = arith.addi %xor3A_1014, %add3A_1019 : vector<16xi32>
          %select_n3A_1021 = arith.select %lt3A_1017, %add3A_1020, %xor3A_1014 : vector<16xi1>, vector<16xi32>
          %broadcast_in_dim3A_1022 = vector.shape_cast %select_n3A_1021 : vector<16xi32> to vector<16x1xi32>
          %gather3A_1023 = vector.shape_cast %broadcast_in_dim3A_1022 : vector<16x1xi32> to vector<16xi32>
          %gather3A_1024 = tpu.dynamic_gather %max3A_1011[%gather3A_1023] in [0] : vector<16xf32>, vector<16xi32> -> vector<16xf32>
          %max3A_1025 = arith.maximumf %max3A_1011, %gather3A_1024 : vector<16xf32>
          %shift_right_arithmetic3A = arith.constant 4 : i32
          %shift_right_arithmetic3A_1026 = vector.broadcast %shift_right_arithmetic3A : i32 to vector<16xi32>
          %shift_right_arithmetic3A_1027 = arith.shrsi %min3A_797, %shift_right_arithmetic3A_1026 : vector<16xi32>
          %and3A_1028 = arith.constant 15 : i32
          %and3A_1029 = vector.broadcast %and3A_1028 : i32 to vector<16xi32>
          %and3A_1030 = arith.andi %min3A_797, %and3A_1029 : vector<16xi32>
          %eq3A_1031 = arith.constant 0 : i32
          %eq3A_1032 = vector.broadcast %eq3A_1031 : i32 to vector<16xi32>
          %eq3A_1033 = arith.cmpi eq, %shift_right_arithmetic3A_1027, %eq3A_1032 : vector<16xi32>
          %and3A_1034 = arith.andi %gt3A_733, %eq3A_1033 : vector<16xi1>
          %eq3A_1035 = arith.cmpi eq, %iota3A, %and3A_1030 : vector<16xi32>
          %and3A_1036 = arith.andi %and3A_1034, %eq3A_1035 : vector<16xi1>
          %select_n3A_1037 = arith.select %and3A_1036, %max3A_1025, %while3A_667 : vector<16xi1>, vector<16xf32>
          %eq3A_1038 = arith.constant 1 : i32
          %eq3A_1039 = vector.broadcast %eq3A_1038 : i32 to vector<16xi32>
          %eq3A_1040 = arith.cmpi eq, %shift_right_arithmetic3A_1027, %eq3A_1039 : vector<16xi32>
          %and3A_1041 = arith.andi %gt3A_733, %eq3A_1040 : vector<16xi1>
          %eq3A_1042 = arith.cmpi eq, %iota3A, %and3A_1030 : vector<16xi32>
          %and3A_1043 = arith.andi %and3A_1041, %eq3A_1042 : vector<16xi1>
          %select_n3A_1044 = arith.select %and3A_1043, %max3A_1025, %while3A_668 : vector<16xi1>, vector<16xf32>
          %eq3A_1045 = arith.constant 2 : i32
          %eq3A_1046 = vector.broadcast %eq3A_1045 : i32 to vector<16xi32>
          %eq3A_1047 = arith.cmpi eq, %shift_right_arithmetic3A_1027, %eq3A_1046 : vector<16xi32>
          %and3A_1048 = arith.andi %gt3A_733, %eq3A_1047 : vector<16xi1>
          %eq3A_1049 = arith.cmpi eq, %iota3A, %and3A_1030 : vector<16xi32>
          %and3A_1050 = arith.andi %and3A_1048, %eq3A_1049 : vector<16xi1>
          %select_n3A_1051 = arith.select %and3A_1050, %max3A_1025, %while3A_669 : vector<16xi1>, vector<16xf32>
          %eq3A_1052 = arith.constant 3 : i32
          %eq3A_1053 = vector.broadcast %eq3A_1052 : i32 to vector<16xi32>
          %eq3A_1054 = arith.cmpi eq, %shift_right_arithmetic3A_1027, %eq3A_1053 : vector<16xi32>
          %and3A_1055 = arith.andi %gt3A_733, %eq3A_1054 : vector<16xi1>
          %eq3A_1056 = arith.cmpi eq, %iota3A, %and3A_1030 : vector<16xi32>
          %and3A_1057 = arith.andi %and3A_1055, %eq3A_1056 : vector<16xi1>
          %select_n3A_1058 = arith.select %and3A_1057, %max3A_1025, %while3A_670 : vector<16xi1>, vector<16xf32>
          %eq3A_1059 = arith.constant 4 : i32
          %eq3A_1060 = vector.broadcast %eq3A_1059 : i32 to vector<16xi32>
          %eq3A_1061 = arith.cmpi eq, %shift_right_arithmetic3A_1027, %eq3A_1060 : vector<16xi32>
          %and3A_1062 = arith.andi %gt3A_733, %eq3A_1061 : vector<16xi1>
          %eq3A_1063 = arith.cmpi eq, %iota3A, %and3A_1030 : vector<16xi32>
          %and3A_1064 = arith.andi %and3A_1062, %eq3A_1063 : vector<16xi1>
          %select_n3A_1065 = arith.select %and3A_1064, %max3A_1025, %while3A_671 : vector<16xi1>, vector<16xf32>
          %lt3A_1066 = arith.constant 300 : i32
          %lt3A_1067 = arith.cmpi slt, %add3A_891, %lt3A_1066 : i32
          %and3A_1068 = arith.andi %gt3A_735, %lt3A_1067 : i1
          %add3A_1069 = arith.constant 1 : i32
          %add3A_1070 = arith.addi %while3A_665, %add3A_1069 : i32
          %lt3A_1071 = arith.constant 20000 : i32
          %lt3A_1072 = arith.cmpi slt, %add3A_1070, %lt3A_1071 : i32
          %and3A_1073 = arith.andi %and3A_1068, %lt3A_1072 : i1
          %add3A_1074 = arith.constant 1 : i32
          %add3A_1075 = arith.addi %while3A_665, %add3A_1074 : i32
          scf.yield %add3A_891, %add3A_882, %add3A_1075, %and3A_1073, %select_n3A_1037, %select_n3A_1044, %select_n3A_1051, %select_n3A_1058, %select_n3A_1065 : i32, vector<16xi32>, i32, i1, vector<16xf32>, vector<16xf32>, vector<16xf32>, vector<16xf32>, vector<16xf32>
        }
        %broadcast_in_dim3A_595 = vector.broadcast %while3A_594#0 : i32 to vector<16xi32>
        %swap3A_596 = arith.constant 0 : index
        %swap3A_597 = tpu.vector_load %arg21[%swap3A_596] {strides = array<i32>} : memref<16xi32, #tpu.memory_space<vmem>>, vector<16xi32>,
        tpu.vector_store %arg21[%swap3A_596], %broadcast_in_dim3A_595 {strides = array<i32>} : memref<16xi32, #tpu.memory_space<vmem>>, vector<16xi32>,
        %mul3A_598 = arith.constant 16 : i32
        %mul3A_599 = arith.muli %add3A_11, %mul3A_598 : i32
        %multiple_of3A_600 = tpu.assume_multiple %mul3A_599, 8 : i32
        %dma_start3A_601 = tpu.memref_slice %arg7[%multiple_of3A_600] : memref<1280xi32, #tpu.memory_space<hbm>> -> memref<16xi32, #tpu.memory_space<hbm>>
        %dma_start3A_602 = tpu.memref_slice %arg7[%multiple_of3A_600] : memref<1280xi32, #tpu.memory_space<hbm>> -> memref<16xi32, #tpu.memory_space<hbm>>
        tpu.enqueue_dma source(%arg21 : memref<16xi32, #tpu.memory_space<vmem>>) target(%dma_start3A_602 : memref<16xi32, #tpu.memory_space<hbm>>) target_semaphore(%arg22 : memref<!tpu.dma_semaphore, #tpu.memory_space<semaphore_mem>>)
        %mul3A_603 = arith.constant 304 : i32
        %mul3A_604 = arith.muli %add3A_11, %mul3A_603 : i32
        %multiple_of3A_605 = tpu.assume_multiple %mul3A_604, 8 : i32
        %dma_start3A_606 = tpu.memref_slice %arg4[%multiple_of3A_605] : memref<24320xf32, #tpu.memory_space<hbm>> -> memref<304xf32, #tpu.memory_space<hbm>>
        %dma_start3A_607 = tpu.memref_slice %arg4[%multiple_of3A_605] : memref<24320xf32, #tpu.memory_space<hbm>> -> memref<304xf32, #tpu.memory_space<hbm>>
        tpu.enqueue_dma source(%arg19 : memref<304xf32, #tpu.memory_space<vmem>>) target(%dma_start3A_607 : memref<304xf32, #tpu.memory_space<hbm>>) target_semaphore(%arg22 : memref<!tpu.dma_semaphore, #tpu.memory_space<semaphore_mem>>)
        %mul3A_608 = arith.constant 304 : i32
        %mul3A_609 = arith.muli %add3A_11, %mul3A_608 : i32
        %multiple_of3A_610 = tpu.assume_multiple %mul3A_609, 8 : i32
        %dma_start3A_611 = tpu.memref_slice %arg5[%multiple_of3A_610] : memref<24320xi32, #tpu.memory_space<hbm>> -> memref<304xi32, #tpu.memory_space<hbm>>
        %dma_start3A_612 = tpu.memref_slice %arg5[%multiple_of3A_610] : memref<24320xi32, #tpu.memory_space<hbm>> -> memref<304xi32, #tpu.memory_space<hbm>>
        tpu.enqueue_dma source(%arg20 : memref<304xi32, #tpu.memory_space<vmem>>) target(%dma_start3A_612 : memref<304xi32, #tpu.memory_space<hbm>>) target_semaphore(%arg22 : memref<!tpu.dma_semaphore, #tpu.memory_space<semaphore_mem>>)
        %mul3A_613 = arith.constant 4 : i32
        %mul3A_614 = arith.muli %add3A_11, %mul3A_613 : i32
        %add3A_615 = arith.constant 0 : i32
        %add3A_616 = arith.addi %mul3A_614, %add3A_615 : i32
        %mul3A_617 = arith.constant 304 : i32
        %mul3A_618 = arith.muli %add3A_616, %mul3A_617 : i32
        %multiple_of3A_619 = tpu.assume_multiple %mul3A_618, 8 : i32
        %dma_start3A_620 = tpu.memref_slice %arg6[%multiple_of3A_619] : memref<97280xf32, #tpu.memory_space<hbm>> -> memref<304xf32, #tpu.memory_space<hbm>>
        %dma_start3A_621 = tpu.memref_slice %arg6[%multiple_of3A_619] : memref<97280xf32, #tpu.memory_space<hbm>> -> memref<304xf32, #tpu.memory_space<hbm>>
        tpu.enqueue_dma source(%arg14 : memref<304xf32, #tpu.memory_space<vmem>>) target(%dma_start3A_621 : memref<304xf32, #tpu.memory_space<hbm>>) target_semaphore(%arg22 : memref<!tpu.dma_semaphore, #tpu.memory_space<semaphore_mem>>)
        %mul3A_622 = arith.constant 4 : i32
        %mul3A_623 = arith.muli %add3A_11, %mul3A_622 : i32
        %add3A_624 = arith.constant 1 : i32
        %add3A_625 = arith.addi %mul3A_623, %add3A_624 : i32
        %mul3A_626 = arith.constant 304 : i32
        %mul3A_627 = arith.muli %add3A_625, %mul3A_626 : i32
        %multiple_of3A_628 = tpu.assume_multiple %mul3A_627, 8 : i32
        %dma_start3A_629 = tpu.memref_slice %arg6[%multiple_of3A_628] : memref<97280xf32, #tpu.memory_space<hbm>> -> memref<304xf32, #tpu.memory_space<hbm>>
        %dma_start3A_630 = tpu.memref_slice %arg6[%multiple_of3A_628] : memref<97280xf32, #tpu.memory_space<hbm>> -> memref<304xf32, #tpu.memory_space<hbm>>
        tpu.enqueue_dma source(%arg15 : memref<304xf32, #tpu.memory_space<vmem>>) target(%dma_start3A_630 : memref<304xf32, #tpu.memory_space<hbm>>) target_semaphore(%arg22 : memref<!tpu.dma_semaphore, #tpu.memory_space<semaphore_mem>>)
        %mul3A_631 = arith.constant 4 : i32
        %mul3A_632 = arith.muli %add3A_11, %mul3A_631 : i32
        %add3A_633 = arith.constant 2 : i32
        %add3A_634 = arith.addi %mul3A_632, %add3A_633 : i32
        %mul3A_635 = arith.constant 304 : i32
        %mul3A_636 = arith.muli %add3A_634, %mul3A_635 : i32
        %multiple_of3A_637 = tpu.assume_multiple %mul3A_636, 8 : i32
        %dma_start3A_638 = tpu.memref_slice %arg6[%multiple_of3A_637] : memref<97280xf32, #tpu.memory_space<hbm>> -> memref<304xf32, #tpu.memory_space<hbm>>
        %dma_start3A_639 = tpu.memref_slice %arg6[%multiple_of3A_637] : memref<97280xf32, #tpu.memory_space<hbm>> -> memref<304xf32, #tpu.memory_space<hbm>>
        tpu.enqueue_dma source(%arg16 : memref<304xf32, #tpu.memory_space<vmem>>) target(%dma_start3A_639 : memref<304xf32, #tpu.memory_space<hbm>>) target_semaphore(%arg22 : memref<!tpu.dma_semaphore, #tpu.memory_space<semaphore_mem>>)
        %mul3A_640 = arith.constant 4 : i32
        %mul3A_641 = arith.muli %add3A_11, %mul3A_640 : i32
        %add3A_642 = arith.constant 3 : i32
        %add3A_643 = arith.addi %mul3A_641, %add3A_642 : i32
        %mul3A_644 = arith.constant 304 : i32
        %mul3A_645 = arith.muli %add3A_643, %mul3A_644 : i32
        %multiple_of3A_646 = tpu.assume_multiple %mul3A_645, 8 : i32
        %dma_start3A_647 = tpu.memref_slice %arg6[%multiple_of3A_646] : memref<97280xf32, #tpu.memory_space<hbm>> -> memref<304xf32, #tpu.memory_space<hbm>>
        %dma_start3A_648 = tpu.memref_slice %arg6[%multiple_of3A_646] : memref<97280xf32, #tpu.memory_space<hbm>> -> memref<304xf32, #tpu.memory_space<hbm>>
        tpu.enqueue_dma source(%arg17 : memref<304xf32, #tpu.memory_space<vmem>>) target(%dma_start3A_648 : memref<304xf32, #tpu.memory_space<hbm>>) target_semaphore(%arg22 : memref<!tpu.dma_semaphore, #tpu.memory_space<semaphore_mem>>)
        %dma_wait3A_649 = tpu.memref_slice %arg7[%multiple_of3A_600] : memref<1280xi32, #tpu.memory_space<hbm>> -> memref<16xi32, #tpu.memory_space<hbm>>
        %dma_wait3A_650 = tpu.memref_slice %arg7[%multiple_of3A_600] : memref<1280xi32, #tpu.memory_space<hbm>> -> memref<16xi32, #tpu.memory_space<hbm>>
        tpu.wait_dma2 semaphore(%arg22 : memref<!tpu.dma_semaphore, #tpu.memory_space<semaphore_mem>>) src(%arg21 : memref<16xi32, #tpu.memory_space<vmem>>) dst(%dma_wait3A_650 : memref<16xi32, #tpu.memory_space<hbm>>)
        %dma_wait3A_651 = tpu.memref_slice %arg4[%multiple_of3A_605] : memref<24320xf32, #tpu.memory_space<hbm>> -> memref<304xf32, #tpu.memory_space<hbm>>
        %dma_wait3A_652 = tpu.memref_slice %arg4[%multiple_of3A_605] : memref<24320xf32, #tpu.memory_space<hbm>> -> memref<304xf32, #tpu.memory_space<hbm>>
        tpu.wait_dma2 semaphore(%arg22 : memref<!tpu.dma_semaphore, #tpu.memory_space<semaphore_mem>>) src(%arg19 : memref<304xf32, #tpu.memory_space<vmem>>) dst(%dma_wait3A_652 : memref<304xf32, #tpu.memory_space<hbm>>)
        %dma_wait3A_653 = tpu.memref_slice %arg5[%multiple_of3A_610] : memref<24320xi32, #tpu.memory_space<hbm>> -> memref<304xi32, #tpu.memory_space<hbm>>
        %dma_wait3A_654 = tpu.memref_slice %arg5[%multiple_of3A_610] : memref<24320xi32, #tpu.memory_space<hbm>> -> memref<304xi32, #tpu.memory_space<hbm>>
        tpu.wait_dma2 semaphore(%arg22 : memref<!tpu.dma_semaphore, #tpu.memory_space<semaphore_mem>>) src(%arg20 : memref<304xi32, #tpu.memory_space<vmem>>) dst(%dma_wait3A_654 : memref<304xi32, #tpu.memory_space<hbm>>)
        %dma_wait3A_655 = tpu.memref_slice %arg6[%multiple_of3A_619] : memref<97280xf32, #tpu.memory_space<hbm>> -> memref<304xf32, #tpu.memory_space<hbm>>
        %dma_wait3A_656 = tpu.memref_slice %arg6[%multiple_of3A_619] : memref<97280xf32, #tpu.memory_space<hbm>> -> memref<304xf32, #tpu.memory_space<hbm>>
        tpu.wait_dma2 semaphore(%arg22 : memref<!tpu.dma_semaphore, #tpu.memory_space<semaphore_mem>>) src(%arg14 : memref<304xf32, #tpu.memory_space<vmem>>) dst(%dma_wait3A_656 : memref<304xf32, #tpu.memory_space<hbm>>)
        %dma_wait3A_657 = tpu.memref_slice %arg6[%multiple_of3A_628] : memref<97280xf32, #tpu.memory_space<hbm>> -> memref<304xf32, #tpu.memory_space<hbm>>
        %dma_wait3A_658 = tpu.memref_slice %arg6[%multiple_of3A_628] : memref<97280xf32, #tpu.memory_space<hbm>> -> memref<304xf32, #tpu.memory_space<hbm>>
        tpu.wait_dma2 semaphore(%arg22 : memref<!tpu.dma_semaphore, #tpu.memory_space<semaphore_mem>>) src(%arg15 : memref<304xf32, #tpu.memory_space<vmem>>) dst(%dma_wait3A_658 : memref<304xf32, #tpu.memory_space<hbm>>)
        %dma_wait3A_659 = tpu.memref_slice %arg6[%multiple_of3A_637] : memref<97280xf32, #tpu.memory_space<hbm>> -> memref<304xf32, #tpu.memory_space<hbm>>
        %dma_wait3A_660 = tpu.memref_slice %arg6[%multiple_of3A_637] : memref<97280xf32, #tpu.memory_space<hbm>> -> memref<304xf32, #tpu.memory_space<hbm>>
        tpu.wait_dma2 semaphore(%arg22 : memref<!tpu.dma_semaphore, #tpu.memory_space<semaphore_mem>>) src(%arg16 : memref<304xf32, #tpu.memory_space<vmem>>) dst(%dma_wait3A_660 : memref<304xf32, #tpu.memory_space<hbm>>)
        %dma_wait3A_661 = tpu.memref_slice %arg6[%multiple_of3A_646] : memref<97280xf32, #tpu.memory_space<hbm>> -> memref<304xf32, #tpu.memory_space<hbm>>
        %dma_wait3A_662 = tpu.memref_slice %arg6[%multiple_of3A_646] : memref<97280xf32, #tpu.memory_space<hbm>> -> memref<304xf32, #tpu.memory_space<hbm>>
        tpu.wait_dma2 semaphore(%arg22 : memref<!tpu.dma_semaphore, #tpu.memory_space<semaphore_mem>>) src(%arg17 : memref<304xf32, #tpu.memory_space<vmem>>) dst(%dma_wait3A_662 : memref<304xf32, #tpu.memory_space<hbm>>)
      } else {
      }
      %scan3A_14 = arith.constant 0 : i32
      scf.yield %scan3A_14 : i32
    }
    %scan3A_6 = arith.constant 3 : i32
    return
  }
}

#map = affine_map<(d0, d1) -> (0)>
#map1 = affine_map<(d0, d1) -> (0, 0)>
module attributes {stable_mosaic.version = 14 : i64} {
  func.func @_merge_body(%arg0: i32, %arg1: i32, %arg2: memref<24320xf32, #tpu.memory_space<hbm>>, %arg3: memref<24320xi32, #tpu.memory_space<hbm>>, %arg4: memref<97280xf32, #tpu.memory_space<hbm>>, %arg5: memref<1280xi32, #tpu.memory_space<hbm>>, %arg6: memref<10000x128xf32, #tpu.memory_space<hbm>>, %arg7: memref<4864xf32, #tpu.memory_space<hbm>>, %arg8: memref<1216xf32, #tpu.memory_space<hbm>>, %arg9: memref<1216xi32, #tpu.memory_space<hbm>>, %arg10: memref<1216xf32, #tpu.memory_space<hbm>>, %arg11: memref<1216xi32, #tpu.memory_space<hbm>>, %arg12: memref<6080xf32, #tpu.memory_space<vmem>>, %arg13: memref<6080xi32, #tpu.memory_space<vmem>>, %arg14: memref<24320xf32, #tpu.memory_space<vmem>>, %arg15: memref<320xi32, #tpu.memory_space<vmem>>, %arg16: memref<1216xf32, #tpu.memory_space<vmem>>, %arg17: memref<304xf32, #tpu.memory_space<vmem>>, %arg18: memref<304xi32, #tpu.memory_space<vmem>>, %arg19: memref<304xf32, #tpu.memory_space<vmem>>, %arg20: memref<304xi32, #tpu.memory_space<vmem>>, %arg21: memref<128xi32, #tpu.memory_space<vmem>>, %arg22: memref<128xi32, #tpu.memory_space<vmem>>, %arg23: memref<48xi32, #tpu.memory_space<vmem>>, %arg24: memref<304xi32, #tpu.memory_space<vmem>>, %arg25: memref<304x128xf32, #tpu.memory_space<vmem>>, %arg26: memref<!tpu.dma_semaphore, #tpu.memory_space<semaphore_mem>>) attributes {dimension_semantics = [#tpu.dimension_semantics<core_parallel>, #tpu.dimension_semantics<subcore_parallel>], iteration_bounds = array<i64: 2, 16>, scalar_prefetch = 0 : i64, scratch_operands = 15 : i64, tpu.core_type = #tpu.core_type<sc_vector_subcore>, window_params = [{transform_indices = #map}, {transform_indices = #map}, {transform_indices = #map}, {transform_indices = #map}, {transform_indices = #map1}, {transform_indices = #map}, {transform_indices = #map}, {transform_indices = #map}, {transform_indices = #map}, {transform_indices = #map}]} {
    %mul3A = arith.constant 2 : i32
    %mul3A_0 = arith.muli %arg1, %mul3A : i32
    %add3A = arith.addi %mul3A_0, %arg0 : i32
    %iota3A = tpu.iota {dimensions = array<i32: 0>} : vector<16xi32>
    %lt3A = arith.constant 4 : i32
    %lt3A_1 = arith.cmpi slt, %add3A, %lt3A : i32
    %convert_element_type3A = arith.extui %lt3A_1 : i1 to i32
    %cond3A = arith.constant 0 : i32
    %cond3A_2 = arith.cmpi ne, %convert_element_type3A, %cond3A : i32
    scf.if %cond3A_2 {
      %mul3A_3 = arith.constant 20 : i32
      %mul3A_4 = arith.muli %add3A, %mul3A_3 : i32
      %mul3A_5 = arith.constant 304 : i32
      %mul3A_6 = arith.muli %mul3A_4, %mul3A_5 : i32
      %multiple_of3A = tpu.assume_multiple %mul3A_6, 8 : i32
      %dma_start3A = tpu.memref_slice %arg2[%multiple_of3A] : memref<24320xf32, #tpu.memory_space<hbm>> -> memref<6080xf32, #tpu.memory_space<hbm>>
      %dma_start3A_7 = tpu.memref_slice %arg2[%multiple_of3A] : memref<24320xf32, #tpu.memory_space<hbm>> -> memref<6080xf32, #tpu.memory_space<hbm>>
      tpu.enqueue_dma source(%dma_start3A_7 : memref<6080xf32, #tpu.memory_space<hbm>>) target(%arg12 : memref<6080xf32, #tpu.memory_space<vmem>>) target_semaphore(%arg26 : memref<!tpu.dma_semaphore, #tpu.memory_space<semaphore_mem>>)
      %mul3A_8 = arith.constant 20 : i32
      %mul3A_9 = arith.muli %add3A, %mul3A_8 : i32
      %mul3A_10 = arith.constant 304 : i32
      %mul3A_11 = arith.muli %mul3A_9, %mul3A_10 : i32
      %multiple_of3A_12 = tpu.assume_multiple %mul3A_11, 8 : i32
      %dma_start3A_13 = tpu.memref_slice %arg3[%multiple_of3A_12] : memref<24320xi32, #tpu.memory_space<hbm>> -> memref<6080xi32, #tpu.memory_space<hbm>>
      %dma_start3A_14 = tpu.memref_slice %arg3[%multiple_of3A_12] : memref<24320xi32, #tpu.memory_space<hbm>> -> memref<6080xi32, #tpu.memory_space<hbm>>
      tpu.enqueue_dma source(%dma_start3A_14 : memref<6080xi32, #tpu.memory_space<hbm>>) target(%arg13 : memref<6080xi32, #tpu.memory_space<vmem>>) target_semaphore(%arg26 : memref<!tpu.dma_semaphore, #tpu.memory_space<semaphore_mem>>)
      %mul3A_15 = arith.constant 20 : i32
      %mul3A_16 = arith.muli %add3A, %mul3A_15 : i32
      %mul3A_17 = arith.constant 4 : i32
      %mul3A_18 = arith.muli %mul3A_16, %mul3A_17 : i32
      %mul3A_19 = arith.constant 304 : i32
      %mul3A_20 = arith.muli %mul3A_18, %mul3A_19 : i32
      %multiple_of3A_21 = tpu.assume_multiple %mul3A_20, 8 : i32
      %dma_start3A_22 = tpu.memref_slice %arg4[%multiple_of3A_21] : memref<97280xf32, #tpu.memory_space<hbm>> -> memref<24320xf32, #tpu.memory_space<hbm>>
      %dma_start3A_23 = tpu.memref_slice %arg4[%multiple_of3A_21] : memref<97280xf32, #tpu.memory_space<hbm>> -> memref<24320xf32, #tpu.memory_space<hbm>>
      tpu.enqueue_dma source(%dma_start3A_23 : memref<24320xf32, #tpu.memory_space<hbm>>) target(%arg14 : memref<24320xf32, #tpu.memory_space<vmem>>) target_semaphore(%arg26 : memref<!tpu.dma_semaphore, #tpu.memory_space<semaphore_mem>>)
      %mul3A_24 = arith.constant 20 : i32
      %mul3A_25 = arith.muli %add3A, %mul3A_24 : i32
      %mul3A_26 = arith.constant 16 : i32
      %mul3A_27 = arith.muli %mul3A_25, %mul3A_26 : i32
      %multiple_of3A_28 = tpu.assume_multiple %mul3A_27, 8 : i32
      %dma_start3A_29 = tpu.memref_slice %arg5[%multiple_of3A_28] : memref<1280xi32, #tpu.memory_space<hbm>> -> memref<320xi32, #tpu.memory_space<hbm>>
      %dma_start3A_30 = tpu.memref_slice %arg5[%multiple_of3A_28] : memref<1280xi32, #tpu.memory_space<hbm>> -> memref<320xi32, #tpu.memory_space<hbm>>
      tpu.enqueue_dma source(%dma_start3A_30 : memref<320xi32, #tpu.memory_space<hbm>>) target(%arg15 : memref<320xi32, #tpu.memory_space<vmem>>) target_semaphore(%arg26 : memref<!tpu.dma_semaphore, #tpu.memory_space<semaphore_mem>>)
      %dma_wait3A = tpu.memref_slice %arg2[%multiple_of3A] : memref<24320xf32, #tpu.memory_space<hbm>> -> memref<6080xf32, #tpu.memory_space<hbm>>
      %dma_wait3A_31 = tpu.memref_slice %arg2[%multiple_of3A] : memref<24320xf32, #tpu.memory_space<hbm>> -> memref<6080xf32, #tpu.memory_space<hbm>>
      tpu.wait_dma2 semaphore(%arg26 : memref<!tpu.dma_semaphore, #tpu.memory_space<semaphore_mem>>) src(%dma_wait3A_31 : memref<6080xf32, #tpu.memory_space<hbm>>) dst(%arg12 : memref<6080xf32, #tpu.memory_space<vmem>>)
      %dma_wait3A_32 = tpu.memref_slice %arg3[%multiple_of3A_12] : memref<24320xi32, #tpu.memory_space<hbm>> -> memref<6080xi32, #tpu.memory_space<hbm>>
      %dma_wait3A_33 = tpu.memref_slice %arg3[%multiple_of3A_12] : memref<24320xi32, #tpu.memory_space<hbm>> -> memref<6080xi32, #tpu.memory_space<hbm>>
      tpu.wait_dma2 semaphore(%arg26 : memref<!tpu.dma_semaphore, #tpu.memory_space<semaphore_mem>>) src(%dma_wait3A_33 : memref<6080xi32, #tpu.memory_space<hbm>>) dst(%arg13 : memref<6080xi32, #tpu.memory_space<vmem>>)
      %dma_wait3A_34 = tpu.memref_slice %arg4[%multiple_of3A_21] : memref<97280xf32, #tpu.memory_space<hbm>> -> memref<24320xf32, #tpu.memory_space<hbm>>
      %dma_wait3A_35 = tpu.memref_slice %arg4[%multiple_of3A_21] : memref<97280xf32, #tpu.memory_space<hbm>> -> memref<24320xf32, #tpu.memory_space<hbm>>
      tpu.wait_dma2 semaphore(%arg26 : memref<!tpu.dma_semaphore, #tpu.memory_space<semaphore_mem>>) src(%dma_wait3A_35 : memref<24320xf32, #tpu.memory_space<hbm>>) dst(%arg14 : memref<24320xf32, #tpu.memory_space<vmem>>)
      %dma_wait3A_36 = tpu.memref_slice %arg5[%multiple_of3A_28] : memref<1280xi32, #tpu.memory_space<hbm>> -> memref<320xi32, #tpu.memory_space<hbm>>
      %dma_wait3A_37 = tpu.memref_slice %arg5[%multiple_of3A_28] : memref<1280xi32, #tpu.memory_space<hbm>> -> memref<320xi32, #tpu.memory_space<hbm>>
      tpu.wait_dma2 semaphore(%arg26 : memref<!tpu.dma_semaphore, #tpu.memory_space<semaphore_mem>>) src(%dma_wait3A_37 : memref<320xi32, #tpu.memory_space<hbm>>) dst(%arg15 : memref<320xi32, #tpu.memory_space<vmem>>)
      %scan3A = arith.constant 0 : i32
      %scan3A_38 = arith.constant 0 : i32
      %scan3A_39 = arith.constant 19 : i32
      %scan3A_40 = arith.addi %scan3A_38, %scan3A_39 : i32
      %scan3A_41 = arith.constant 1 : i32
      %scan3A_42 = scf.for %scan3A_167 = %scan3A_38 to %scan3A_40 step %scan3A_41 iter_args(%scan3A_168 = %scan3A) -> (i32)  : i32 {
        %broadcast_in_dim3A_169 = arith.constant -1.000000e+00 : f32
        %broadcast_in_dim3A_170 = vector.broadcast %broadcast_in_dim3A_169 : f32 to vector<16xf32>
        %mul3A_171 = arith.constant 16 : i32
        %mul3A_172 = arith.muli %scan3A_167, %mul3A_171 : i32
        %swap3A = arith.index_cast %mul3A_172 : i32 to index
        %swap3A_173 = tpu.vector_load %arg17[%swap3A] {strides = array<i32>} : memref<304xf32, #tpu.memory_space<vmem>>, vector<16xf32>,
        tpu.vector_store %arg17[%swap3A], %broadcast_in_dim3A_170 {strides = array<i32>} : memref<304xf32, #tpu.memory_space<vmem>>, vector<16xf32>,
        %broadcast_in_dim3A_174 = arith.constant -1.000000e+00 : f32
        %broadcast_in_dim3A_175 = vector.broadcast %broadcast_in_dim3A_174 : f32 to vector<16xf32>
        %mul3A_176 = arith.constant 16 : i32
        %mul3A_177 = arith.muli %scan3A_167, %mul3A_176 : i32
        %swap3A_178 = arith.index_cast %mul3A_177 : i32 to index
        %swap3A_179 = tpu.vector_load %arg19[%swap3A_178] {strides = array<i32>} : memref<304xf32, #tpu.memory_space<vmem>>, vector<16xf32>,
        tpu.vector_store %arg19[%swap3A_178], %broadcast_in_dim3A_175 {strides = array<i32>} : memref<304xf32, #tpu.memory_space<vmem>>, vector<16xf32>,
        %broadcast_in_dim3A_180 = arith.constant -1 : i32
        %broadcast_in_dim3A_181 = vector.broadcast %broadcast_in_dim3A_180 : i32 to vector<16xi32>
        %mul3A_182 = arith.constant 16 : i32
        %mul3A_183 = arith.muli %scan3A_167, %mul3A_182 : i32
        %swap3A_184 = arith.index_cast %mul3A_183 : i32 to index
        %swap3A_185 = tpu.vector_load %arg18[%swap3A_184] {strides = array<i32>} : memref<304xi32, #tpu.memory_space<vmem>>, vector<16xi32>,
        tpu.vector_store %arg18[%swap3A_184], %broadcast_in_dim3A_181 {strides = array<i32>} : memref<304xi32, #tpu.memory_space<vmem>>, vector<16xi32>,
        %broadcast_in_dim3A_186 = arith.constant -1 : i32
        %broadcast_in_dim3A_187 = vector.broadcast %broadcast_in_dim3A_186 : i32 to vector<16xi32>
        %mul3A_188 = arith.constant 16 : i32
        %mul3A_189 = arith.muli %scan3A_167, %mul3A_188 : i32
        %swap3A_190 = arith.index_cast %mul3A_189 : i32 to index
        %swap3A_191 = tpu.vector_load %arg20[%swap3A_190] {strides = array<i32>} : memref<304xi32, #tpu.memory_space<vmem>>, vector<16xi32>,
        tpu.vector_store %arg20[%swap3A_190], %broadcast_in_dim3A_187 {strides = array<i32>} : memref<304xi32, #tpu.memory_space<vmem>>, vector<16xi32>,
        %broadcast_in_dim3A_192 = arith.constant 0 : i32
        %broadcast_in_dim3A_193 = vector.broadcast %broadcast_in_dim3A_192 : i32 to vector<16xi32>
        %mul3A_194 = arith.constant 16 : i32
        %mul3A_195 = arith.muli %scan3A_167, %mul3A_194 : i32
        %swap3A_196 = arith.index_cast %mul3A_195 : i32 to index
        %swap3A_197 = tpu.vector_load %arg24[%swap3A_196] {strides = array<i32>} : memref<304xi32, #tpu.memory_space<vmem>>, vector<16xi32>,
        tpu.vector_store %arg24[%swap3A_196], %broadcast_in_dim3A_193 {strides = array<i32>} : memref<304xi32, #tpu.memory_space<vmem>>, vector<16xi32>,
        %scan3A_198 = arith.constant 0 : i32
        scf.yield %scan3A_198 : i32
      }
      %scan3A_43 = arith.constant 19 : i32
      %scan3A_44 = arith.constant 0 : i32
      %scan3A_45 = arith.constant 0 : i32
      %scan3A_46 = arith.constant 76 : i32
      %scan3A_47 = arith.addi %scan3A_45, %scan3A_46 : i32
      %scan3A_48 = arith.constant 1 : i32
      %scan3A_49 = scf.for %scan3A_167 = %scan3A_45 to %scan3A_47 step %scan3A_48 iter_args(%scan3A_168 = %scan3A_44) -> (i32)  : i32 {
        %broadcast_in_dim3A_169 = arith.constant -1.000000e+00 : f32
        %broadcast_in_dim3A_170 = vector.broadcast %broadcast_in_dim3A_169 : f32 to vector<16xf32>
        %mul3A_171 = arith.constant 16 : i32
        %mul3A_172 = arith.muli %scan3A_167, %mul3A_171 : i32
        %swap3A = arith.index_cast %mul3A_172 : i32 to index
        %swap3A_173 = tpu.vector_load %arg16[%swap3A] {strides = array<i32>} : memref<1216xf32, #tpu.memory_space<vmem>>, vector<16xf32>,
        tpu.vector_store %arg16[%swap3A], %broadcast_in_dim3A_170 {strides = array<i32>} : memref<1216xf32, #tpu.memory_space<vmem>>, vector<16xf32>,
        %scan3A_174 = arith.constant 0 : i32
        scf.yield %scan3A_174 : i32
      }
      %scan3A_50 = arith.constant 76 : i32
      %scan3A_51 = arith.constant 0 : i32
      %scan3A_52 = arith.constant 0 : i32
      %scan3A_53 = arith.constant 8 : i32
      %scan3A_54 = arith.addi %scan3A_52, %scan3A_53 : i32
      %scan3A_55 = arith.constant 1 : i32
      %scan3A_56 = scf.for %scan3A_167 = %scan3A_52 to %scan3A_54 step %scan3A_55 iter_args(%scan3A_168 = %scan3A_51) -> (i32)  : i32 {
        %lt3A_169 = arith.constant 8 : i32
        %lt3A_170 = arith.cmpi slt, %scan3A_167, %lt3A_169 : i32
        %convert_element_type3A_171 = arith.extui %lt3A_170 : i1 to i32
        %cond3A_172 = arith.constant 0 : i32
        %cond3A_173 = arith.cmpi ne, %convert_element_type3A_171, %cond3A_172 : i32
        scf.if %cond3A_173 {
          %broadcast_in_dim3A_180 = arith.constant 0 : i32
          %broadcast_in_dim3A_181 = vector.broadcast %broadcast_in_dim3A_180 : i32 to vector<16xi32>
          %mul3A_182 = arith.constant 16 : i32
          %mul3A_183 = arith.muli %scan3A_167, %mul3A_182 : i32
          %swap3A = arith.index_cast %mul3A_183 : i32 to index
          %swap3A_184 = tpu.vector_load %arg21[%swap3A] {strides = array<i32>} : memref<128xi32, #tpu.memory_space<vmem>>, vector<16xi32>,
          tpu.vector_store %arg21[%swap3A], %broadcast_in_dim3A_181 {strides = array<i32>} : memref<128xi32, #tpu.memory_space<vmem>>, vector<16xi32>,
          %broadcast_in_dim3A_185 = arith.constant 0 : i32
          %broadcast_in_dim3A_186 = vector.broadcast %broadcast_in_dim3A_185 : i32 to vector<16xi32>
          %mul3A_187 = arith.constant 16 : i32
          %mul3A_188 = arith.muli %scan3A_167, %mul3A_187 : i32
          %swap3A_189 = arith.index_cast %mul3A_188 : i32 to index
          %swap3A_190 = tpu.vector_load %arg22[%swap3A_189] {strides = array<i32>} : memref<128xi32, #tpu.memory_space<vmem>>, vector<16xi32>,
          tpu.vector_store %arg22[%swap3A_189], %broadcast_in_dim3A_186 {strides = array<i32>} : memref<128xi32, #tpu.memory_space<vmem>>, vector<16xi32>,
        } else {
        }
        %lt3A_174 = arith.constant 3 : i32
        %lt3A_175 = arith.cmpi slt, %scan3A_167, %lt3A_174 : i32
        %convert_element_type3A_176 = arith.extui %lt3A_175 : i1 to i32
        %cond3A_177 = arith.constant 0 : i32
        %cond3A_178 = arith.cmpi ne, %convert_element_type3A_176, %cond3A_177 : i32
        scf.if %cond3A_178 {
          %broadcast_in_dim3A_180 = arith.constant 0 : i32
          %broadcast_in_dim3A_181 = vector.broadcast %broadcast_in_dim3A_180 : i32 to vector<16xi32>
          %mul3A_182 = arith.constant 16 : i32
          %mul3A_183 = arith.muli %scan3A_167, %mul3A_182 : i32
          %swap3A = arith.index_cast %mul3A_183 : i32 to index
          %swap3A_184 = tpu.vector_load %arg23[%swap3A] {strides = array<i32>} : memref<48xi32, #tpu.memory_space<vmem>>, vector<16xi32>,
          tpu.vector_store %arg23[%swap3A], %broadcast_in_dim3A_181 {strides = array<i32>} : memref<48xi32, #tpu.memory_space<vmem>>, vector<16xi32>,
        } else {
        }
        %scan3A_179 = arith.constant 0 : i32
        scf.yield %scan3A_179 : i32
      }
      %scan3A_57 = arith.constant 8 : i32
      %broadcast_in_dim3A = arith.constant 0 : i32
      %broadcast_in_dim3A_58 = vector.broadcast %broadcast_in_dim3A : i32 to vector<16xi32>
      %add3A_59 = arith.constant 16 : i32
      %add3A_60 = vector.broadcast %add3A_59 : i32 to vector<16xi32>
      %add3A_61 = arith.addi %iota3A, %add3A_60 : vector<16xi32>
      %min3A = arith.constant 19 : i32
      %min3A_62 = vector.broadcast %min3A : i32 to vector<16xi32>
      %min3A_63 = arith.minsi %add3A_61, %min3A_62 : vector<16xi32>
      %mul3A_64 = arith.constant 16 : i32
      %mul3A_65 = vector.broadcast %mul3A_64 : i32 to vector<16xi32>
      %mul3A_66 = arith.muli %iota3A, %mul3A_65 : vector<16xi32>
      %gather3A = tpu.vector_load_idx %arg15[%mul3A_66] : memref<320xi32, #tpu.memory_space<vmem>>[vector<16xi32>], vector<16xi32>,
      %mul3A_67 = arith.constant 16 : i32
      %mul3A_68 = vector.broadcast %mul3A_67 : i32 to vector<16xi32>
      %mul3A_69 = arith.muli %min3A_63, %mul3A_68 : vector<16xi32>
      %gather3A_70 = tpu.vector_load_idx %arg15[%mul3A_69] : memref<320xi32, #tpu.memory_space<vmem>>[vector<16xi32>], vector<16xi32>,
      %lt3A_71 = arith.constant 4 : i32
      %lt3A_72 = vector.broadcast %lt3A_71 : i32 to vector<16xi32>
      %lt3A_73 = arith.cmpi slt, %iota3A, %lt3A_72 : vector<16xi32>
      %mul3A_74 = arith.constant 304 : i32
      %mul3A_75 = vector.broadcast %mul3A_74 : i32 to vector<16xi32>
      %mul3A_76 = arith.muli %iota3A, %mul3A_75 : vector<16xi32>
      %gather3A_77 = tpu.vector_load_idx %arg12[%mul3A_76] : memref<6080xf32, #tpu.memory_space<vmem>>[vector<16xi32>], vector<16xf32>,
      %gt3A = arith.constant 0 : i32
      %gt3A_78 = vector.broadcast %gt3A : i32 to vector<16xi32>
      %gt3A_79 = arith.cmpi sgt, %gather3A, %gt3A_78 : vector<16xi32>
      %jit3A = arith.constant 0xFF800000 : f32
      %broadcast_in_dim3A_80 = vector.broadcast %jit3A : f32 to vector<16xf32>
      %select_n3A = arith.select %gt3A_79, %gather3A_77, %broadcast_in_dim3A_80 : vector<16xi1>, vector<16xf32>
      %mul3A_81 = arith.constant 304 : i32
      %mul3A_82 = vector.broadcast %mul3A_81 : i32 to vector<16xi32>
      %mul3A_83 = arith.muli %min3A_63, %mul3A_82 : vector<16xi32>
      %gather3A_84 = tpu.vector_load_idx %arg12[%mul3A_83] : memref<6080xf32, #tpu.memory_space<vmem>>[vector<16xi32>], vector<16xf32>,
      %gt3A_85 = arith.constant 0 : i32
      %gt3A_86 = vector.broadcast %gt3A_85 : i32 to vector<16xi32>
      %gt3A_87 = arith.cmpi sgt, %gather3A_70, %gt3A_86 : vector<16xi32>
      %and3A = arith.andi %lt3A_73, %gt3A_87 : vector<16xi1>
      %jit3A_88 = arith.constant 0xFF800000 : f32
      %broadcast_in_dim3A_89 = vector.broadcast %jit3A_88 : f32 to vector<16xf32>
      %select_n3A_90 = arith.select %and3A, %gather3A_84, %broadcast_in_dim3A_89 : vector<16xi1>, vector<16xf32>
      %while3A = arith.constant 0 : i32
      %while3A_91 = arith.constant true
      %while3A_92:6 = scf.while (%while3A_167 = %while3A, %while3A_168 = %broadcast_in_dim3A_58, %while3A_169 = %broadcast_in_dim3A_58, %while3A_170 = %while3A_91, %while3A_171 = %select_n3A, %while3A_172 = %select_n3A_90) : (i32, vector<16xi32>, vector<16xi32>, i1, vector<16xf32>, vector<16xf32>) -> (i32, vector<16xi32>, vector<16xi32>, i1, vector<16xf32>, vector<16xf32>) {
        scf.condition(%while3A_170) %while3A_167, %while3A_168, %while3A_169, %while3A_170, %while3A_171, %while3A_172 : i32, vector<16xi32>, vector<16xi32>, i1, vector<16xf32>, vector<16xf32>
      } do {
      ^bb0(%while3A_167: i32, %while3A_168: vector<16xi32>, %while3A_169: vector<16xi32>, %while3A_170: i1, %while3A_171: vector<16xf32>, %while3A_172: vector<16xf32>):
        %max3A = arith.maximumf %while3A_171, %while3A_172 : vector<16xf32>
        %iota3A_173 = tpu.iota {dimensions = array<i32: 0>} : vector<16xi32>
        %xor3A = arith.constant 8 : i32
        %xor3A_174 = vector.broadcast %xor3A : i32 to vector<16xi32>
        %xor3A_175 = arith.xori %iota3A_173, %xor3A_174 : vector<16xi32>
        %lt3A_176 = arith.constant 0 : i32
        %lt3A_177 = vector.broadcast %lt3A_176 : i32 to vector<16xi32>
        %lt3A_178 = arith.cmpi slt, %xor3A_175, %lt3A_177 : vector<16xi32>
        %add3A_179 = arith.constant 16 : i32
        %add3A_180 = vector.broadcast %add3A_179 : i32 to vector<16xi32>
        %add3A_181 = arith.addi %xor3A_175, %add3A_180 : vector<16xi32>
        %select_n3A_182 = arith.select %lt3A_178, %add3A_181, %xor3A_175 : vector<16xi1>, vector<16xi32>
        %broadcast_in_dim3A_183 = vector.shape_cast %select_n3A_182 : vector<16xi32> to vector<16x1xi32>
        %gather3A_184 = vector.shape_cast %broadcast_in_dim3A_183 : vector<16x1xi32> to vector<16xi32>
        %gather3A_185 = tpu.dynamic_gather %max3A[%gather3A_184] in [0] : vector<16xf32>, vector<16xi32> -> vector<16xf32>
        %max3A_186 = arith.maximumf %max3A, %gather3A_185 : vector<16xf32>
        %xor3A_187 = arith.constant 4 : i32
        %xor3A_188 = vector.broadcast %xor3A_187 : i32 to vector<16xi32>
        %xor3A_189 = arith.xori %iota3A_173, %xor3A_188 : vector<16xi32>
        %lt3A_190 = arith.constant 0 : i32
        %lt3A_191 = vector.broadcast %lt3A_190 : i32 to vector<16xi32>
        %lt3A_192 = arith.cmpi slt, %xor3A_189, %lt3A_191 : vector<16xi32>
        %add3A_193 = arith.constant 16 : i32
        %add3A_194 = vector.broadcast %add3A_193 : i32 to vector<16xi32>
        %add3A_195 = arith.addi %xor3A_189, %add3A_194 : vector<16xi32>
        %select_n3A_196 = arith.select %lt3A_192, %add3A_195, %xor3A_189 : vector<16xi1>, vector<16xi32>
        %broadcast_in_dim3A_197 = vector.shape_cast %select_n3A_196 : vector<16xi32> to vector<16x1xi32>
        %gather3A_198 = vector.shape_cast %broadcast_in_dim3A_197 : vector<16x1xi32> to vector<16xi32>
        %gather3A_199 = tpu.dynamic_gather %max3A_186[%gather3A_198] in [0] : vector<16xf32>, vector<16xi32> -> vector<16xf32>
        %max3A_200 = arith.maximumf %max3A_186, %gather3A_199 : vector<16xf32>
        %xor3A_201 = arith.constant 2 : i32
        %xor3A_202 = vector.broadcast %xor3A_201 : i32 to vector<16xi32>
        %xor3A_203 = arith.xori %iota3A_173, %xor3A_202 : vector<16xi32>
        %lt3A_204 = arith.constant 0 : i32
        %lt3A_205 = vector.broadcast %lt3A_204 : i32 to vector<16xi32>
        %lt3A_206 = arith.cmpi slt, %xor3A_203, %lt3A_205 : vector<16xi32>
        %add3A_207 = arith.constant 16 : i32
        %add3A_208 = vector.broadcast %add3A_207 : i32 to vector<16xi32>
        %add3A_209 = arith.addi %xor3A_203, %add3A_208 : vector<16xi32>
        %select_n3A_210 = arith.select %lt3A_206, %add3A_209, %xor3A_203 : vector<16xi1>, vector<16xi32>
        %broadcast_in_dim3A_211 = vector.shape_cast %select_n3A_210 : vector<16xi32> to vector<16x1xi32>
        %gather3A_212 = vector.shape_cast %broadcast_in_dim3A_211 : vector<16x1xi32> to vector<16xi32>
        %gather3A_213 = tpu.dynamic_gather %max3A_200[%gather3A_212] in [0] : vector<16xf32>, vector<16xi32> -> vector<16xf32>
        %max3A_214 = arith.maximumf %max3A_200, %gather3A_213 : vector<16xf32>
        %xor3A_215 = arith.constant 1 : i32
        %xor3A_216 = vector.broadcast %xor3A_215 : i32 to vector<16xi32>
        %xor3A_217 = arith.xori %iota3A_173, %xor3A_216 : vector<16xi32>
        %lt3A_218 = arith.constant 0 : i32
        %lt3A_219 = vector.broadcast %lt3A_218 : i32 to vector<16xi32>
        %lt3A_220 = arith.cmpi slt, %xor3A_217, %lt3A_219 : vector<16xi32>
        %add3A_221 = arith.constant 16 : i32
        %add3A_222 = vector.broadcast %add3A_221 : i32 to vector<16xi32>
        %add3A_223 = arith.addi %xor3A_217, %add3A_222 : vector<16xi32>
        %select_n3A_224 = arith.select %lt3A_220, %add3A_223, %xor3A_217 : vector<16xi1>, vector<16xi32>
        %broadcast_in_dim3A_225 = vector.shape_cast %select_n3A_224 : vector<16xi32> to vector<16x1xi32>
        %gather3A_226 = vector.shape_cast %broadcast_in_dim3A_225 : vector<16x1xi32> to vector<16xi32>
        %gather3A_227 = tpu.dynamic_gather %max3A_214[%gather3A_226] in [0] : vector<16xf32>, vector<16xi32> -> vector<16xf32>
        %max3A_228 = arith.maximumf %max3A_214, %gather3A_227 : vector<16xf32>
        %slice3A = vector.extract_strided_slice %max3A_228 {offsets = [0], sizes = [1], strides = [1]} : vector<16xf32> to vector<1xf32>
        %squeeze3A = vector.extract %slice3A[0] : f32 from vector<1xf32>
        %gt3A_229 = arith.constant 0xFF800000 : f32
        %gt3A_230 = arith.cmpf ogt, %squeeze3A, %gt3A_229 : f32
        %convert_element_type3A_231 = arith.extui %gt3A_230 : i1 to i32
        %cond3A_232 = arith.constant 0 : i32
        %cond3A_233 = arith.cmpi ne, %convert_element_type3A_231, %cond3A_232 : i32
        %cond3A_234:5 = scf.if %cond3A_233 -> (i32, vector<16xi32>, vector<16xi32>, vector<16xf32>, vector<16xf32>) {
          %eq3A = arith.cmpf oeq, %while3A_171, %max3A_228 : vector<16xf32>
          %all_reduce_ffs3A = tpu.all_reduce %eq3A {dim = 0 : i64, kind = #tpu.reduction_kind<find_first_set>} : vector<16xi1> -> vector<16xi32>
          %eq3A_238 = arith.cmpf oeq, %while3A_172, %max3A_228 : vector<16xf32>
          %all_reduce_ffs3A_239 = tpu.all_reduce %eq3A_238 {dim = 0 : i64, kind = #tpu.reduction_kind<find_first_set>} : vector<16xi1> -> vector<16xi32>
          %lt3A_240 = arith.constant 16 : i32
          %lt3A_241 = vector.broadcast %lt3A_240 : i32 to vector<16xi32>
          %lt3A_242 = arith.cmpi slt, %all_reduce_ffs3A, %lt3A_241 : vector<16xi32>
          %add3A_243 = arith.constant 16 : i32
          %add3A_244 = vector.broadcast %add3A_243 : i32 to vector<16xi32>
          %add3A_245 = arith.addi %all_reduce_ffs3A_239, %add3A_244 : vector<16xi32>
          %select_n3A_246 = arith.select %lt3A_242, %all_reduce_ffs3A, %add3A_245 : vector<16xi1>, vector<16xi32>
          %and3A_247 = arith.constant 15 : i32
          %and3A_248 = vector.broadcast %and3A_247 : i32 to vector<16xi32>
          %and3A_249 = arith.andi %select_n3A_246, %and3A_248 : vector<16xi32>
          %lt3A_250 = arith.constant 16 : i32
          %lt3A_251 = vector.broadcast %lt3A_250 : i32 to vector<16xi32>
          %lt3A_252 = arith.cmpi slt, %select_n3A_246, %lt3A_251 : vector<16xi32>
          %select_n3A_253 = arith.select %lt3A_252, %while3A_168, %while3A_169 : vector<16xi1>, vector<16xi32>
          %lt3A_254 = arith.constant 0 : i32
          %lt3A_255 = vector.broadcast %lt3A_254 : i32 to vector<16xi32>
          %lt3A_256 = arith.cmpi slt, %and3A_249, %lt3A_255 : vector<16xi32>
          %add3A_257 = arith.constant 16 : i32
          %add3A_258 = vector.broadcast %add3A_257 : i32 to vector<16xi32>
          %add3A_259 = arith.addi %and3A_249, %add3A_258 : vector<16xi32>
          %select_n3A_260 = arith.select %lt3A_256, %add3A_259, %and3A_249 : vector<16xi1>, vector<16xi32>
          %broadcast_in_dim3A_261 = vector.shape_cast %select_n3A_260 : vector<16xi32> to vector<16x1xi32>
          %gather3A_262 = vector.shape_cast %broadcast_in_dim3A_261 : vector<16x1xi32> to vector<16xi32>
          %gather3A_263 = tpu.dynamic_gather %select_n3A_253[%gather3A_262] in [0] : vector<16xi32>, vector<16xi32> -> vector<16xi32>
          %eq3A_264 = arith.cmpi eq, %iota3A, %and3A_249 : vector<16xi32>
          %and3A_265 = arith.andi %eq3A_264, %lt3A_252 : vector<16xi1>
          %eq3A_266 = arith.cmpi eq, %iota3A, %and3A_249 : vector<16xi32>
          %not3A = arith.constant dense<true> : vector<16xi1>
          %not3A_267 = arith.xori %lt3A_252, %not3A : vector<16xi1>
          %and3A_268 = arith.andi %eq3A_266, %not3A_267 : vector<16xi1>
          %add3A_269 = arith.constant 1 : i32
          %add3A_270 = vector.broadcast %add3A_269 : i32 to vector<16xi32>
          %add3A_271 = arith.addi %while3A_168, %add3A_270 : vector<16xi32>
          %select_n3A_272 = arith.select %and3A_265, %add3A_271, %while3A_168 : vector<16xi1>, vector<16xi32>
          %add3A_273 = arith.constant 1 : i32
          %add3A_274 = vector.broadcast %add3A_273 : i32 to vector<16xi32>
          %add3A_275 = arith.addi %while3A_169, %add3A_274 : vector<16xi32>
          %select_n3A_276 = arith.select %and3A_268, %add3A_275, %while3A_169 : vector<16xi1>, vector<16xi32>
          %eq3A_277 = arith.constant 0 : i32
          %eq3A_278 = vector.broadcast %eq3A_277 : i32 to vector<16xi32>
          %eq3A_279 = arith.cmpi eq, %iota3A, %eq3A_278 : vector<16xi32>
          %broadcast_in_dim3A_280 = vector.broadcast %while3A_167 : i32 to vector<16xi32>
          tpu.vector_store_idx %arg17[%broadcast_in_dim3A_280], %max3A_228 masked %eq3A_279 : memref<304xf32, #tpu.memory_space<vmem>>[vector<16xi32>], vector<16xf32>, vector<16xi1>
          tpu.vector_store_idx %arg18[%broadcast_in_dim3A_280], %select_n3A_246 masked %eq3A_279 : memref<304xi32, #tpu.memory_space<vmem>>[vector<16xi32>], vector<16xi32>, vector<16xi1>
          %min3A_281 = arith.constant 3 : i32
          %min3A_282 = vector.broadcast %min3A_281 : i32 to vector<16xi32>
          %min3A_283 = arith.minsi %iota3A, %min3A_282 : vector<16xi32>
          %mul3A_284 = arith.constant 4 : i32
          %mul3A_285 = vector.broadcast %mul3A_284 : i32 to vector<16xi32>
          %mul3A_286 = arith.muli %select_n3A_246, %mul3A_285 : vector<16xi32>
          %add3A_287 = arith.addi %mul3A_286, %min3A_283 : vector<16xi32>
          %mul3A_288 = arith.constant 304 : i32
          %mul3A_289 = vector.broadcast %mul3A_288 : i32 to vector<16xi32>
          %mul3A_290 = arith.muli %add3A_287, %mul3A_289 : vector<16xi32>
          %add3A_291 = arith.addi %mul3A_290, %gather3A_263 : vector<16xi32>
          %gather3A_292 = tpu.vector_load_idx %arg14[%add3A_291] : memref<24320xf32, #tpu.memory_space<vmem>>[vector<16xi32>], vector<16xf32>,
          %mul3A_293 = arith.constant 4 : i32
          %mul3A_294 = arith.muli %while3A_167, %mul3A_293 : i32
          %add3A_295 = vector.broadcast %mul3A_294 : i32 to vector<16xi32>
          %add3A_296 = arith.addi %add3A_295, %min3A_283 : vector<16xi32>
          %lt3A_297 = arith.constant 4 : i32
          %lt3A_298 = vector.broadcast %lt3A_297 : i32 to vector<16xi32>
          %lt3A_299 = arith.cmpi slt, %iota3A, %lt3A_298 : vector<16xi32>
          tpu.vector_store_idx %arg16[%add3A_296], %gather3A_292 masked %lt3A_299 : memref<1216xf32, #tpu.memory_space<vmem>>[vector<16xi32>], vector<16xf32>, vector<16xi1>
          %mul3A_300 = arith.constant 304 : i32
          %mul3A_301 = vector.broadcast %mul3A_300 : i32 to vector<16xi32>
          %mul3A_302 = arith.muli %select_n3A_246, %mul3A_301 : vector<16xi32>
          %add3A_303 = arith.addi %mul3A_302, %gather3A_263 : vector<16xi32>
          %gather3A_304 = tpu.vector_load_idx %arg13[%add3A_303] : memref<6080xi32, #tpu.memory_space<vmem>>[vector<16xi32>], vector<16xi32>,
          %mul3A_305 = arith.constant 20000 : i32
          %mul3A_306 = arith.muli %add3A, %mul3A_305 : i32
          %add3A_307 = vector.broadcast %mul3A_306 : i32 to vector<16xi32>
          %add3A_308 = arith.addi %gather3A_304, %add3A_307 : vector<16xi32>
          %shift_right_arithmetic3A = arith.constant 3 : i32
          %shift_right_arithmetic3A_309 = vector.broadcast %shift_right_arithmetic3A : i32 to vector<16xi32>
          %shift_right_arithmetic3A_310 = arith.shrsi %add3A_308, %shift_right_arithmetic3A_309 : vector<16xi32>
          %and3A_311 = arith.constant 7 : i32
          %and3A_312 = vector.broadcast %and3A_311 : i32 to vector<16xi32>
          %and3A_313 = arith.andi %add3A_308, %and3A_312 : vector<16xi32>
          tpu.vector_store_idx %arg24[%broadcast_in_dim3A_280], %and3A_313 masked %eq3A_279 : memref<304xi32, #tpu.memory_space<vmem>>[vector<16xi32>], vector<16xi32>, vector<16xi1>
          %min3A_314 = arith.constant 127 : i32
          %min3A_315 = arith.minsi %while3A_167, %min3A_314 : i32
          %broadcast_in_dim3A_316 = vector.broadcast %min3A_315 : i32 to vector<16xi32>
          %sub3A = arith.constant 128 : i32
          %sub3A_317 = arith.subi %while3A_167, %sub3A : i32
          %jit3A_318 = arith.constant 0 : i32
          %jit3A_319 = arith.constant 127 : i32
          %max3A_320 = arith.maxsi %jit3A_318, %sub3A_317 : i32
          %min3A_321 = arith.minsi %jit3A_319, %max3A_320 : i32
          %broadcast_in_dim3A_322 = vector.broadcast %min3A_321 : i32 to vector<16xi32>
          %sub3A_323 = arith.constant 256 : i32
          %sub3A_324 = arith.subi %while3A_167, %sub3A_323 : i32
          %jit3A_325 = arith.constant 0 : i32
          %jit3A_326 = arith.constant 47 : i32
          %max3A_327 = arith.maxsi %jit3A_325, %sub3A_324 : i32
          %min3A_328 = arith.minsi %jit3A_326, %max3A_327 : i32
          %broadcast_in_dim3A_329 = vector.broadcast %min3A_328 : i32 to vector<16xi32>
          %lt3A_330 = arith.constant 128 : i32
          %lt3A_331 = arith.cmpi slt, %while3A_167, %lt3A_330 : i32
          %and3A_332 = vector.broadcast %lt3A_331 : i1 to vector<16xi1>
          %and3A_333 = arith.andi %eq3A_279, %and3A_332 : vector<16xi1>
          tpu.vector_store_idx %arg21[%broadcast_in_dim3A_316], %shift_right_arithmetic3A_310 masked %and3A_333 : memref<128xi32, #tpu.memory_space<vmem>>[vector<16xi32>], vector<16xi32>, vector<16xi1>
          %ge3A = arith.constant 128 : i32
          %ge3A_334 = arith.cmpi sge, %while3A_167, %ge3A : i32
          %and3A_335 = vector.broadcast %ge3A_334 : i1 to vector<16xi1>
          %and3A_336 = arith.andi %eq3A_279, %and3A_335 : vector<16xi1>
          %lt3A_337 = arith.constant 256 : i32
          %lt3A_338 = arith.cmpi slt, %while3A_167, %lt3A_337 : i32
          %and3A_339 = vector.broadcast %lt3A_338 : i1 to vector<16xi1>
          %and3A_340 = arith.andi %and3A_336, %and3A_339 : vector<16xi1>
          tpu.vector_store_idx %arg22[%broadcast_in_dim3A_322], %shift_right_arithmetic3A_310 masked %and3A_340 : memref<128xi32, #tpu.memory_space<vmem>>[vector<16xi32>], vector<16xi32>, vector<16xi1>
          %ge3A_341 = arith.constant 256 : i32
          %ge3A_342 = arith.cmpi sge, %while3A_167, %ge3A_341 : i32
          %and3A_343 = vector.broadcast %ge3A_342 : i1 to vector<16xi1>
          %and3A_344 = arith.andi %eq3A_279, %and3A_343 : vector<16xi1>
          tpu.vector_store_idx %arg23[%broadcast_in_dim3A_329], %shift_right_arithmetic3A_310 masked %and3A_344 : memref<48xi32, #tpu.memory_space<vmem>>[vector<16xi32>], vector<16xi32>, vector<16xi1>
          %add3A_345 = arith.constant 1 : i32
          %add3A_346 = vector.broadcast %add3A_345 : i32 to vector<16xi32>
          %add3A_347 = arith.addi %gather3A_263, %add3A_346 : vector<16xi32>
          %mul3A_348 = arith.constant 16 : i32
          %mul3A_349 = vector.broadcast %mul3A_348 : i32 to vector<16xi32>
          %mul3A_350 = arith.muli %select_n3A_246, %mul3A_349 : vector<16xi32>
          %gather3A_351 = tpu.vector_load_idx %arg15[%mul3A_350] : memref<320xi32, #tpu.memory_space<vmem>>[vector<16xi32>], vector<16xi32>,
          %mul3A_352 = arith.constant 304 : i32
          %mul3A_353 = vector.broadcast %mul3A_352 : i32 to vector<16xi32>
          %mul3A_354 = arith.muli %select_n3A_246, %mul3A_353 : vector<16xi32>
          %min3A_355 = arith.constant 303 : i32
          %min3A_356 = vector.broadcast %min3A_355 : i32 to vector<16xi32>
          %min3A_357 = arith.minsi %add3A_347, %min3A_356 : vector<16xi32>
          %add3A_358 = arith.addi %mul3A_354, %min3A_357 : vector<16xi32>
          %gather3A_359 = tpu.vector_load_idx %arg12[%add3A_358] : memref<6080xf32, #tpu.memory_space<vmem>>[vector<16xi32>], vector<16xf32>,
          %lt3A_360 = arith.cmpi slt, %add3A_347, %gather3A_351 : vector<16xi32>
          %jit3A_361 = arith.constant 0xFF800000 : f32
          %broadcast_in_dim3A_362 = vector.broadcast %jit3A_361 : f32 to vector<16xf32>
          %select_n3A_363 = arith.select %lt3A_360, %gather3A_359, %broadcast_in_dim3A_362 : vector<16xi1>, vector<16xf32>
          %select_n3A_364 = arith.select %and3A_265, %select_n3A_363, %while3A_171 : vector<16xi1>, vector<16xf32>
          %select_n3A_365 = arith.select %and3A_268, %select_n3A_363, %while3A_172 : vector<16xi1>, vector<16xf32>
          %add3A_366 = arith.constant 1 : i32
          %add3A_367 = arith.addi %while3A_167, %add3A_366 : i32
          scf.yield %add3A_367, %select_n3A_272, %select_n3A_276, %select_n3A_364, %select_n3A_365 : i32, vector<16xi32>, vector<16xi32>, vector<16xf32>, vector<16xf32>
        } else {
          scf.yield %while3A_167, %while3A_168, %while3A_169, %while3A_171, %while3A_172 : i32, vector<16xi32>, vector<16xi32>, vector<16xf32>, vector<16xf32>
        }
        %lt3A_235 = arith.constant 300 : i32
        %lt3A_236 = arith.cmpi slt, %cond3A_234#0, %lt3A_235 : i32
        %and3A_237 = arith.andi %gt3A_230, %lt3A_236 : i1
        scf.yield %cond3A_234#0, %cond3A_234#1, %cond3A_234#2, %and3A_237, %cond3A_234#3, %cond3A_234#4 : i32, vector<16xi32>, vector<16xi32>, i1, vector<16xf32>, vector<16xf32>
      }
      %dma_start3A_93 = arith.constant 0 : i32
      %dma_start3A_94 = arith.constant 0 : i32
      %dma_start3A_95 = tpu.memref_slice %arg25[%dma_start3A_93, %dma_start3A_94] : memref<304x128xf32, #tpu.memory_space<vmem>> -> memref<128x128xf32, #tpu.memory_space<vmem>>
      %dma_start3A_96 = arith.constant 0 : i32
      %dma_start3A_97 = arith.constant 0 : i32
      %dma_start3A_98 = tpu.memref_slice %arg6[%dma_start3A_96, %dma_start3A_97] : memref<10000x128xf32, #tpu.memory_space<hbm>> -> memref<10000x128xf32, #tpu.memory_space<hbm>>
      tpu.enqueue_indirect_dma source(%dma_start3A_98 : memref<10000x128xf32, #tpu.memory_space<hbm>>) target(%dma_start3A_95 : memref<128x128xf32, #tpu.memory_space<vmem>>) offsets(%arg21 : memref<128xi32, #tpu.memory_space<vmem>>) semaphore(%arg26 : memref<!tpu.dma_semaphore, #tpu.memory_space<semaphore_mem>>)
      %dma_start3A_99 = arith.constant 128 : i32
      %dma_start3A_100 = arith.constant 0 : i32
      %dma_start3A_101 = tpu.memref_slice %arg25[%dma_start3A_99, %dma_start3A_100] : memref<304x128xf32, #tpu.memory_space<vmem>> -> memref<128x128xf32, #tpu.memory_space<vmem>>
      %dma_start3A_102 = arith.constant 0 : i32
      %dma_start3A_103 = arith.constant 0 : i32
      %dma_start3A_104 = tpu.memref_slice %arg6[%dma_start3A_102, %dma_start3A_103] : memref<10000x128xf32, #tpu.memory_space<hbm>> -> memref<10000x128xf32, #tpu.memory_space<hbm>>
      tpu.enqueue_indirect_dma source(%dma_start3A_104 : memref<10000x128xf32, #tpu.memory_space<hbm>>) target(%dma_start3A_101 : memref<128x128xf32, #tpu.memory_space<vmem>>) offsets(%arg22 : memref<128xi32, #tpu.memory_space<vmem>>) semaphore(%arg26 : memref<!tpu.dma_semaphore, #tpu.memory_space<semaphore_mem>>)
      %dma_start3A_105 = arith.constant 256 : i32
      %dma_start3A_106 = arith.constant 0 : i32
      %dma_start3A_107 = tpu.memref_slice %arg25[%dma_start3A_105, %dma_start3A_106] : memref<304x128xf32, #tpu.memory_space<vmem>> -> memref<48x128xf32, #tpu.memory_space<vmem>>
      %dma_start3A_108 = arith.constant 0 : i32
      %dma_start3A_109 = arith.constant 0 : i32
      %dma_start3A_110 = tpu.memref_slice %arg6[%dma_start3A_108, %dma_start3A_109] : memref<10000x128xf32, #tpu.memory_space<hbm>> -> memref<10000x128xf32, #tpu.memory_space<hbm>>
      tpu.enqueue_indirect_dma source(%dma_start3A_110 : memref<10000x128xf32, #tpu.memory_space<hbm>>) target(%dma_start3A_107 : memref<48x128xf32, #tpu.memory_space<vmem>>) offsets(%arg23 : memref<48xi32, #tpu.memory_space<vmem>>) semaphore(%arg26 : memref<!tpu.dma_semaphore, #tpu.memory_space<semaphore_mem>>)
      %dma_wait3A_111 = arith.constant 0 : i32
      %dma_wait3A_112 = arith.constant 0 : i32
      %dma_wait3A_113 = tpu.memref_slice %arg25[%dma_wait3A_111, %dma_wait3A_112] : memref<304x128xf32, #tpu.memory_space<vmem>> -> memref<128x128xf32, #tpu.memory_space<vmem>>
      %dma_wait3A_114 = arith.constant 0 : i32
      %dma_wait3A_115 = arith.constant 0 : i32
      %dma_wait3A_116 = tpu.memref_slice %arg6[%dma_wait3A_114, %dma_wait3A_115] : memref<10000x128xf32, #tpu.memory_space<hbm>> -> memref<10000x128xf32, #tpu.memory_space<hbm>>
      tpu.wait_indirect_dma semaphore(%arg26 : memref<!tpu.dma_semaphore, #tpu.memory_space<semaphore_mem>>) src(%dma_wait3A_116 : memref<10000x128xf32, #tpu.memory_space<hbm>>) dst(%dma_wait3A_113 : memref<128x128xf32, #tpu.memory_space<vmem>>)
      %dma_wait3A_117 = arith.constant 128 : i32
      %dma_wait3A_118 = arith.constant 0 : i32
      %dma_wait3A_119 = tpu.memref_slice %arg25[%dma_wait3A_117, %dma_wait3A_118] : memref<304x128xf32, #tpu.memory_space<vmem>> -> memref<128x128xf32, #tpu.memory_space<vmem>>
      %dma_wait3A_120 = arith.constant 0 : i32
      %dma_wait3A_121 = arith.constant 0 : i32
      %dma_wait3A_122 = tpu.memref_slice %arg6[%dma_wait3A_120, %dma_wait3A_121] : memref<10000x128xf32, #tpu.memory_space<hbm>> -> memref<10000x128xf32, #tpu.memory_space<hbm>>
      tpu.wait_indirect_dma semaphore(%arg26 : memref<!tpu.dma_semaphore, #tpu.memory_space<semaphore_mem>>) src(%dma_wait3A_122 : memref<10000x128xf32, #tpu.memory_space<hbm>>) dst(%dma_wait3A_119 : memref<128x128xf32, #tpu.memory_space<vmem>>)
      %dma_wait3A_123 = arith.constant 256 : i32
      %dma_wait3A_124 = arith.constant 0 : i32
      %dma_wait3A_125 = tpu.memref_slice %arg25[%dma_wait3A_123, %dma_wait3A_124] : memref<304x128xf32, #tpu.memory_space<vmem>> -> memref<48x128xf32, #tpu.memory_space<vmem>>
      %dma_wait3A_126 = arith.constant 0 : i32
      %dma_wait3A_127 = arith.constant 0 : i32
      %dma_wait3A_128 = tpu.memref_slice %arg6[%dma_wait3A_126, %dma_wait3A_127] : memref<10000x128xf32, #tpu.memory_space<hbm>> -> memref<10000x128xf32, #tpu.memory_space<hbm>>
      tpu.wait_indirect_dma semaphore(%arg26 : memref<!tpu.dma_semaphore, #tpu.memory_space<semaphore_mem>>) src(%dma_wait3A_128 : memref<10000x128xf32, #tpu.memory_space<hbm>>) dst(%dma_wait3A_125 : memref<48x128xf32, #tpu.memory_space<vmem>>)
      %parallel_loop3A = arith.constant 0 : i32
      %parallel_loop3A_129 = arith.constant 1 : i32
      scf.for %parallel_loop3A_167 = %parallel_loop3A to %while3A_92#0 step %parallel_loop3A_129  : i32 {
        %parallel_loop3A_168 = vector.broadcast %parallel_loop3A_167 : i32 to vector<16xi32>
        %parallel_loop3A_169 = tpu.vector_load_idx %arg24[%parallel_loop3A_168] : memref<304xi32, #tpu.memory_space<vmem>>[vector<16xi32>], vector<16xi32>,
        %parallel_loop3A_170 = arith.constant 16 : i32
        %parallel_loop3A_171 = vector.broadcast %parallel_loop3A_170 : i32 to vector<16xi32>
        %parallel_loop3A_172 = arith.muli %parallel_loop3A_169, %parallel_loop3A_171 : vector<16xi32>
        %parallel_loop3A_173 = arith.addi %parallel_loop3A_172, %iota3A : vector<16xi32>
        %parallel_loop3A_174 = tpu.vector_load_idx %arg25[%parallel_loop3A_168, %parallel_loop3A_173] : memref<304x128xf32, #tpu.memory_space<vmem>>[vector<16xi32>, vector<16xi32>], vector<16xf32>,
        %parallel_loop3A_175 = tpu.iota {dimensions = array<i32: 0>} : vector<16xi32>
        %parallel_loop3A_176 = arith.constant 8 : i32
        %parallel_loop3A_177 = vector.broadcast %parallel_loop3A_176 : i32 to vector<16xi32>
        %parallel_loop3A_178 = arith.xori %parallel_loop3A_175, %parallel_loop3A_177 : vector<16xi32>
        %parallel_loop3A_179 = arith.constant 0 : i32
        %parallel_loop3A_180 = vector.broadcast %parallel_loop3A_179 : i32 to vector<16xi32>
        %parallel_loop3A_181 = arith.cmpi slt, %parallel_loop3A_178, %parallel_loop3A_180 : vector<16xi32>
        %parallel_loop3A_182 = arith.constant 16 : i32
        %parallel_loop3A_183 = vector.broadcast %parallel_loop3A_182 : i32 to vector<16xi32>
        %parallel_loop3A_184 = arith.addi %parallel_loop3A_178, %parallel_loop3A_183 : vector<16xi32>
        %parallel_loop3A_185 = arith.select %parallel_loop3A_181, %parallel_loop3A_184, %parallel_loop3A_178 : vector<16xi1>, vector<16xi32>
        %parallel_loop3A_186 = vector.shape_cast %parallel_loop3A_185 : vector<16xi32> to vector<16x1xi32>
        %parallel_loop3A_187 = vector.shape_cast %parallel_loop3A_186 : vector<16x1xi32> to vector<16xi32>
        %parallel_loop3A_188 = tpu.dynamic_gather %parallel_loop3A_174[%parallel_loop3A_187] in [0] : vector<16xf32>, vector<16xi32> -> vector<16xf32>
        %parallel_loop3A_189 = arith.maximumf %parallel_loop3A_174, %parallel_loop3A_188 : vector<16xf32>
        %parallel_loop3A_190 = arith.constant 4 : i32
        %parallel_loop3A_191 = vector.broadcast %parallel_loop3A_190 : i32 to vector<16xi32>
        %parallel_loop3A_192 = arith.xori %parallel_loop3A_175, %parallel_loop3A_191 : vector<16xi32>
        %parallel_loop3A_193 = arith.constant 0 : i32
        %parallel_loop3A_194 = vector.broadcast %parallel_loop3A_193 : i32 to vector<16xi32>
        %parallel_loop3A_195 = arith.cmpi slt, %parallel_loop3A_192, %parallel_loop3A_194 : vector<16xi32>
        %parallel_loop3A_196 = arith.constant 16 : i32
        %parallel_loop3A_197 = vector.broadcast %parallel_loop3A_196 : i32 to vector<16xi32>
        %parallel_loop3A_198 = arith.addi %parallel_loop3A_192, %parallel_loop3A_197 : vector<16xi32>
        %parallel_loop3A_199 = arith.select %parallel_loop3A_195, %parallel_loop3A_198, %parallel_loop3A_192 : vector<16xi1>, vector<16xi32>
        %parallel_loop3A_200 = vector.shape_cast %parallel_loop3A_199 : vector<16xi32> to vector<16x1xi32>
        %parallel_loop3A_201 = vector.shape_cast %parallel_loop3A_200 : vector<16x1xi32> to vector<16xi32>
        %parallel_loop3A_202 = tpu.dynamic_gather %parallel_loop3A_189[%parallel_loop3A_201] in [0] : vector<16xf32>, vector<16xi32> -> vector<16xf32>
        %parallel_loop3A_203 = arith.maximumf %parallel_loop3A_189, %parallel_loop3A_202 : vector<16xf32>
        %parallel_loop3A_204 = arith.constant 2 : i32
        %parallel_loop3A_205 = vector.broadcast %parallel_loop3A_204 : i32 to vector<16xi32>
        %parallel_loop3A_206 = arith.xori %parallel_loop3A_175, %parallel_loop3A_205 : vector<16xi32>
        %parallel_loop3A_207 = arith.constant 0 : i32
        %parallel_loop3A_208 = vector.broadcast %parallel_loop3A_207 : i32 to vector<16xi32>
        %parallel_loop3A_209 = arith.cmpi slt, %parallel_loop3A_206, %parallel_loop3A_208 : vector<16xi32>
        %parallel_loop3A_210 = arith.constant 16 : i32
        %parallel_loop3A_211 = vector.broadcast %parallel_loop3A_210 : i32 to vector<16xi32>
        %parallel_loop3A_212 = arith.addi %parallel_loop3A_206, %parallel_loop3A_211 : vector<16xi32>
        %parallel_loop3A_213 = arith.select %parallel_loop3A_209, %parallel_loop3A_212, %parallel_loop3A_206 : vector<16xi1>, vector<16xi32>
        %parallel_loop3A_214 = vector.shape_cast %parallel_loop3A_213 : vector<16xi32> to vector<16x1xi32>
        %parallel_loop3A_215 = vector.shape_cast %parallel_loop3A_214 : vector<16x1xi32> to vector<16xi32>
        %parallel_loop3A_216 = tpu.dynamic_gather %parallel_loop3A_203[%parallel_loop3A_215] in [0] : vector<16xf32>, vector<16xi32> -> vector<16xf32>
        %parallel_loop3A_217 = arith.maximumf %parallel_loop3A_203, %parallel_loop3A_216 : vector<16xf32>
        %parallel_loop3A_218 = arith.constant 1 : i32
        %parallel_loop3A_219 = vector.broadcast %parallel_loop3A_218 : i32 to vector<16xi32>
        %parallel_loop3A_220 = arith.xori %parallel_loop3A_175, %parallel_loop3A_219 : vector<16xi32>
        %parallel_loop3A_221 = arith.constant 0 : i32
        %parallel_loop3A_222 = vector.broadcast %parallel_loop3A_221 : i32 to vector<16xi32>
        %parallel_loop3A_223 = arith.cmpi slt, %parallel_loop3A_220, %parallel_loop3A_222 : vector<16xi32>
        %parallel_loop3A_224 = arith.constant 16 : i32
        %parallel_loop3A_225 = vector.broadcast %parallel_loop3A_224 : i32 to vector<16xi32>
        %parallel_loop3A_226 = arith.addi %parallel_loop3A_220, %parallel_loop3A_225 : vector<16xi32>
        %parallel_loop3A_227 = arith.select %parallel_loop3A_223, %parallel_loop3A_226, %parallel_loop3A_220 : vector<16xi1>, vector<16xi32>
        %parallel_loop3A_228 = vector.shape_cast %parallel_loop3A_227 : vector<16xi32> to vector<16x1xi32>
        %parallel_loop3A_229 = vector.shape_cast %parallel_loop3A_228 : vector<16x1xi32> to vector<16xi32>
        %parallel_loop3A_230 = tpu.dynamic_gather %parallel_loop3A_217[%parallel_loop3A_229] in [0] : vector<16xf32>, vector<16xi32> -> vector<16xf32>
        %parallel_loop3A_231 = arith.maximumf %parallel_loop3A_217, %parallel_loop3A_230 : vector<16xf32>
        %parallel_loop3A_232 = arith.cmpf oeq, %parallel_loop3A_174, %parallel_loop3A_231 : vector<16xf32>
        %parallel_loop3A_233 = tpu.all_reduce %parallel_loop3A_232 {dim = 0 : i64, kind = #tpu.reduction_kind<find_first_set>} : vector<16xi1> -> vector<16xi32>
        %parallel_loop3A_234 = arith.constant 0 : i32
        %parallel_loop3A_235 = vector.broadcast %parallel_loop3A_234 : i32 to vector<16xi32>
        %parallel_loop3A_236 = arith.cmpi eq, %iota3A, %parallel_loop3A_235 : vector<16xi32>
        tpu.vector_store_idx %arg19[%parallel_loop3A_168], %parallel_loop3A_231 masked %parallel_loop3A_236 : memref<304xf32, #tpu.memory_space<vmem>>[vector<16xi32>], vector<16xf32>, vector<16xi1>
        tpu.vector_store_idx %arg20[%parallel_loop3A_168], %parallel_loop3A_233 masked %parallel_loop3A_236 : memref<304xi32, #tpu.memory_space<vmem>>[vector<16xi32>], vector<16xi32>, vector<16xi1>
      } {sc.loop_unroll_factor = 2 : i64, sc.parallel_access}
      %mul3A_130 = arith.constant 304 : i32
      %mul3A_131 = arith.muli %add3A, %mul3A_130 : i32
      %mul3A_132 = arith.constant 4 : i32
      %mul3A_133 = arith.muli %mul3A_131, %mul3A_132 : i32
      %multiple_of3A_134 = tpu.assume_multiple %mul3A_133, 8 : i32
      %dma_start3A_135 = tpu.memref_slice %arg7[%multiple_of3A_134] : memref<4864xf32, #tpu.memory_space<hbm>> -> memref<1216xf32, #tpu.memory_space<hbm>>
      %dma_start3A_136 = tpu.memref_slice %arg7[%multiple_of3A_134] : memref<4864xf32, #tpu.memory_space<hbm>> -> memref<1216xf32, #tpu.memory_space<hbm>>
      tpu.enqueue_dma source(%arg16 : memref<1216xf32, #tpu.memory_space<vmem>>) target(%dma_start3A_136 : memref<1216xf32, #tpu.memory_space<hbm>>) target_semaphore(%arg26 : memref<!tpu.dma_semaphore, #tpu.memory_space<semaphore_mem>>)
      %mul3A_137 = arith.constant 304 : i32
      %mul3A_138 = arith.muli %add3A, %mul3A_137 : i32
      %multiple_of3A_139 = tpu.assume_multiple %mul3A_138, 8 : i32
      %dma_start3A_140 = tpu.memref_slice %arg8[%multiple_of3A_139] : memref<1216xf32, #tpu.memory_space<hbm>> -> memref<304xf32, #tpu.memory_space<hbm>>
      %dma_start3A_141 = tpu.memref_slice %arg8[%multiple_of3A_139] : memref<1216xf32, #tpu.memory_space<hbm>> -> memref<304xf32, #tpu.memory_space<hbm>>
      tpu.enqueue_dma source(%arg17 : memref<304xf32, #tpu.memory_space<vmem>>) target(%dma_start3A_141 : memref<304xf32, #tpu.memory_space<hbm>>) target_semaphore(%arg26 : memref<!tpu.dma_semaphore, #tpu.memory_space<semaphore_mem>>)
      %mul3A_142 = arith.constant 304 : i32
      %mul3A_143 = arith.muli %add3A, %mul3A_142 : i32
      %multiple_of3A_144 = tpu.assume_multiple %mul3A_143, 8 : i32
      %dma_start3A_145 = tpu.memref_slice %arg9[%multiple_of3A_144] : memref<1216xi32, #tpu.memory_space<hbm>> -> memref<304xi32, #tpu.memory_space<hbm>>
      %dma_start3A_146 = tpu.memref_slice %arg9[%multiple_of3A_144] : memref<1216xi32, #tpu.memory_space<hbm>> -> memref<304xi32, #tpu.memory_space<hbm>>
      tpu.enqueue_dma source(%arg18 : memref<304xi32, #tpu.memory_space<vmem>>) target(%dma_start3A_146 : memref<304xi32, #tpu.memory_space<hbm>>) target_semaphore(%arg26 : memref<!tpu.dma_semaphore, #tpu.memory_space<semaphore_mem>>)
      %mul3A_147 = arith.constant 304 : i32
      %mul3A_148 = arith.muli %add3A, %mul3A_147 : i32
      %multiple_of3A_149 = tpu.assume_multiple %mul3A_148, 8 : i32
      %dma_start3A_150 = tpu.memref_slice %arg10[%multiple_of3A_149] : memref<1216xf32, #tpu.memory_space<hbm>> -> memref<304xf32, #tpu.memory_space<hbm>>
      %dma_start3A_151 = tpu.memref_slice %arg10[%multiple_of3A_149] : memref<1216xf32, #tpu.memory_space<hbm>> -> memref<304xf32, #tpu.memory_space<hbm>>
      tpu.enqueue_dma source(%arg19 : memref<304xf32, #tpu.memory_space<vmem>>) target(%dma_start3A_151 : memref<304xf32, #tpu.memory_space<hbm>>) target_semaphore(%arg26 : memref<!tpu.dma_semaphore, #tpu.memory_space<semaphore_mem>>)
      %mul3A_152 = arith.constant 304 : i32
      %mul3A_153 = arith.muli %add3A, %mul3A_152 : i32
      %multiple_of3A_154 = tpu.assume_multiple %mul3A_153, 8 : i32
      %dma_start3A_155 = tpu.memref_slice %arg11[%multiple_of3A_154] : memref<1216xi32, #tpu.memory_space<hbm>> -> memref<304xi32, #tpu.memory_space<hbm>>
      %dma_start3A_156 = tpu.memref_slice %arg11[%multiple_of3A_154] : memref<1216xi32, #tpu.memory_space<hbm>> -> memref<304xi32, #tpu.memory_space<hbm>>
      tpu.enqueue_dma source(%arg20 : memref<304xi32, #tpu.memory_space<vmem>>) target(%dma_start3A_156 : memref<304xi32, #tpu.memory_space<hbm>>) target_semaphore(%arg26 : memref<!tpu.dma_semaphore, #tpu.memory_space<semaphore_mem>>)
      %dma_wait3A_157 = tpu.memref_slice %arg7[%multiple_of3A_134] : memref<4864xf32, #tpu.memory_space<hbm>> -> memref<1216xf32, #tpu.memory_space<hbm>>
      %dma_wait3A_158 = tpu.memref_slice %arg7[%multiple_of3A_134] : memref<4864xf32, #tpu.memory_space<hbm>> -> memref<1216xf32, #tpu.memory_space<hbm>>
      tpu.wait_dma2 semaphore(%arg26 : memref<!tpu.dma_semaphore, #tpu.memory_space<semaphore_mem>>) src(%arg16 : memref<1216xf32, #tpu.memory_space<vmem>>) dst(%dma_wait3A_158 : memref<1216xf32, #tpu.memory_space<hbm>>)
      %dma_wait3A_159 = tpu.memref_slice %arg8[%multiple_of3A_139] : memref<1216xf32, #tpu.memory_space<hbm>> -> memref<304xf32, #tpu.memory_space<hbm>>
      %dma_wait3A_160 = tpu.memref_slice %arg8[%multiple_of3A_139] : memref<1216xf32, #tpu.memory_space<hbm>> -> memref<304xf32, #tpu.memory_space<hbm>>
      tpu.wait_dma2 semaphore(%arg26 : memref<!tpu.dma_semaphore, #tpu.memory_space<semaphore_mem>>) src(%arg17 : memref<304xf32, #tpu.memory_space<vmem>>) dst(%dma_wait3A_160 : memref<304xf32, #tpu.memory_space<hbm>>)
      %dma_wait3A_161 = tpu.memref_slice %arg9[%multiple_of3A_144] : memref<1216xi32, #tpu.memory_space<hbm>> -> memref<304xi32, #tpu.memory_space<hbm>>
      %dma_wait3A_162 = tpu.memref_slice %arg9[%multiple_of3A_144] : memref<1216xi32, #tpu.memory_space<hbm>> -> memref<304xi32, #tpu.memory_space<hbm>>
      tpu.wait_dma2 semaphore(%arg26 : memref<!tpu.dma_semaphore, #tpu.memory_space<semaphore_mem>>) src(%arg18 : memref<304xi32, #tpu.memory_space<vmem>>) dst(%dma_wait3A_162 : memref<304xi32, #tpu.memory_space<hbm>>)
      %dma_wait3A_163 = tpu.memref_slice %arg10[%multiple_of3A_149] : memref<1216xf32, #tpu.memory_space<hbm>> -> memref<304xf32, #tpu.memory_space<hbm>>
      %dma_wait3A_164 = tpu.memref_slice %arg10[%multiple_of3A_149] : memref<1216xf32, #tpu.memory_space<hbm>> -> memref<304xf32, #tpu.memory_space<hbm>>
      tpu.wait_dma2 semaphore(%arg26 : memref<!tpu.dma_semaphore, #tpu.memory_space<semaphore_mem>>) src(%arg19 : memref<304xf32, #tpu.memory_space<vmem>>) dst(%dma_wait3A_164 : memref<304xf32, #tpu.memory_space<hbm>>)
      %dma_wait3A_165 = tpu.memref_slice %arg11[%multiple_of3A_154] : memref<1216xi32, #tpu.memory_space<hbm>> -> memref<304xi32, #tpu.memory_space<hbm>>
      %dma_wait3A_166 = tpu.memref_slice %arg11[%multiple_of3A_154] : memref<1216xi32, #tpu.memory_space<hbm>> -> memref<304xi32, #tpu.memory_space<hbm>>
      tpu.wait_dma2 semaphore(%arg26 : memref<!tpu.dma_semaphore, #tpu.memory_space<semaphore_mem>>) src(%arg20 : memref<304xi32, #tpu.memory_space<vmem>>) dst(%dma_wait3A_166 : memref<304xi32, #tpu.memory_space<hbm>>)
    } else {
    }
    return
  }
}

</mosaic_0001>

<sc_bundles>
// kernel: kernel.4.cloned.1.call-start
scs
__scs_entry_jumppad:
0x0: {  	(pc) =	sbr.rel $0x88, $3  }
0x1: {  	(tag) =	ssettag $0x0;
	lr =	simm.s32 $0x1  }
0x2: {  	[smem:$0x3F9E] =	sst lr;
	_ =	strace $0xD0000000  }
0x3: {  	_ = 	snop  }
0x4: {  	_ = 	snop  }
0x5: {  	_ = 	snop  }
0x6: {  	_ = 	snop  }
0x7: {  	_ = 	snop  }
__scs_overlays_trampoline_lowered:
0x8: {  	[smem:$0x3FAD] =	sst s0  }
0x9: {  	[smem:$0x3FAE] =	sst s1  }
0xa: {  	[smem:$0x3FAF] =	sst s2  }
0xb: {  	[smem:$0x3FB0] =	sst s3  }
0xc: {  	[smem:$0x3FB1] =	sst s4  }
0xd: {  	[smem:$0x3FB2] =	sst s5  }
0xe: {  	[smem:$0x3FB3] =	sst s6  }
0xf: {  	[smem:$0x3FB4] =	sst s7  }
0x10: {  	[smem:$0x3FB5] =	sst s8  }
0x11: {  	[smem:$0x3FB6] =	sst s9;
	s0 =	simm.s32 @!p0 $0x0  }
0x12: {  	s1 =	sld [smem:$0x3F9C];
	s0 =	simm.s32 @p0 $0x1  }
0x13: {  	[smem:$0x3FB7] =	sst s0;
	s0 =	simm.s32 @!p1 $0x0  }
0x14: {  	s2 =	sld [smem:$0x3F9B];
	s0 =	simm.s32 @p1 $0x1  }
0x15: {  	[smem:$0x3FB8] =	sst s0;
	s0 =	simm.s32 @!p2 $0x0  }
0x16: {  	s3 =	sld [smem:$0x3FDB];
	s0 =	simm.s32 @p2 $0x1  }
0x17: {  	s4 =	simm.s32 $0x1BF5;
	[smem:$0x3FBA] =	sst s0  }
0x18: {  	s0 =	sld [smem:$0x3F9D];
	_ =	swait.ge [sflag:s4], $0x0  }
0x19: {  	s7 =	sld [smem:$0x3F9E]  }
0x1a: {  	s8 =	sadd.s32 $0xFFFFE003, lr  }
0x1b: {  	s9 =	sadd.s32 $0xFFFFFEF7, lr;
	s5 =	simm.s32 $0xFFFFFFFF;
	p2 =	slt.u32 s8, $0xFFFFF086  }
0x1c: {  	p1 =	slt.u32 s9, $0xF7A;
	s5 =	simm.s32 @!p2 $0x0  }
0x1d: {  	s5 =	simm.s32 @p1 $0x1;
	p0 =	seq.s32 s7, s2  }
0x1e: {  	s7 =	smul.u32 @!p0 $0xF7A, s2;
	p2 =	seq.s32 @!p0 s5, $0x0  }
0x1f: {  	s9 =	smul.u32 $0xF7A, s1;
	s8 =	simm.s32 @!p0 $0x1BF5;
	p2 =	por !p2, p0  }
0x20: {  	[sflag:s8] =	ssyncset.s32 @!p0 $0xFFFFF086;
	s6 =	sadd.s32 @!p0 s3, s7;
	s7 =	simm.s32 @!p0 $0x108  }
0x21: {  	s3 =	sadd.s32 s3, s9;
	s6 =	sadd.s32 @!p0 $0x88, s6;
	s7 =	simm.s32 @p2 $0x1082  }
0x22: {  	[simem:s7], [sflag:s8] =	dma.local @!p0 [hbm:s6], $0xF7A  }
0x23: {  	s9 =	sor.u32 $0xD0000000, s2;
	s6 =	simm.s32 $0x108;
	_ =	swait.ge @!p0 [sflag:s8], $0x0  }
0x24: {  	s3 =	sadd.s32 $0x88, s3;
	s6 =	simm.s32 @!p1 $0x1082;
	[sflag:s4] =	ssyncset.s32 $0xFFFFF086  }
0x25: {  	[simem:s6], [sflag:s4] =	dma.local [hbm:s3], $0xF7A  }
0x26: {  	[smem:$0x3F9E] =	sst s1;
	(tag) =	ssettag s2;
	_ =	strace s9  }
0x27: {  	s1 =	sld [smem:$0x3FAE]  }
0x28: {  	s2 =	sld [smem:$0x3FAF]  }
0x29: {  	s4 =	sld [smem:$0x3FB1]  }
0x2a: {  	p0 =	seq.s32 s5, $0x0;
	s5 =	sld [smem:$0x3FB2]  }
0x2b: {  	s6 =	sld [smem:$0x3FB3]  }
0x2c: {  	s7 =	sld [smem:$0x3FB4]  }
0x2d: {  	s3 =	simm.s32 $0x108;
	s8 =	sld [smem:$0x3FB5]  }
0x2e: {  	s3 =	simm.s32 @!p0 $0x1082;
	s9 =	sld [smem:$0x3FB6]  }
0x2f: {  	lr =	sadd.s32 s0, s3;
	s0 =	sld [smem:$0x3FAD]  }
0x30: {  	s3 =	sld [smem:$0x3FB0]  }
0x31: {  	[smem:$0x3FB9] =	sst s10  }
0x32: {  	s10 =	sld [smem:$0x3FB7];
	_ =	sdelay $0x3  }
0x33: {  	p0 =	seq.s32 s10, $0x1;
	s10 =	sld [smem:$0x3FB9];
	_ =	sdelay $0x3  }
0x34: {  	[smem:$0x3FB9] =	sst s10  }
0x35: {  	s10 =	sld [smem:$0x3FB8];
	_ =	sdelay $0x3  }
0x36: {  	p1 =	seq.s32 s10, $0x1;
	s10 =	sld [smem:$0x3FB9];
	_ =	sdelay $0x3  }
0x37: {  	[smem:$0x3FB9] =	sst s10  }
0x38: {  	s10 =	sld [smem:$0x3FBA]  }
0x39: {  	_ = 	snop;
	(pc) =	sbr.ind lr, $3  }
0x3a: {  	_ = 	snop  }
0x3b: {  	_ = 	snop  }
0x3c: {  	p2 =	seq.s32 s10, $0x1;
	s10 =	sld [smem:$0x3FB9]  }
0x3d: {  	_ =	shalt  }
0x3e: {  	_ =	shalt  }
0x3f: {  	_ =	shalt  }
0x40: {  	_ =	shalt  }
0x41: {  	_ =	shalt  }
0x42: {  	_ =	shalt  }
0x43: {  	_ =	shalt  }
0x44: {  	_ =	shalt  }
0x45: {  	_ =	shalt  }
0x46: {  	_ =	shalt  }
0x47: {  	_ =	shalt  }
0x48: {  	_ =	shalt  }
0x49: {  	_ =	shalt  }
0x4a: {  	_ =	shalt  }
0x4b: {  	_ =	shalt  }
0x4c: {  	_ =	shalt  }
0x4d: {  	_ =	shalt  }
0x4e: {  	_ =	shalt  }
0x4f: {  	_ =	shalt  }
0x50: {  	_ =	shalt  }
0x51: {  	_ =	shalt  }
0x52: {  	_ =	shalt  }
0x53: {  	_ =	shalt  }
0x54: {  	_ =	shalt  }
0x55: {  	_ =	shalt  }
0x56: {  	_ =	shalt  }
0x57: {  	_ =	shalt  }
0x58: {  	_ =	shalt  }
0x59: {  	_ =	shalt  }
0x5a: {  	_ =	shalt  }
0x5b: {  	_ =	shalt  }
0x5c: {  	_ =	shalt  }
0x5d: {  	_ =	shalt  }
0x5e: {  	_ =	shalt  }
0x5f: {  	_ =	shalt  }
0x60: {  	_ =	shalt  }
0x61: {  	_ =	shalt  }
0x62: {  	_ =	shalt  }
0x63: {  	_ =	shalt  }
0x64: {  	_ =	shalt  }
0x65: {  	_ =	shalt  }
0x66: {  	_ =	shalt  }
0x67: {  	_ =	shalt  }
0x68: {  	_ =	shalt  }
0x69: {  	_ =	shalt  }
0x6a: {  	_ =	shalt  }
0x6b: {  	_ =	shalt  }
0x6c: {  	_ =	shalt  }
0x6d: {  	_ =	shalt  }
0x6e: {  	_ =	shalt  }
0x6f: {  	_ =	shalt  }
0x70: {  	_ =	shalt  }
0x71: {  	_ =	shalt  }
0x72: {  	_ =	shalt  }
0x73: {  	_ =	shalt  }
0x74: {  	_ =	shalt  }
0x75: {  	_ =	shalt  }
0x76: {  	_ =	shalt  }
0x77: {  	_ =	shalt  }
0x78: {  	_ =	shalt  }
0x79: {  	_ =	shalt  }
0x7a: {  	_ =	shalt  }
0x7b: {  	_ =	shalt  }
0x7c: {  	_ =	shalt  }
0x7d: {  	_ =	shalt  }
0x7e: {  	_ =	shalt  }
0x7f: {  	_ =	shalt  }
0x80: {  	_ =	shalt  }
0x81: {  	_ =	shalt  }
0x82: {  	_ =	shalt  }
0x83: {  	_ =	shalt  }
0x84: {  	_ =	shalt  }
0x85: {  	_ =	shalt  }
0x86: {  	_ =	shalt  }
0x87: {  	_ =	shalt  }
.Lfunc_end0:
.L_simem_size_0:
called_computation_lowered:
.L_overlay_start_0:
0x88: {  	s2 =	sld [smem:$0x3FD9]  }
0x89: {  	s3 =	sld [smem:$0x3FFE];
	_ =	sdelay $0x1  }
0x8a: {  	s1 =	srdreg.scid  }
0x8b: {  	s0 =	sand.u32 $0x1, s1  }
0x8c: {  	s16 =	sshll.u32 s0, $0xA;
	s2 =	sadd.s32 s3, s2  }
0x8d: {  	s2 =	sadd.s32 s2, s16  }
0x8e: {  	[smem:$0x3FC5] =	sst s2  }
0x8f: {  	_ = 	snop  }
0x90: {  	(tm) =	ssettm $0x1  }
0x91: {  	s17 =	sld [smem:$0x3FFB];
	_ =	sdelay $0x3  }
0x92: {  	_ =	strace s17  }
0x93: {  	s2 =	sld [smem:$0x3FFC];
	_ =	sdelay $0x3  }
0x94: {  	_ =	strace s2  }
0x95: {  	s2 =	sld [smem:$0x3FFD];
	_ =	sdelay $0x3  }
0x96: {  	_ =	strace s2  }
0x97: {  	_ =	strace $0x8FFFFFFF  }
0x98: {  	s18 =	sld [smem:$0x3FDB];
	_ =	sdelay $0x1  }
0x99: {  	s19 =	simm.s32 $_scs_section_size  }
0x9a: {  	s4 =	simm.s32 $_size__tile_overlayer_lowered;
	s5 =	simm.s32 $_tile_overlayer_lowered  }
0x9b: {  	s22 =	simm.s32 $0x1BFF;
	s21 =	sshll.u32 s5, $0x1;
	s2 =	sadd.s32 s19, s18  }
0x9c: {  	s6 =	simm.s32 $0x0;
	s20 =	sshll.u32 s4, $0x1;
	s4 =	sadd.s32 s21, s2  }
0x9d: {  	[timem:s6], [sflag:s22] =	dma.local [hbm:s4], s20  }
0x9e: {  	_ =	swait.ge [sflag:s22], s20  }
0x9f: {  	s3 =	ssub.s32 $0x0, s20;
	[sflag:s22] =	ssyncset.done $0x0  }
0xa0: {  	[sflag:s22] =	ssyncadd.s32 s3;
	_ =	sdelay $0x1  }
0xa1: {  	s23 =	simm.s32 $0x1B8B  }
0xa2: {  	_ =	swait.ge [sflag:s23], $0x1  }
0xa3: {  	[sflag:s23] =	ssyncset.done $0x0  }
0xa4: {  	s25 =	simm.s32 $0x1B8E;
	s24 =	sld [smem:$0x3FFE];
	[sflag:s23] =	ssyncadd.s32 $0xFFFFFFFF  }
0xa5: {  	s26 =	simm.s32 $execute0_lowered;
	[smem:$0x3FD2] =	sst s25  }
0xa6: {  	s4 =	sshll.u32 s26, $0x1;
	_ =	strace $0x80000046;
	[dreg:$0x1] =	wrdreg $0xFFFFFFFF  }
0xa7: {  	s28 =	simm.s32 $_size_execute0_lowered;
	s2 =	sadd.s32 s2, s4;
	[dreg:$0x0] =	wrdreg $0x0  }
0xa8: {  	s4 =	sshll.u32 s28, $0x1;
	[dreg:$0x2] =	wrdreg s2  }
0xa9: {  	[dreg:$0x3] =	wrdreg s4  }
0xaa: {  	[dreg:$0x4] =	wrdreg $0xC0  }
0xab: {  	_ =	task [dreg:s6], $0x5FFFF  }
0xac: {  	[dreg:$0x1] =	wrdreg $0xFFFFFFFF  }
0xad: {  	[dreg:$0x0] =	wrdreg $0x60  }
0xae: {  	[dreg:$0x2] =	wrdreg s24  }
0xaf: {  	[dreg:$0x3] =	wrdreg $0x9  }
0xb0: {  	_ =	task.clear_ibuf [dreg:s6], $0x4FFFF;
	_ =	strace $0x90000046  }
0xb1: {  	s29 =	simm.s32 $0x9;
	_ =	strace $0x80000048  }
0xb2: {  	_ =	swait.ge [sflag:s29], $0x1  }
0xb3: {  	[sflag:s29] =	ssyncadd.s32 $0xFFFFFFFF  }
0xb4: {  	_ =	strace $0x90000048  }
0xb5: {  	_ =	sfence  }
0xb6: {  	s30 =	sld [smem:$0x0];
	_ =	sdelay $0x2  }
0xb7: {  	s31 =	sshll.u32 s1, $0xD;
	s1 =	sshrl.u32 s1, $0x2  }
0xb8: {  	s3 =	sand.u32 $0x4000, s31;
	s1 =	sadd.s32 s1, s30  }
0xb9: {  	s0 =	sor.u32 s3, s0;
	s1 =	sshll.u32 s1, $0x11  }
0xba: {  	s0 =	sor.u32 s1, s0  }
0xbb: {  	s0 =	sadd.s32 $0x8F2B, s0  }
0xbc: {  	[sflag:s0] =	ssyncadd.remote.s32 $0x1  }
0xbd: {  	_ =	sfence.sel $0xFFFF  }
0xbe: {  	[dreg:$0x0] =	wrdreg $0xFFFFFFFF;
	(pc) =	sbr.abs _section_cstart, $3  }
0xbf: {  	[dreg:$0x1] =	wrdreg $0xFFFFFFFF  }
0xc0: {  	_ =	task.clear_ibuf [dreg:s6], $0x2FFFF;
	_ =	strace $0x9FFFFFFF  }
0xc1: {  	(tm) =	ssettm $0x7FFFFFFF  }
tec
execute0_lowered:
.L_overlay_start_1:
0x0: {  	(tag) =	ssettag $0x1  }
0x1: {  	v0 =	vlaneseq.u32  }
0x2: {  	v1 =	vmul.u32 $0x10, v0;
	_ =	sdelay $0x1  }
0x3: {  	v4 =	vor.u32 $0x4E00, v1  }
0x4: {  	v5 =	vor.u32 $0x10C, v1;
	[tilespmem:$0x1FC80] =	vst v4  }
0x5: {  	v6 =	vor.u32 $0x10D, v1;
	[tilespmem:$0x1FF30] =	vst v5  }
0x6: {  	v7 =	vor.u32 $0x202, v1;
	[tilespmem:$0x1FF40] =	vst v6  }
0x7: {  	v4 =	vor.u32 $0x4E01, v1;
	[tilespmem:$0x1FF90] =	vst v7  }
0x8: {  	[tilespmem:$0x1FC90] =	vst v4;
	v4 =	vor.u32 $0x4E02, v1  }
0x9: {  	[tilespmem:$0x1FCA0] =	vst v4;
	v4 =	vor.u32 $0x4E03, v1  }
0xa: {  	[tilespmem:$0x1FCB0] =	vst v4;
	v4 =	vor.u32 $0x4E04, v1  }
0xb: {  	[tilespmem:$0x1FCC0] =	vst v4;
	v4 =	vor.u32 $0x4E05, v1  }
0xc: {  	[tilespmem:$0x1FCD0] =	vst v4;
	v4 =	vor.u32 $0x4E06, v1  }
0xd: {  	[tilespmem:$0x1FCE0] =	vst v4;
	v4 =	vor.u32 $0x4E07, v1  }
0xe: {  	[tilespmem:$0x1FCF0] =	vst v4;
	v4 =	vor.u32 $0x4E08, v1  }
0xf: {  	[tilespmem:$0x1FD00] =	vst v4;
	v4 =	vor.u32 $0x4E09, v1  }
0x10: {  	[tilespmem:$0x1FD10] =	vst v4;
	v4 =	vor.u32 $0x4E0A, v1  }
0x11: {  	[tilespmem:$0x1FD20] =	vst v4;
	v4 =	vor.u32 $0x4E0B, v1  }
0x12: {  	[tilespmem:$0x1FD30] =	vst v4;
	v4 =	vor.u32 $0x4E0C, v1  }
0x13: {  	[tilespmem:$0x1FD40] =	vst v4;
	v4 =	vor.u32 $0x4E0D, v1  }
0x14: {  	[tilespmem:$0x1FD50] =	vst v4;
	v4 =	vor.u32 $0x4E0E, v1  }
0x15: {  	[tilespmem:$0x1FD60] =	vst v4;
	v4 =	vor.u32 $0x4E0F, v1  }
0x16: {  	[tilespmem:$0x1FD70] =	vst v4;
	v4 =	vor.u32 $0x1, v1  }
0x17: {  	[tilespmem:$0x1FD80] =	vst v4;
	v4 =	vor.u32 $0x2, v1  }
0x18: {  	[tilespmem:$0x1FD90] =	vst v4;
	v4 =	vor.u32 $0x3, v1  }
0x19: {  	[tilespmem:$0x1FDA0] =	vst v4;
	v4 =	vor.u32 $0x4, v1  }
0x1a: {  	[tilespmem:$0x1FDB0] =	vst v4;
	v4 =	vor.u32 $0x5, v1  }
0x1b: {  	[tilespmem:$0x1FDC0] =	vst v4;
	v4 =	vor.u32 $0x6, v1  }
0x1c: {  	[tilespmem:$0x1FDD0] =	vst v4;
	v4 =	vor.u32 $0x7, v1  }
0x1d: {  	[tilespmem:$0x1FDE0] =	vst v4;
	v4 =	vor.u32 $0x8, v1  }
0x1e: {  	[tilespmem:$0x1FDF0] =	vst v4;
	v4 =	vor.u32 $0x9, v1  }
0x1f: {  	[tilespmem:$0x1FE00] =	vst v4;
	v4 =	vor.u32 $0xA, v1  }
0x20: {  	[tilespmem:$0x1FE10] =	vst v4;
	v4 =	vor.u32 $0xB, v1  }
0x21: {  	[tilespmem:$0x1FE20] =	vst v4;
	v4 =	vor.u32 $0xC, v1  }
0x22: {  	[tilespmem:$0x1FE30] =	vst v4;
	v4 =	vor.u32 $0xD, v1  }
0x23: {  	[tilespmem:$0x1FE40] =	vst v4;
	v4 =	vor.u32 $0xE, v1  }
0x24: {  	[tilespmem:$0x1FE50] =	vst v4;
	v4 =	vor.u32 $0xF, v1  }
0x25: {  	[tilespmem:$0x1FE60] =	vst v4;
	v4 =	vor.u32 $0x100, v1  }
0x26: {  	[tilespmem:$0x1FE70] =	vst v4;
	v4 =	vor.u32 $0x101, v1  }
0x27: {  	[tilespmem:$0x1FE80] =	vst v4;
	v4 =	vor.u32 $0x102, v1  }
0x28: {  	[tilespmem:$0x1FE90] =	vst v4;
	v4 =	vor.u32 $0x103, v1  }
0x29: {  	[tilespmem:$0x1FEA0] =	vst v4;
	v4 =	vor.u32 $0x104, v1  }
0x2a: {  	[tilespmem:$0x1FEB0] =	vst v4;
	v4 =	vor.u32 $0x105, v1  }
0x2b: {  	[tilespmem:$0x1FEC0] =	vst v4;
	v4 =	vor.u32 $0x106, v1  }
0x2c: {  	[tilespmem:$0x1FED0] =	vst v4;
	v4 =	vor.u32 $0x107, v1  }
0x2d: {  	[tilespmem:$0x1FEE0] =	vst v4;
	v4 =	vor.u32 $0x108, v1  }
0x2e: {  	[tilespmem:$0x1FEF0] =	vst v4;
	v4 =	vor.u32 $0x109, v1  }
0x2f: {  	[tilespmem:$0x1FF00] =	vst v4;
	v4 =	vor.u32 $0x10A, v1  }
0x30: {  	[tilespmem:$0x1FF10] =	vst v4;
	v4 =	vor.u32 $0x10B, v1  }
0x31: {  	v8 =	vimm.s32 $0xEFCDAB89;
	v6 =	vor.u32 $0x10E, v1;
	[tilespmem:$0x1FF20] =	vst v4;
	v4 =	vimm.s32 $0xFEDCBA98  }
0x32: {  	v5 =	vimm.s32 $0x76543210;
	[tilespmem:$0x1FF50] =	vst v6;
	v6 =	vor.u32 $0x10F, v1;
	v4 =	vunpack.c.l.s4.s8 v4  }
0x33: {  	s0 =	rddreg [dreg:$0x0];
	s1 =	simm.s32 $0x0;
	v9 =	vimm.s32 $0x67452301;
	s12 =	simm.s32 $0x4F00;
	v5 =	vunpack.c.l.s4.s8 v5;
	[tilespmem:$0x1FF60] =	vst v6;
	v6 =	vor.u32 $0x200, v1  }
0x34: {  	v2 =	vimm.f32 $-Inf;
	s13 =	simm.s32 $0x9D80;
	s14 =	simm.s32 $0xEC00;
	s15 =	simm.s32 $0x13A80;
	[tilespmem:$0x1FF70] =	vst v6;
	v6 =	vor.u32 $0x201, v1;
	v4 =	vunpack.c.0.s8.s32 v4  }
0x35: {  	s17 =	simm.s32 $0x18900;
	[smem:$0x7FF] =	sst s1;
	v7 =	vor.u32 $0x203, v1;
	v5 =	vunpack.c.0.s8.s32 v5;
	[tilespmem:$0x1FF80] =	vst v6;
	v6 =	vimm.s32 $0xBA98FEDC  }
0x36: {  	s2 =	srdreg.scid;
	s18 =	simm.s32 $0x18E00;
	v6 =	vunpack.c.l.s4.s8 v6;
	_ =	strace $0x80000047;
	[tilespmem:$0x1FFA0] =	vst v7;
	v7 =	vor.u32 $0x204, v1;
	v4 =	vand.u32 $0xF, v4  }
0x37: {  	s5 =	stileid.u32;
	s16 =	simm.s32 $0x1;
	s19 =	simm.s32 $0x18F80;
	[tilespmem:$0x1FFB0] =	vst v7;
	v7 =	vimm.s32 $0x54761032;
	v56 =	vcombine.low v4, v5;
	v5 =	vimm.s32 $0x32107654  }
0x38: {  	s20 =	simm.s32 $0x19100;
	s21 =	simm.s32 $0x19280;
	s22 =	simm.s32 $0x19400;
	v4 =	vunpack.c.0.s8.s32 v6;
	v6 =	vimm.s32 $0xDCFE98BA;
	v5 =	vunpack.c.l.s4.s8 v5  }
0x39: {  	s23 =	simm.s32 $0x19580;
	s24 =	simm.s32 $0x19700;
	s2 =	sand.u32 $0x1, s2;
	v8 =	vunpack.c.l.s4.s8 v8;
	v7 =	vunpack.c.l.s4.s8 v7;
	v6 =	vunpack.c.l.s4.s8 v6  }
0x3a: {  	s3 =	sadd.s32 $0xB000, s0;
	s4 =	sadd.s32 $0x1200, s0;
	s28 =	sadd.s32 $0x3BE00, s0;
	v9 =	vunpack.c.l.s4.s8 v9;
	v10 =	vor.u32 $0x205, v1;
	v5 =	vunpack.c.0.s8.s32 v5  }
.Ltmp0:
0x3b: {  	v63 =	vor.u32 $0x206, v1;
	[dreg:$0x2] =	wrdreg s2;
	s2 =	ssub.s32 $0x2, s2;
	v7 =	vunpack.c.0.s8.s32 v7;
	v6 =	vunpack.c.0.s8.s32 v6;
	(pc) =	sbr.rel .LBB2_1-.Ltmp0, $4  }
0x3c: {  	s29 =	sadd.s32 $0x3CA00, s0;
	[dreg:$0x3] =	wrdreg s3;
	[tilespmem:$0x1FFC0] =	vst v10;
	s30 =	sshrl.u32 s2, $0x1;
	v58 =	vcombine.low v5, v4;
	v4 =	vunpack.c.0.s8.s32 v8;
	v5 =	vunpack.c.0.s8.s32 v9  }
0x3d: {  	v3 =	vimm.f32 $3.000000010e+38;
	s8 =	sadd.s32 $0x3D600, s0;
	[dreg:$0x4] =	wrdreg s28;
	[tilespmem:$0x1FFD0] =	vst v63;
	s2 =	ssub.s32 s2, s30;
	v60 =	vcombine.low v7, v6;
	v6 =	vor.u32 $0x207, v1  }
0x3e: {  	vm0 =	vmxor vm0, vm0;
	s9 =	sadd.s32 $0x40600, s0;
	[dreg:$0x5] =	wrdreg s29;
	s31 =	smax.u32 s2, $0x1;
	[tilespmem:$0x1FFE0] =	vst v6;
	v62 =	vcombine.low v5, v4;
	v4 =	vor.u32 $0x208, v1  }
0x3f: {  	vm1 =	vmmov $0x1;
	s10 =	sshll.u32 s5, $0x1;
	s2 =	simm.s32 $0x0;
	[dreg:$0x6] =	wrdreg s31;
	v5 =	vimm.s32 $0x0;
	[tilespmem:$0x1FFF0] =	vst v4;
	v4 =	vor.u32 $0x209, v1  }
.LBB2_21:
0x40: {  	s2 =	rddreg [dreg:$0x7]  }
0x41: {  	s0 =	rddreg [dreg:$0x6];
	s2 =	sadd.s32 $0x1, s2  }
0x42: {  	p0 =	sne.s32 s2, s0  }
.Ltmp1:
0x43: {  	_ = 	snop;
	(pc) =	sbr.rel @!p0 .LBB2_22-.Ltmp1, $1  }
0x44: {  	_ =	sdelay $0x3  }
.LBB2_1:
.Ltmp2:
0x45: {  	(pc) =	sbr.rel .LBB2_2-.Ltmp2, $2  }
0x46: {  	_ =	sdelay $0x2  }
0x47: {  	[dreg:$0x7] =	wrdreg s2;
	s28 =	simm.s32 $0x0  }
.LBB2_19:
0x48: {  	v6 =	vmov s31;
	s0 =	sshll.u32 s29, $0x1;
	s2 =	smul.u32 $0x26, s29  }
0x49: {  	s3 =	simm.s32 $0x19880;
	s6 =	rddreg [dreg:$0x4];
	[tilespmem:$0x19880] =	vst v6;
	s0 =	sadd.s32 s9, s0  }
0x4a: {  	[hbm4b:s0+s1] =	stream.linear.scatter [tilespmem:s3], [sflag:$0x1], $0x10, $0x38;
	[tilespmem:$0x19900] =	vst v63  }
0x4b: {  	s7 =	rddreg [dreg:$0x5];
	s26 =	smul.u32 $0x4C0, s29;
	s0 =	sadd.s32 s6, s2  }
0x4c: {  	[hbm4b:s0+s1] =	stream.linear.scatter [tilespmem:s23], [sflag:$0x1], $0x130, $0x38;
	[tilespmem:$0x19900] =	vst v63  }
0x4d: {  	s11 =	smul.u32 $0x98, s29;
	s29 =	sshrl.u32 s26, $0x3;
	s0 =	sadd.s32 s7, s2  }
0x4e: {  	[hbm4b:s0+s1] =	stream.linear.scatter [tilespmem:s24], [sflag:$0x1], $0x130, $0x38;
	[tilespmem:$0x19900] =	vst v63  }
0x4f: {  	s25 =	sadd.s32 s8, s11;
	s0 =	sadd.s32 s8, s29  }
0x50: {  	[hbm4b:s25+s1] =	stream.linear.scatter [tilespmem:s18], [sflag:$0x1], $0x130, $0x38;
	[tilespmem:$0x19900] =	vst v63  }
0x51: {  	s30 =	sadd.s32 $0x26, s0  }
0x52: {  	[hbm4b:s30+s1] =	stream.linear.scatter [tilespmem:s19], [sflag:$0x1], $0x130, $0x38;
	[tilespmem:$0x19900] =	vst v63  }
0x53: {  	s31 =	sadd.s32 $0x4C, s0  }
0x54: {  	[hbm4b:s31+s1] =	stream.linear.scatter [tilespmem:s20], [sflag:$0x1], $0x130, $0x38;
	[tilespmem:$0x19900] =	vst v63  }
0x55: {  	s0 =	sadd.s32 $0x72, s0  }
0x56: {  	[hbm4b:s0+s1] =	stream.linear.scatter [tilespmem:s21], [sflag:$0x1], $0x130, $0x38;
	[tilespmem:$0x19900] =	vst v63  }
0x57: {  	_ =	swait.ge [sflag:s16], $0x10  }
0x58: {  	[sflag:s16] =	ssyncset.done $0x0  }
0x59: {  	[sflag:s16] =	ssyncadd.s32 $0xFFFFFFF0  }
0x5a: {  	_ =	swait.ge [sflag:s16], $0x130  }
0x5b: {  	[sflag:s16] =	ssyncset.done $0x0  }
0x5c: {  	[sflag:s16] =	ssyncadd.s32 $0xFFFFFED0  }
0x5d: {  	_ =	swait.ge [sflag:s16], $0x130  }
0x5e: {  	[sflag:s16] =	ssyncset.done $0x0  }
0x5f: {  	[sflag:s16] =	ssyncadd.s32 $0xFFFFFED0  }
0x60: {  	_ =	swait.ge [sflag:s16], $0x130  }
0x61: {  	[sflag:s16] =	ssyncset.done $0x0  }
0x62: {  	[sflag:s16] =	ssyncadd.s32 $0xFFFFFED0  }
0x63: {  	_ =	swait.ge [sflag:s16], $0x130  }
0x64: {  	[sflag:s16] =	ssyncset.done $0x0  }
0x65: {  	[sflag:s16] =	ssyncadd.s32 $0xFFFFFED0  }
0x66: {  	_ =	swait.ge [sflag:s16], $0x130  }
0x67: {  	[sflag:s16] =	ssyncset.done $0x0  }
0x68: {  	[sflag:s16] =	ssyncadd.s32 $0xFFFFFED0  }
0x69: {  	_ =	swait.ge [sflag:s16], $0x130  }
0x6a: {  	[sflag:s16] =	ssyncset.done $0x0  }
0x6b: {  	[sflag:s16] =	ssyncadd.s32 $0xFFFFFED0  }
.LBB2_20:
0x6c: {  	s28 =	sadd.s32 $0x1, s28  }
0x6d: {  	p0 =	sne.s32 s28, $0x3  }
.Ltmp3:
0x6e: {  	_ = 	snop;
	(pc) =	sbr.rel @!p0 .LBB2_21-.Ltmp3, $1  }
0x6f: {  	_ =	sdelay $0x3  }
.LBB2_2:
0x70: {  	s0 =	sshll.u32 s28, $0x5  }
0x71: {  	s0 =	sor.u32 s10, s0  }
0x72: {  	p0 =	sgt.u32 s0, $0x4F  }
.Ltmp4:
0x73: {  	_ = 	snop;
	(pc) =	sbr.rel @p0 .LBB2_20-.Ltmp4, $1  }
0x74: {  	_ =	sdelay $0x3  }
0x75: {  	s2 =	smul.u32 $0xCD, s0  }
0x76: {  	s3 =	rddreg [dreg:$0x2]  }
0x77: {  	s29 =	sor.u32 s3, s0;
	s6 =	sshrl.u32 s2, $0xC  }
0x78: {  	s7 =	smul.u32 $0x9C4, s29;
	s0 =	sand.u32 $0xF, s6  }
0x79: {  	s11 =	rddreg [dreg:$0x3];
	s5 =	smul.u32 $0x2710, s0  }
0x7a: {  	s25 =	simm.s32 $0x0;
	s2 =	sadd.s32 s11, s7;
	s0 =	smul.u32 $0x13880, s0  }
0x7b: {  	[tilespmem:s25], [sflag:$0x1] =	stream.linear.gather [hbm4b:s2+s25], $0x4E20, $0x38;
	[tilespmem:$0x19900] =	vst v63  }
0x7c: {  	s26 =	sadd.s32 s4, s5;
	s0 =	sshrl.u32 s0, $0x3  }
0x7d: {  	[tilespmem:s12], [sflag:$0x1] =	stream.linear.gather [hbm4b:s26+s25], $0x4E20, $0x38;
	[tilespmem:$0x19900] =	vst v63  }
0x7e: {  	s0 =	sadd.s32 s4, s0  }
0x7f: {  	s30 =	sadd.s32 $0x9C4, s0  }
0x80: {  	[tilespmem:s13], [sflag:$0x1] =	stream.linear.gather [hbm4b:s30+s25], $0x4E20, $0x38;
	[tilespmem:$0x19900] =	vst v63  }
0x81: {  	s31 =	sadd.s32 $0x1388, s0  }
0x82: {  	[tilespmem:s14], [sflag:$0x1] =	stream.linear.gather [hbm4b:s31+s25], $0x4E20, $0x38;
	[tilespmem:$0x19900] =	vst v63  }
0x83: {  	s0 =	sadd.s32 $0x1D4C, s0  }
0x84: {  	[tilespmem:s15], [sflag:$0x1] =	stream.linear.gather [hbm4b:s0+s25], $0x4E20, $0x38;
	[tilespmem:$0x19900] =	vst v63  }
0x85: {  	[tilespmem:$0x4E20] =	vst v2  }
0x86: {  	[tilespmem:$0x4E30] =	vst v2  }
0x87: {  	[tilespmem:$0x4E40] =	vst v2  }
0x88: {  	[tilespmem:$0x4E50] =	vst v2  }
0x89: {  	[tilespmem:$0x4E60] =	vst v2  }
0x8a: {  	[tilespmem:$0x4E70] =	vst v2  }
0x8b: {  	[tilespmem:$0x4E80] =	vst v2  }
0x8c: {  	[tilespmem:$0x4E90] =	vst v2  }
0x8d: {  	[tilespmem:$0x4EA0] =	vst v2  }
0x8e: {  	[tilespmem:$0x4EB0] =	vst v2  }
0x8f: {  	[tilespmem:$0x4EC0] =	vst v2  }
0x90: {  	[tilespmem:$0x4ED0] =	vst v2  }
0x91: {  	[tilespmem:$0x4EE0] =	vst v2  }
0x92: {  	[tilespmem:$0x4EF0] =	vst v2  }
0x93: {  	s2 =	simm.s32 $0x40;
	s0 =	simm.s32 $0x0;
	[tilespmem:$0x18DF0] =	vst v2  }
.LBB2_4:
0x94: {  	p0 =	sne.s32 s2, $0x480;
	[tilespmem:s0+$0x19400] =	vst v3;
	s3 =	smov.u32 s2;
	s2 =	sadd.s32 $0x40, s2  }
.Ltmp5:
0x95: {  	[tilespmem:s0+$0x19280] =	vst v3;
	(pc) =	sbr.rel @p0 .LBB2_4-.Ltmp5, $4  }
0x96: {  	[tilespmem:s0+$0x19100] =	vst v3  }
0x97: {  	[tilespmem:s0+$0x18E00] =	vst v3  }
0x98: {  	[tilespmem:s0+$0x18F80] =	vst v3  }
0x99: {  	s0 =	sshra.s32 s3, $0x2  }
0x9a: {  	[tilespmem:s0+$0x19400] =	vst v3  }
0x9b: {  	[tilespmem:s0+$0x19280] =	vst v3  }
0x9c: {  	[tilespmem:s0+$0x19100] =	vst v3  }
0x9d: {  	[tilespmem:s0+$0x18E00] =	vst v3  }
0x9e: {  	[tilespmem:s0+$0x18F80] =	vst v3  }
0x9f: {  	_ =	swait.ge [sflag:s16], $0x4E20  }
0xa0: {  	[sflag:s16] =	ssyncset.done $0x0  }
0xa1: {  	[sflag:s16] =	ssyncadd.s32 $0xFFFFB1E0  }
0xa2: {  	_ =	swait.ge [sflag:s16], $0x4E20  }
0xa3: {  	[sflag:s16] =	ssyncset.done $0x0  }
0xa4: {  	[sflag:s16] =	ssyncadd.s32 $0xFFFFB1E0  }
0xa5: {  	_ =	swait.ge [sflag:s16], $0x4E20  }
0xa6: {  	s31 =	simm.s32 $0x10;
	[sflag:s16] =	ssyncset.done $0x0  }
0xa7: {  	s2 =	simm.s32 $0x0;
	v6 =	vmov s31;
	[sflag:s16] =	ssyncadd.s32 $0xFFFFB1E0  }
0xa8: {  	v7 =	vmov s2;
	v6 =	vshll.u32 v6, $0x4;
	_ =	swait.ge [sflag:s16], $0x4E20  }
0xa9: {  	v7 =	vshll.u32 v7, $0x4;
	v11 =	vor.u32 v1, v6;
	[sflag:s16] =	ssyncset.done $0x0  }
0xaa: {  	v6 =	vor.u32 v1, v7;
	[sflag:s16] =	ssyncadd.s32 $0xFFFFB1E0  }
0xab: {  	v7 =	vor.u32 $0x1, v6;
	_ =	swait.ge [sflag:s16], $0x4E20  }
0xac: {  	v8 =	vor.u32 $0x2, v6;
	[sflag:s16] =	ssyncset.done $0x0  }
0xad: {  	v9 =	vor.u32 $0x3, v6;
	[sflag:s16] =	ssyncadd.s32 $0xFFFFB1E0  }
0xae: {  	v10 =	vor.u32 $0x4, v6;
	v14 =	vld.idx.msk [tilespmem:v11+s1+$0x0], $0xffff  }
0xaf: {  	v13 =	vor.u32 $0x5, v6;
	v12 =	vld.idx.msk [tilespmem:v6+s1+$0x0], $0xffff  }
0xb0: {  	v15 =	vor.u32 $0x6, v6;
	v7 =	vld.idx.msk [tilespmem:v7+s1+$0x0], $0xffff  }
0xb1: {  	v16 =	vor.u32 $0x7, v6;
	v8 =	vld.idx.msk [tilespmem:v8+s1+$0x0], $0xffff  }
0xb2: {  	v17 =	vor.u32 $0x8, v6;
	v9 =	vld.idx.msk [tilespmem:v9+s1+$0x0], $0xffff  }
0xb3: {  	v18 =	vor.u32 $0x9, v6;
	v10 =	vld.idx.msk [tilespmem:v10+s1+$0x0], $0xffff  }
0xb4: {  	v19 =	vor.u32 $0xA, v6;
	v13 =	vld.idx.msk [tilespmem:v13+s1+$0x0], $0xffff  }
0xb5: {  	v20 =	vor.u32 $0xB, v6;
	v15 =	vld.idx.msk [tilespmem:v15+s1+$0x0], $0xffff  }
0xb6: {  	v7 =	vmax.f32 v12, v7;
	v12 =	vld.idx.msk [tilespmem:v16+s1+$0x0], $0xffff;
	v16 =	vor.u32 $0xC, v6  }
0xb7: {  	v7 =	vmax.f32 v7, v8;
	v8 =	vld.idx.msk [tilespmem:v17+s1+$0x0], $0xffff;
	v17 =	vor.u32 $0xD, v6  }
0xb8: {  	v7 =	vmax.f32 v7, v9;
	v9 =	vld.idx.msk [tilespmem:v18+s1+$0x0], $0xffff;
	v18 =	vor.u32 $0xE, v6  }
0xb9: {  	v6 =	vor.u32 $0xF, v6;
	v7 =	vmax.f32 v7, v10;
	v10 =	vld.idx.msk [tilespmem:v19+s1+$0x0], $0xffff  }
0xba: {  	v19 =	vor.u32 $0x1, v11;
	v7 =	vmax.f32 v7, v13;
	v13 =	vld.idx.msk [tilespmem:v20+s1+$0x0], $0xffff  }
0xbb: {  	v20 =	vor.u32 $0x2, v11;
	v7 =	vmax.f32 v7, v15;
	v15 =	vld.idx.msk [tilespmem:v16+s1+$0x0], $0xffff  }
0xbc: {  	v16 =	vor.u32 $0x3, v11;
	v7 =	vmax.f32 v7, v12;
	v17 =	vld.idx.msk [tilespmem:v17+s1+$0x0], $0xffff  }
0xbd: {  	v21 =	vor.u32 $0x4, v11;
	v7 =	vmax.f32 v7, v8;
	v8 =	vld.idx.msk [tilespmem:v18+s1+$0x0], $0xffff  }
0xbe: {  	v22 =	vor.u32 $0x5, v11;
	v7 =	vmax.f32 v7, v9;
	v9 =	vld.idx.msk [tilespmem:v6+s1+$0x0], $0xffff  }
0xbf: {  	v24 =	vor.u32 $0x7, v11;
	v19 =	vld.idx.msk [tilespmem:v19+s1+$0x0], $0xffff;
	v6 =	vmax.f32 v7, v10  }
0xc0: {  	v23 =	vor.u32 $0x6, v11;
	v20 =	vld.idx.msk [tilespmem:v20+s1+$0x0], $0xffff;
	v6 =	vmax.f32 v6, v13  }
0xc1: {  	v25 =	vor.u32 $0x8, v11;
	v18 =	vld.idx.msk [tilespmem:v16+s1+$0x0], $0xffff;
	v6 =	vmax.f32 v6, v15  }
0xc2: {  	v12 =	vor.u32 $0x9, v11;
	v16 =	vld.idx.msk [tilespmem:v21+s1+$0x0], $0xffff;
	v7 =	vmax.f32 v6, v17  }
0xc3: {  	v10 =	vor.u32 $0xA, v11;
	v6 =	vor.u32 $0xB, v11;
	v17 =	vld.idx.msk [tilespmem:v22+s1+$0x0], $0xffff;
	v13 =	vmax.f32 v7, v8  }
0xc4: {  	v8 =	vor.u32 $0xC, v11;
	v21 =	vmax.f32 v14, v19;
	v14 =	vld.idx.msk [tilespmem:v24+s1+$0x0], $0xffff;
	v15 =	vmax.f32 v13, v9  }
0xc5: {  	v7 =	vor.u32 $0xD, v11;
	v13 =	vld.idx.msk [tilespmem:v23+s1+$0x0], $0xffff;
	v9 =	vor.u32 $0xE, v11;
	vm2 =	vgt.f32 v15, $5.000000070e-02  }
0xc6: {  	s0 =	simm.s32 $0x18910;
	s7 =	simm.s32 $0x0;
	s11 =	simm.s32 $0x30;
	v11 =	vor.u32 $0xF, v11;
	v20 =	vmax.f32 v21, v20;
	v19 =	vnsel vm2, $0xFF800000, v15;
	v15 =	vld.idx.msk [tilespmem:v25+s1+$0x0], $0xffff  }
.LBB2_6:
0xc7: {  	s2 =	sadd.s32 $0xFFFFFFF0, s11;
	v21 =	vmov s11;
	s7 =	sadd.s32 $0x2, s7;
	[tilespmem:s0+$0xFFFFFFF0] =	vst v19;
	v18 =	vmax.f32 v20, v18;
	v19 =	vld.idx.msk [tilespmem:v12+s1+$0x0], $0xffff  }
0xc8: {  	v12 =	vmov s2;
	v20 =	vshll.u32 v21, $0x4;
	p0 =	slt.u32 s7, $0x4C;
	v16 =	vmax.f32 v18, v16;
	v18 =	vld.idx.msk [tilespmem:v10+s1+$0x0], $0xffff  }
0xc9: {  	v10 =	vshll.u32 v12, $0x4;
	v20 =	vor.u32 v1, v20;
	v16 =	vmax.f32 v16, v17;
	v17 =	vld.idx.msk [tilespmem:v6+s1+$0x0], $0xffff  }
0xca: {  	v21 =	vor.u32 v1, v10;
	v22 =	vor.u32 $0x1, v20;
	v23 =	vor.u32 $0x2, v20;
	v24 =	vld.idx.msk [tilespmem:v8+s1+$0x0], $0xffff  }
0xcb: {  	v25 =	vor.u32 $0x3, v20;
	v26 =	vor.u32 $0x4, v20;
	v8 =	vor.u32 $0x1, v21;
	v27 =	vld.idx.msk [tilespmem:v7+s1+$0x0], $0xffff  }
0xcc: {  	v28 =	vor.u32 $0x5, v20;
	v29 =	vor.u32 $0x6, v20;
	v7 =	vor.u32 $0x2, v21;
	v30 =	vld.idx.msk [tilespmem:v9+s1+$0x0], $0xffff  }
0xcd: {  	v31 =	vor.u32 $0x7, v20;
	v32 =	vor.u32 $0x8, v20;
	v9 =	vor.u32 $0x3, v21;
	v33 =	vld.idx.msk [tilespmem:v11+s1+$0x0], $0xffff  }
0xce: {  	v12 =	vor.u32 $0x9, v20;
	v10 =	vor.u32 $0xA, v20;
	v11 =	vor.u32 $0x4, v21;
	v34 =	vld.idx.msk [tilespmem:v20+s1+$0x0], $0xffff  }
0xcf: {  	v6 =	vor.u32 $0xB, v20;
	v13 =	vmax.f32 v16, v13;
	v36 =	vor.u32 $0x5, v21;
	v35 =	vld.idx.msk [tilespmem:v21+s1+$0x0], $0xffff  }
0xd0: {  	v37 =	vor.u32 $0x6, v21;
	v13 =	vmax.f32 v13, v14;
	v16 =	vld.idx.msk [tilespmem:v8+s1+$0x0], $0xffff;
	v8 =	vor.u32 $0xC, v20  }
0xd1: {  	v38 =	vor.u32 $0x7, v21;
	v13 =	vmax.f32 v13, v15;
	v14 =	vld.idx.msk [tilespmem:v7+s1+$0x0], $0xffff;
	v7 =	vor.u32 $0xD, v20  }
0xd2: {  	v39 =	vor.u32 $0x8, v21;
	v13 =	vmax.f32 v13, v19;
	v15 =	vld.idx.msk [tilespmem:v9+s1+$0x0], $0xffff;
	v9 =	vor.u32 $0xE, v20  }
0xd3: {  	v40 =	vor.u32 $0x9, v21;
	v13 =	vmax.f32 v13, v18;
	v19 =	vld.idx.msk [tilespmem:v11+s1+$0x0], $0xffff;
	v11 =	vor.u32 $0xF, v20  }
0xd4: {  	v13 =	vmax.f32 v13, v17;
	v20 =	vor.u32 $0xA, v21;
	v18 =	vld.idx.msk [tilespmem:v36+s1+$0x0], $0xffff  }
0xd5: {  	v13 =	vmax.f32 v13, v24;
	v36 =	vor.u32 $0xB, v21;
	v17 =	vld.idx.msk [tilespmem:v37+s1+$0x0], $0xffff  }
0xd6: {  	v13 =	vmax.f32 v13, v27;
	v16 =	vmax.f32 v35, v16;
	v35 =	vor.u32 $0xC, v21;
	v24 =	vld.idx.msk [tilespmem:v38+s1+$0x0], $0xffff  }
0xd7: {  	v27 =	vor.u32 $0xD, v21;
	v13 =	vmax.f32 v13, v30;
	v14 =	vmax.f32 v16, v14;
	v16 =	vld.idx.msk [tilespmem:v39+s1+$0x0], $0xffff  }
0xd8: {  	v30 =	vor.u32 $0xE, v21;
	v13 =	vmax.f32 v13, v33;
	v14 =	vmax.f32 v14, v15;
	v15 =	vld.idx.msk [tilespmem:v40+s1+$0x0], $0xffff  }
0xd9: {  	vm2 =	vgt.f32 v13, $5.000000070e-02;
	v14 =	vmax.f32 v14, v19;
	v19 =	vld.idx.msk [tilespmem:v20+s1+$0x0], $0xffff;
	v20 =	vor.u32 $0xF, v21  }
0xda: {  	v13 =	vnsel vm2, $0xFF800000, v13;
	v14 =	vmax.f32 v14, v18;
	v18 =	vld.idx.msk [tilespmem:v36+s1+$0x0], $0xffff  }
0xdb: {  	v14 =	vmax.f32 v14, v17;
	v17 =	vld.idx.msk [tilespmem:v35+s1+$0x0], $0xffff;
	[tilespmem:s0+$0x0] =	vst v13  }
0xdc: {  	v13 =	vmax.f32 v14, v24;
	v14 =	vld.idx.msk [tilespmem:v27+s1+$0x0], $0xffff  }
0xdd: {  	v13 =	vmax.f32 v13, v16;
	v21 =	vld.idx.msk [tilespmem:v30+s1+$0x0], $0xffff  }
0xde: {  	v13 =	vmax.f32 v13, v15;
	v15 =	vld.idx.msk [tilespmem:v20+s1+$0x0], $0xffff  }
0xdf: {  	v13 =	vmax.f32 v13, v19;
	v19 =	vld.idx.msk [tilespmem:v22+s1+$0x0], $0xffff  }
0xe0: {  	v13 =	vmax.f32 v13, v18;
	v20 =	vld.idx.msk [tilespmem:v23+s1+$0x0], $0xffff  }
0xe1: {  	v13 =	vmax.f32 v13, v17;
	v18 =	vld.idx.msk [tilespmem:v25+s1+$0x0], $0xffff  }
.Ltmp6:
0xe2: {  	v13 =	vmax.f32 v13, v14;
	v16 =	vld.idx.msk [tilespmem:v26+s1+$0x0], $0xffff;
	(pc) =	sbr.rel @p0 .LBB2_6-.Ltmp6, $4  }
0xe3: {  	v13 =	vmax.f32 v13, v21;
	v17 =	vld.idx.msk [tilespmem:v28+s1+$0x0], $0xffff  }
0xe4: {  	v15 =	vmax.f32 v13, v15;
	v13 =	vld.idx.msk [tilespmem:v29+s1+$0x0], $0xffff  }
0xe5: {  	vm2 =	vgt.f32 v15, $5.000000070e-02;
	v21 =	vmax.f32 v34, v19;
	v14 =	vld.idx.msk [tilespmem:v31+s1+$0x0], $0xffff  }
0xe6: {  	s11 =	sadd.s32 $0x20, s11;
	s0 =	sadd.s32 $0x20, s0;
	v19 =	vnsel vm2, $0xFF800000, v15;
	v20 =	vmax.f32 v21, v20;
	v15 =	vld.idx.msk [tilespmem:v32+s1+$0x0], $0xffff  }
0xe7: {  	_ =	sdelay $0x2  }
0xe8: {  	v18 =	vmax.f32 v20, v18  }
0xe9: {  	v12 =	vld.idx.msk [tilespmem:v12+s1+$0x0], $0xffff;
	v16 =	vmax.f32 v18, v16  }
0xea: {  	v10 =	vld.idx.msk [tilespmem:v10+s1+$0x0], $0xffff;
	v16 =	vmax.f32 v16, v17  }
0xeb: {  	v6 =	vld.idx.msk [tilespmem:v6+s1+$0x0], $0xffff;
	v13 =	vmax.f32 v16, v13  }
0xec: {  	v8 =	vld.idx.msk [tilespmem:v8+s1+$0x0], $0xffff;
	v13 =	vmax.f32 v13, v14  }
0xed: {  	v7 =	vld.idx.msk [tilespmem:v7+s1+$0x0], $0xffff;
	v13 =	vmax.f32 v13, v15  }
0xee: {  	v9 =	vld.idx.msk [tilespmem:v9+s1+$0x0], $0xffff;
	v12 =	vmax.f32 v13, v12  }
0xef: {  	v11 =	vld.idx.msk [tilespmem:v11+s1+$0x0], $0xffff;
	v10 =	vmax.f32 v12, v10  }
0xf0: {  	v6 =	vmax.f32 v10, v6  }
0xf1: {  	v6 =	vmax.f32 v6, v8  }
0xf2: {  	v6 =	vmax.f32 v6, v7  }
0xf3: {  	v6 =	vmax.f32 v6, v9  }
0xf4: {  	v6 =	vmax.f32 v6, v11  }
0xf5: {  	vm2 =	vgt.f32 v6, $5.000000070e-02  }
0xf6: {  	[tilespmem:s0+$0xFFFFFFF0] =	vst v19;
	v6 =	vnsel vm2, $0xFF800000, v6  }
0xf7: {  	[tilespmem:s0+$0x0] =	vst v6  }
0xf8: {  	v6 =	vld [tilespmem:$0x1FC80]  }
0xf9: {  	v7 =	vld [tilespmem:$0x1FC90]  }
0xfa: {  	v8 =	vld [tilespmem:$0x1FCA0]  }
0xfb: {  	v9 =	vld [tilespmem:$0x1FCB0]  }
0xfc: {  	v10 =	vld [tilespmem:$0x1FCC0]  }
0xfd: {  	v11 =	vld [tilespmem:$0x1FCD0];
	_ =	sdelay $0x1  }
0xfe: {  	s30 =	simm.s32 $0x0  }
0xff: {  	v6 =	vld.idx.msk [tilespmem:v6+s30+$0x0], $0xffff  }
0x100: {  	v7 =	vld.idx.msk [tilespmem:v7+s30+$0x0], $0xffff  }
0x101: {  	v8 =	vld.idx.msk [tilespmem:v8+s30+$0x0], $0xffff  }
0x102: {  	v9 =	vld.idx.msk [tilespmem:v9+s30+$0x0], $0xffff  }
0x103: {  	v10 =	vld.idx.msk [tilespmem:v10+s30+$0x0], $0xffff  }
0x104: {  	v11 =	vld.idx.msk [tilespmem:v11+s30+$0x0], $0xffff  }
0x105: {  	v6 =	vmax.f32 v6, v7;
	v7 =	vld [tilespmem:$0x1FCE0]  }
0x106: {  	v6 =	vmax.f32 v6, v8;
	v8 =	vld [tilespmem:$0x1FCF0]  }
0x107: {  	v6 =	vmax.f32 v6, v9;
	v9 =	vld [tilespmem:$0x1FD00]  }
0x108: {  	v6 =	vmax.f32 v6, v10;
	v10 =	vld [tilespmem:$0x1FD10]  }
0x109: {  	v6 =	vmax.f32 v6, v11;
	v11 =	vld [tilespmem:$0x1FD20];
	_ =	sdelay $0x3  }
0x10a: {  	v7 =	vld.idx.msk [tilespmem:v7+s30+$0x0], $0xffff  }
0x10b: {  	v8 =	vld.idx.msk [tilespmem:v8+s30+$0x0], $0xffff  }
0x10c: {  	v9 =	vld.idx.msk [tilespmem:v9+s30+$0x0], $0xffff  }
0x10d: {  	v10 =	vld.idx.msk [tilespmem:v10+s30+$0x0], $0xffff  }
0x10e: {  	v11 =	vld.idx.msk [tilespmem:v11+s30+$0x0], $0xffff  }
0x10f: {  	v6 =	vmax.f32 v6, v7;
	v7 =	vld [tilespmem:$0x1FD30]  }
0x110: {  	v6 =	vmax.f32 v6, v8;
	v8 =	vld [tilespmem:$0x1FD40];
	_ =	sdelay $0x1  }
0x111: {  	v6 =	vmax.f32 v6, v9;
	v9 =	vld [tilespmem:$0x1FD50]  }
0x112: {  	v6 =	vmax.f32 v6, v10;
	v10 =	vld [tilespmem:$0x1FD60]  }
0x113: {  	v6 =	vmax.f32 v6, v11;
	v11 =	vld [tilespmem:$0x1FD70];
	_ =	sdelay $0x2  }
0x114: {  	v7 =	vld.idx.msk [tilespmem:v7+s30+$0x0], $0xffff  }
0x115: {  	v8 =	vld.idx.msk [tilespmem:v8+s30+$0x0], $0xffff;
	_ =	sdelay $0x1  }
0x116: {  	v9 =	vld.idx.msk [tilespmem:v9+s30+$0x0], $0xffff  }
0x117: {  	v10 =	vld.idx.msk [tilespmem:v10+s30+$0x0], $0xffff  }
0x118: {  	v11 =	vld.idx.msk [tilespmem:v11+s30+$0x0], $0xffff;
	v6 =	vmax.f32 v6, v7  }
0x119: {  	v6 =	vmax.f32 v6, v8;
	v8 =	vld [tilespmem:$0x1FD90];
	_ =	sdelay $0x1  }
0x11a: {  	v6 =	vmax.f32 v6, v9  }
0x11b: {  	v6 =	vmax.f32 v6, v10  }
0x11c: {  	v6 =	vmax.f32 v6, v11  }
0x11d: {  	vm2 =	vgt.f32 v6, $5.000000070e-02  }
0x11e: {  	v6 =	vnsel vm2, $0xFF800000, v6  }
0x11f: {  	[tilespmem:$0x18DE0] =	vst v6  }
0x120: {  	v11 =	vld.idx.msk [tilespmem:v8+s17+$0x0], $0xffff  }
0x121: {  	v8 =	vld [tilespmem:$0x1FDA0];
	_ =	sdelay $0x7  }
0x122: {  	v12 =	vld.idx.msk [tilespmem:v8+s17+$0x0], $0xffff  }
0x123: {  	v8 =	vld [tilespmem:$0x1FDB0];
	_ =	sdelay $0x7  }
0x124: {  	v13 =	vld.idx.msk [tilespmem:v8+s17+$0x0], $0xffff  }
0x125: {  	v8 =	vld [tilespmem:$0x1FDC0];
	_ =	sdelay $0x7  }
0x126: {  	v14 =	vld.idx.msk [tilespmem:v8+s17+$0x0], $0xffff  }
0x127: {  	v8 =	vld [tilespmem:$0x1FDD0];
	_ =	sdelay $0x7  }
0x128: {  	v15 =	vld.idx.msk [tilespmem:v8+s17+$0x0], $0xffff  }
0x129: {  	v8 =	vld [tilespmem:$0x1FDE0];
	_ =	sdelay $0x7  }
0x12a: {  	v16 =	vld.idx.msk [tilespmem:v8+s17+$0x0], $0xffff  }
0x12b: {  	v8 =	vld [tilespmem:$0x1FDF0];
	_ =	sdelay $0x7  }
0x12c: {  	v17 =	vld.idx.msk [tilespmem:v8+s17+$0x0], $0xffff  }
0x12d: {  	v8 =	vld [tilespmem:$0x1FE00];
	_ =	sdelay $0x7  }
0x12e: {  	v18 =	vld.idx.msk [tilespmem:v8+s17+$0x0], $0xffff  }
0x12f: {  	v8 =	vld [tilespmem:$0x1FE10];
	_ =	sdelay $0x7  }
0x130: {  	v19 =	vld.idx.msk [tilespmem:v8+s17+$0x0], $0xffff  }
0x131: {  	v8 =	vld [tilespmem:$0x1FE20];
	_ =	sdelay $0x7  }
0x132: {  	v20 =	vld.idx.msk [tilespmem:v8+s17+$0x0], $0xffff  }
0x133: {  	v8 =	vld [tilespmem:$0x1FE30];
	_ =	sdelay $0x7  }
0x134: {  	v21 =	vld.idx.msk [tilespmem:v8+s17+$0x0], $0xffff  }
0x135: {  	v8 =	vld [tilespmem:$0x1FE40];
	_ =	sdelay $0x7  }
0x136: {  	v22 =	vld.idx.msk [tilespmem:v8+s17+$0x0], $0xffff  }
0x137: {  	v8 =	vld [tilespmem:$0x1FE50];
	_ =	sdelay $0x7  }
0x138: {  	v23 =	vld.idx.msk [tilespmem:v8+s17+$0x0], $0xffff  }
0x139: {  	v8 =	vld [tilespmem:$0x1FE60];
	_ =	sdelay $0x7  }
0x13a: {  	v24 =	vld.idx.msk [tilespmem:v8+s17+$0x0], $0xffff  }
0x13b: {  	v8 =	vld [tilespmem:$0x1FE70];
	_ =	sdelay $0x7  }
0x13c: {  	v25 =	vld.idx.msk [tilespmem:v8+s17+$0x0], $0xffff  }
0x13d: {  	v8 =	vld [tilespmem:$0x1FE80];
	_ =	sdelay $0x7  }
0x13e: {  	v26 =	vld.idx.msk [tilespmem:v8+s17+$0x0], $0xffff  }
0x13f: {  	v8 =	vld [tilespmem:$0x1FE90];
	_ =	sdelay $0x7  }
0x140: {  	v27 =	vld.idx.msk [tilespmem:v8+s17+$0x0], $0xffff  }
0x141: {  	v8 =	vld [tilespmem:$0x1FEA0];
	_ =	sdelay $0x7  }
0x142: {  	v28 =	vld.idx.msk [tilespmem:v8+s17+$0x0], $0xffff  }
0x143: {  	v8 =	vld [tilespmem:$0x1FEB0];
	_ =	sdelay $0x7  }
0x144: {  	v29 =	vld.idx.msk [tilespmem:v8+s17+$0x0], $0xffff  }
0x145: {  	v8 =	vld [tilespmem:$0x1FEC0];
	_ =	sdelay $0x7  }
0x146: {  	v30 =	vld.idx.msk [tilespmem:v8+s17+$0x0], $0xffff  }
0x147: {  	v8 =	vld [tilespmem:$0x1FED0];
	_ =	sdelay $0x7  }
0x148: {  	v31 =	vld.idx.msk [tilespmem:v8+s17+$0x0], $0xffff  }
0x149: {  	v8 =	vld [tilespmem:$0x1FEE0];
	_ =	sdelay $0x7  }
0x14a: {  	v32 =	vld.idx.msk [tilespmem:v8+s17+$0x0], $0xffff  }
0x14b: {  	v8 =	vld [tilespmem:$0x1FEF0];
	_ =	sdelay $0x7  }
0x14c: {  	v33 =	vld.idx.msk [tilespmem:v8+s17+$0x0], $0xffff  }
0x14d: {  	v8 =	vld [tilespmem:$0x1FF00];
	_ =	sdelay $0x7  }
0x14e: {  	v34 =	vld.idx.msk [tilespmem:v8+s17+$0x0], $0xffff  }
0x14f: {  	v8 =	vld [tilespmem:$0x1FF10];
	_ =	sdelay $0x7  }
0x150: {  	v35 =	vld.idx.msk [tilespmem:v8+s17+$0x0], $0xffff  }
0x151: {  	v8 =	vld [tilespmem:$0x1FF20];
	_ =	sdelay $0x7  }
0x152: {  	v36 =	vld.idx.msk [tilespmem:v8+s17+$0x0], $0xffff  }
0x153: {  	v8 =	vld [tilespmem:$0x1FF30];
	_ =	sdelay $0x7  }
0x154: {  	v37 =	vld.idx.msk [tilespmem:v8+s17+$0x0], $0xffff  }
0x155: {  	v8 =	vld [tilespmem:$0x1FF40];
	_ =	sdelay $0x7  }
0x156: {  	v38 =	vld.idx.msk [tilespmem:v8+s17+$0x0], $0xffff  }
0x157: {  	v8 =	vld [tilespmem:$0x1FF50];
	_ =	sdelay $0x7  }
0x158: {  	v39 =	vld.idx.msk [tilespmem:v8+s17+$0x0], $0xffff  }
0x159: {  	v8 =	vld [tilespmem:$0x1FF60];
	_ =	sdelay $0x7  }
0x15a: {  	v40 =	vld.idx.msk [tilespmem:v8+s17+$0x0], $0xffff  }
0x15b: {  	v8 =	vld [tilespmem:$0x1FF70];
	_ =	sdelay $0x4  }
0x15c: {  	v49 =	vld [tilespmem:$0x1FFF0]  }
0x15d: {  	v7 =	vld [tilespmem:$0x1FD80]  }
0x15e: {  	v9 =	vld [tilespmem:$0x1FFD0]  }
0x15f: {  	v41 =	vld.idx.msk [tilespmem:v8+s17+$0x0], $0xffff  }
0x160: {  	v8 =	vld [tilespmem:$0x1FF80];
	_ =	sdelay $0x1  }
0x161: {  	v10 =	vld [tilespmem:$0x1FFE0];
	_ =	sdelay $0x1  }
0x162: {  	v6 =	vld.idx.msk [tilespmem:v1+s17+$0x0], $0xffff  }
0x163: {  	v7 =	vld.idx.msk [tilespmem:v7+s17+$0x0], $0xffff  }
0x164: {  	v49 =	vld.idx.msk [tilespmem:v49+s17+$0x0], $0xffff  }
0x165: {  	v55 =	vor.u32 $0x300, v1;
	v47 =	vld.idx.msk [tilespmem:v9+s17+$0x0], $0xffff  }
0x166: {  	v9 =	vor.u32 $0x20B, v1;
	v42 =	vld.idx.msk [tilespmem:v8+s17+$0x0], $0xffff  }
0x167: {  	v52 =	vor.u32 $0x20E, v1;
	v8 =	vld [tilespmem:$0x1FF90]  }
0x168: {  	v48 =	vld.idx.msk [tilespmem:v10+s17+$0x0], $0xffff;
	v10 =	vor.u32 $0x20C, v1  }
0x169: {  	v50 =	vor.u32 $0x20D, v1;
	v51 =	vld.idx.msk [tilespmem:v4+s17+$0x0], $0xffff  }
0x16a: {  	v55 =	vld.idx.msk [tilespmem:v55+s17+$0x0], $0xffff  }
0x16b: {  	v54 =	vld.idx.msk [tilespmem:v9+s17+$0x0], $0xffff  }
0x16c: {  	v59 =	vor.u32 $0x301, v1;
	v9 =	vld.idx.msk [tilespmem:v52+s17+$0x0], $0xffff  }
0x16d: {  	v52 =	vor.u32 $0x303, v1;
	v57 =	vld.idx.msk [tilespmem:v10+s17+$0x0], $0xffff  }
0x16e: {  	v10 =	vld.idx.msk [tilespmem:v50+s17+$0x0], $0xffff;
	v50 =	vor.u32 $0x302, v1  }
0x16f: {  	v61 =	vor.u32 $0x304, v1;
	v43 =	vld.idx.msk [tilespmem:v8+s17+$0x0], $0xffff  }
0x170: {  	v63 =	vor.u32 $0x305, v1;
	v6 =	vmax.f32 v6, v7;
	v8 =	vld [tilespmem:$0x1FFA0]  }
0x171: {  	v59 =	vld.idx.msk [tilespmem:v59+s17+$0x0], $0xffff;
	v7 =	vor.u32 $0x306, v1;
	v6 =	vmax.f32 v6, v11  }
0x172: {  	v6 =	vmax.f32 v6, v12;
	v12 =	vld.idx.msk [tilespmem:v52+s17+$0x0], $0xffff;
	v52 =	vor.u32 $0x308, v1  }
0x173: {  	v11 =	vld.idx.msk [tilespmem:v50+s17+$0x0], $0xffff;
	v6 =	vmax.f32 v6, v13  }
0x174: {  	v13 =	vld.idx.msk [tilespmem:v61+s17+$0x0], $0xffff;
	v6 =	vmax.f32 v6, v14  }
0x175: {  	v14 =	vld.idx.msk [tilespmem:v63+s17+$0x0], $0xffff;
	v63 =	vor.u32 $0x30A, v1;
	v6 =	vmax.f32 v6, v15  }
0x176: {  	v50 =	vor.u32 $0x307, v1;
	v15 =	vld.idx.msk [tilespmem:v7+s17+$0x0], $0xffff;
	v6 =	vmax.f32 v6, v16  }
0x177: {  	v61 =	vor.u32 $0x309, v1;
	v6 =	vmax.f32 v6, v17;
	v17 =	vld.idx.msk [tilespmem:v52+s17+$0x0], $0xffff  }
0x178: {  	v7 =	vor.u32 $0x30B, v1;
	v44 =	vld.idx.msk [tilespmem:v8+s17+$0x0], $0xffff  }
0x179: {  	v52 =	vor.u32 $0x30D, v1;
	v6 =	vmax.f32 v6, v18;
	v8 =	vld [tilespmem:$0x1FFB0]  }
0x17a: {  	v6 =	vmax.f32 v6, v19;
	v19 =	vld.idx.msk [tilespmem:v63+s17+$0x0], $0xffff;
	v63 =	vor.u32 $0x30F, v1  }
0x17b: {  	v6 =	vmax.f32 v6, v20;
	v16 =	vmax.f32 v25, v26;
	v25 =	vld.idx.msk [tilespmem:v50+s17+$0x0], $0xffff;
	v50 =	vor.u32 $0x30C, v1  }
0x17c: {  	v18 =	vld.idx.msk [tilespmem:v61+s17+$0x0], $0xffff;
	v6 =	vmax.f32 v6, v21  }
0x17d: {  	v20 =	vld.idx.msk [tilespmem:v7+s17+$0x0], $0xffff;
	v6 =	vmax.f32 v6, v22  }
0x17e: {  	v61 =	vor.u32 $0x30E, v1;
	v22 =	vld.idx.msk [tilespmem:v52+s17+$0x0], $0xffff;
	v6 =	vmax.f32 v6, v23  }
0x17f: {  	v6 =	vmax.f32 v6, v24;
	v24 =	vld.idx.msk [tilespmem:v63+s17+$0x0], $0xffff;
	v26 =	vor.u32 $0x401, v1  }
0x180: {  	v7 =	vor.u32 $0x400, v1;
	v21 =	vld.idx.msk [tilespmem:v50+s17+$0x0], $0xffff;
	v16 =	vmax.f32 v16, v27  }
0x181: {  	v16 =	vmax.f32 v16, v28;
	v63 =	vmax.f32 v41, v42;
	v41 =	vor.u32 $0x405, v1;
	v45 =	vld.idx.msk [tilespmem:v8+s17+$0x0], $0xffff  }
0x182: {  	v50 =	vor.u32 $0x402, v1;
	v16 =	vmax.f32 v16, v29;
	v8 =	vld [tilespmem:$0x1FFC0]  }
0x183: {  	v52 =	vor.u32 $0x403, v1;
	v23 =	vld.idx.msk [tilespmem:v61+s17+$0x0], $0xffff;
	v16 =	vmax.f32 v16, v30  }
0x184: {  	v61 =	vor.u32 $0x404, v1;
	v26 =	vld.idx.msk [tilespmem:v26+s17+$0x0], $0xffff;
	v16 =	vmax.f32 v16, v31  }
0x185: {  	v31 =	vld.idx.msk [tilespmem:v7+s17+$0x0], $0xffff;
	v16 =	vmax.f32 v16, v32  }
0x186: {  	v16 =	vmax.f32 v16, v33;
	v32 =	vld.idx.msk [tilespmem:v41+s17+$0x0], $0xffff;
	v41 =	vor.u32 $0x40C, v1  }
0x187: {  	v27 =	vld.idx.msk [tilespmem:v50+s17+$0x0], $0xffff;
	v16 =	vmax.f32 v16, v34;
	v42 =	vmax.f32 v63, v43;
	v43 =	vor.u32 $0x406, v1  }
0x188: {  	v50 =	vor.u32 $0x408, v1;
	v28 =	vld.idx.msk [tilespmem:v52+s17+$0x0], $0xffff;
	v52 =	vor.u32 $0x409, v1;
	v16 =	vmax.f32 v16, v35  }
0x189: {  	v29 =	vld.idx.msk [tilespmem:v61+s17+$0x0], $0xffff;
	v7 =	vmax.f32 v16, v36;
	v16 =	vmax.f32 v42, v44;
	v44 =	vor.u32 $0x407, v1  }
0x18a: {  	v61 =	vor.u32 $0x40A, v1;
	v63 =	vmax.f32 v55, v59;
	v46 =	vld.idx.msk [tilespmem:v8+s17+$0x0], $0xffff;
	v8 =	vor.u32 $0x20A, v1  }
0x18b: {  	v26 =	vmax.f32 v31, v26;
	v7 =	vmax.f32 v7, v37;
	v11 =	vmax.f32 v63, v11;
	v55 =	vld.idx.msk [tilespmem:v41+s17+$0x0], $0xffff  }
0x18c: {  	v26 =	vmax.f32 v26, v27;
	v7 =	vmax.f32 v7, v38;
	v11 =	vmax.f32 v11, v12;
	v30 =	vld.idx.msk [tilespmem:v43+s17+$0x0], $0xffff  }
0x18d: {  	v7 =	vmax.f32 v7, v39;
	v39 =	vor.u32 $0x40B, v1;
	v11 =	vmax.f32 v11, v13;
	v43 =	vld.idx.msk [tilespmem:v50+s17+$0x0], $0xffff  }
0x18e: {  	v7 =	vmax.f32 v7, v40;
	v11 =	vmax.f32 v11, v14;
	v40 =	vld.idx.msk [tilespmem:v44+s17+$0x0], $0xffff;
	v44 =	vor.u32 $0x40D, v1  }
0x18f: {  	v42 =	vmax.f32 v26, v28;
	v16 =	vmax.f32 v16, v45;
	v53 =	vld.idx.msk [tilespmem:v8+s17+$0x0], $0xffff;
	v8 =	vor.u32 $0x20F, v1  }
0x190: {  	v12 =	vmax.f32 v42, v29;
	v45 =	vld.idx.msk [tilespmem:v52+s17+$0x0], $0xffff;
	v16 =	vmax.f32 v16, v46;
	v46 =	vor.u32 $0x40E, v1  }
0x191: {  	v50 =	vor.u32 $0x40F, v1;
	v12 =	vmax.f32 v12, v32;
	v16 =	vmax.f32 v16, v47;
	v47 =	vld.idx.msk [tilespmem:v61+s17+$0x0], $0xffff  }
0x192: {  	v11 =	vmax.f32 v11, v15;
	v12 =	vmax.f32 v12, v30;
	v52 =	vld.idx.msk [tilespmem:v39+s17+$0x0], $0xffff;
	v16 =	vmax.f32 v16, v48  }
0x193: {  	v11 =	vmax.f32 v11, v25;
	v12 =	vmax.f32 v12, v40;
	v59 =	vld.idx.msk [tilespmem:v44+s17+$0x0], $0xffff;
	v16 =	vmax.f32 v16, v49  }
0x194: {  	v11 =	vmax.f32 v11, v17;
	v12 =	vmax.f32 v12, v43;
	v16 =	vmax.f32 v16, v51;
	v8 =	vld.idx.msk [tilespmem:v8+s17+$0x0], $0xffff  }
0x195: {  	v11 =	vmax.f32 v11, v18;
	v12 =	vmax.f32 v12, v45;
	v16 =	vmax.f32 v16, v53;
	v61 =	vld.idx.msk [tilespmem:v46+s17+$0x0], $0xffff  }
0x196: {  	v11 =	vmax.f32 v11, v19;
	v63 =	vld.idx.msk [tilespmem:v50+s17+$0x0], $0xffff;
	v16 =	vmax.f32 v16, v54;
	v12 =	vmax.f32 v12, v47  }
.Ltmp7:
0x197: {  	v11 =	vmax.f32 v11, v20;
	v16 =	vmax.f32 v16, v57;
	v12 =	vmax.f32 v12, v52;
	(pc) =	sbr.rel .LBB2_8-.Ltmp7, $4  }
0x198: {  	v11 =	vmax.f32 v11, v21;
	v10 =	vmax.f32 v16, v10;
	v12 =	vmax.f32 v12, v55  }
0x199: {  	v9 =	vmax.f32 v10, v9;
	v10 =	vmax.f32 v11, v22;
	v11 =	vmax.f32 v12, v59  }
0x19a: {  	v8 =	vmax.f32 v9, v8;
	v9 =	vmax.f32 v10, v23;
	v10 =	vmax.f32 v11, v61  }
0x19b: {  	s31 =	simm.s32 $0x0;
	v11 =	vimm.s32 $0x0;
	v9 =	vmax.f32 v9, v24;
	v10 =	vmax.f32 v10, v63  }
.LBB2_10:
0x19c: {  	vm2 =	vmmov vm0  }
.LBB2_17:
0x19d: {  	v27 =	vmax.f32 v21, v27  }
0x19e: {  	v32 =	vmax.f32 v20, v32;
	v33 =	vmin.f32 v19, v33;
	v36 =	vsub.f32 @p0 v41, v38  }
0x19f: {  	v28 =	vsub.f32 @p0 v28, v39;
	v27 =	vsub.f32 v33, v27;
	v29 =	vmax.f32 v21, v29  }
0x1a0: {  	v61 =	vmax.f32 v35, $0.0e+00;
	v32 =	vsub.f32 v34, v32;
	v29 =	vsub.f32 v30, v29  }
0x1a1: {  	v59 =	vadd.f32 v31, v23;
	v33 =	vmax.f32 @p0 v36, $9.999999930e-09;
	v28 =	vmax.f32 @p0 v28, $9.999999930e-09  }
0x1a2: {  	v27 =	vmax.f32 v27, $0.0e+00;
	v32 =	vmax.f32 v32, $0.0e+00;
	v29 =	vmax.f32 v29, $0.0e+00  }
0x1a3: {  	v26 =	vadd.f32 v26, v23;
	v27 =	vmul.f32 v32, v27;
	v29 =	vmul.f32 v61, v29  }
0x1a4: {  	v31 =	vmul.f32 @p0 $5.000000000e-01, v33;
	v28 =	vmul.f32 @p0 $5.000000000e-01, v28  }
0x1a5: {  	v26 =	vsub.f32 v26, v27;
	v30 =	vsub.f32 v59, v29  }
0x1a6: {  	vm2 =	vmor @p1 vm2, vm3;
	vm3 =	vgt.f32 @p0 v38, v31;
	vm4 =	vgt.f32 @p0 v39, v28  }
0x1a7: {  	vm3 =	vmor @p0 vm3, vm4;
	v26 =	vmax.f32 v26, $9.999999930e-09;
	v63 =	vmax.f32 v30, $9.999999930e-09  }
0x1a8: {  	vm4 =	vmmov vm0;
	v26 =	vmul.f32 $5.000000000e-01, v26;
	v28 =	vmul.f32 $5.000000000e-01, v63  }
0x1a9: {  	vm5 =	vmmov vm0;
	vm4 =	vmmov @p1 vm2;
	vm2 =	vmmov @p0 vm3  }
0x1aa: {  	vm2 =	vmor @p0 vm4, vm2;
	vm3 =	vgt.f32 v27, v26;
	vm15 =	vgt.f32 v29, v28  }
0x1ab: {  	vm5 =	vmmov @p0 vm2;
	vm3 =	vmor vm3, vm15  }
0x1ac: {  	vm2 =	vmor vm5, vm3  }
.LBB2_18:
0x1ad: {  	s2 =	ssub.s32 s7, s11  }
0x1ae: {  	p0 =	slt.s32 s2, $0x1  }
0x1af: {  	s2 =	sshll.u32 @!p0 s11, $0x4  }
0x1b0: {  	v26 =	vld @!p0 [tilespmem:s2+$0x19100]  }
0x1b1: {  	v27 =	vld @!p0 [tilespmem:s2+$0x18E00]  }
0x1b2: {  	v28 =	vld @!p0 [tilespmem:s2+$0x19280]  }
0x1b3: {  	v29 =	vld @!p0 [tilespmem:s2+$0x18F80];
	_ =	sdelay $0x3  }
0x1b4: {  	v30 =	vld @!p0 [tilespmem:s2+$0x19400];
	v26 =	vmin.f32 @!p0 v19, v26  }
0x1b5: {  	v27 =	vmax.f32 @!p0 v21, v27;
	v28 =	vmin.f32 @!p0 v17, v28;
	v29 =	vmax.f32 @!p0 v20, v29  }
0x1b6: {  	v26 =	vsub.f32 @!p0 v26, v27;
	v27 =	vsub.f32 @!p0 v28, v29;
	_ =	sdelay $0x1  }
0x1b7: {  	v26 =	vmax.f32 @!p0 v26, $0.0e+00;
	v27 =	vmax.f32 @!p0 v27, $0.0e+00  }
0x1b8: {  	v26 =	vmul.f32 @!p0 v27, v26;
	v27 =	vadd.f32 @!p0 v30, v23;
	_ =	sdelay $0x1  }
0x1b9: {  	v27 =	vsub.f32 @!p0 v27, v26;
	_ =	sdelay $0x1  }
0x1ba: {  	v27 =	vmax.f32 @!p0 v27, $9.999999930e-09  }
0x1bb: {  	v27 =	vmul.f32 @!p0 $5.000000000e-01, v27;
	_ =	sdelay $0x1  }
0x1bc: {  	vm3 =	vgt.f32 @!p0 v26, v27  }
0x1bd: {  	vm3 =	vmor @!p0 vm2, vm3  }
0x1be: {  	vm3 =	vmmov @p0 vm2;
	vm2 =	veq.s32 v25, v0  }
0x1bf: {  	v24 =	vsel vm2, $0xFF800000, v24  }
0x1c0: {  	v44 =	vperm.xlane v24, v56;
	_ =	sdelay $0x1  }
0x1c1: {  	v45 =	vand.u32 $0xF, v58;
	v25 =	vmax.f32 v24, v44  }
0x1c2: {  	v49 =	vmpcnt.ones.xlane vm3;
	v46 =	vperm.xlane v25, v45;
	_ =	sdelay $0x1  }
0x1c3: {  	v47 =	vand.u32 $0xF, v60;
	(v2sf) =	vpush v49, $0x0;
	v25 =	vmax.f32 v25, v46  }
0x1c4: {  	v48 =	vperm.xlane v25, v47;
	_ =	sdelay $0x1  }
0x1c5: {  	v50 =	vand.u32 $0xF, v62;
	v25 =	vmax.f32 v25, v48  }
0x1c6: {  	v51 =	vperm.xlane v25, v50;
	_ =	sdelay $0x1  }
0x1c7: {  	v25 =	vmax.f32 v25, v51  }
0x1c8: {  	vm2 =	vgt.f32 v25, $5.000000070e-02  }
0x1c9: {  	vm3 =	veq.s32 v22, v0;
	v52 =	vnsel vm2, $0xFF800000, v25  }
0x1ca: {  	vm2 =	vlt.f32 v12, $-Inf;
	v18 =	vsel vm3, v52, v18;
	vm3 =	vgt.f32 v12, $-Inf  }
0x1cb: {  	vm2 =	vmor vm3, vm2;
	vm3 =	vlt.s32 v49, $0x1  }
0x1cc: {  	vm4 =	vmand vm2, vm3  }
0x1cd: {  	v22 =	vperm.xlane v18, v56;
	vm3 =	vmand vm4, vm1;
	_ =	sdelay $0x1  }
0x1ce: {  	p6 =	slt.f32 s0, $-Inf;
	v22 =	vmax.f32 v18, v22  }
0x1cf: {  	p1 =	sgt.f32 s0, $-Inf;
	s26 =	spop (v2sf);
	v53 =	vperm.xlane v22, v45  }
0x1d0: {  	p2 =	seq.s32 s26, $0x0  }
0x1d1: {  	p0 =	por p1, p6;
	p1 =	por !p1, !p2;
	v22 =	vmax.f32 v22, v53  }
0x1d2: {  	v57 =	vshra.s32 v16, $0x4;
	v59 =	vand.u32 $0xF, v16;
	s0 =	simm.s32 $0x1;
	p0 =	por !p0, !p0;
	p1 =	por !p1, !p1;
	v25 =	vperm.xlane v22, v47;
	[tilespmem:v11+s18+$0x0] =	vst.idx.msk vm3, v21  }
0x1d3: {  	vm5 =	veq.s32 v57, $0x0;
	vm6 =	veq.s32 v59, v0;
	s0 =	simm.s32 @!p1 $0x0;
	p1 =	sgt.u32 @!p0 s30, $0x4E1E;
	[tilespmem:v11+s19+$0x0] =	vst.idx.msk vm3, v20  }
0x1d4: {  	vm7 =	veq.s32 v57, $0x1;
	vm13 =	veq.s32 v57, $0x2;
	s31 =	sadd.s32 s0, s31;
	p0 =	por p0, p1;
	v54 =	vmax.f32 v22, v25;
	[tilespmem:v11+s20+$0x0] =	vst.idx.msk vm3, v19  }
0x1d5: {  	vm14 =	veq.s32 v57, $0x3;
	vm12 =	vmand vm7, vm6;
	p1 =	slt.s32 @!p0 s31, $0x12C;
	v55 =	vperm.xlane v54, v50;
	[tilespmem:v11+s21+$0x0] =	vst.idx.msk vm3, v17  }
0x1d6: {  	vm15 =	veq.s32 v57, $0x4;
	vm11 =	vmand vm5, vm6;
	vm5 =	vmand vm12, vm2;
	p0 =	por p0, !p1;
	[tilespmem:v11+s22+$0x0] =	vst.idx.msk vm3, v23  }
.Ltmp8:
0x1d7: {  	v61 =	vsel vm4, $0x1, v5;
	vm4 =	vmand vm11, vm2;
	v63 =	vmax.f32 v54, v55;
	[tilespmem:v11+s23+$0x0] =	vst.idx.msk vm3, v12;
	(pc) =	sbr.rel @p0 .LBB2_19-.Ltmp8, $4  }
0x1d8: {  	v6 =	vsel vm4, v63, v6;
	v7 =	vsel vm5, v63, v7;
	vm4 =	vmand vm14, vm6;
	[tilespmem:v11+s24+$0x0] =	vst.idx.msk vm3, v15  }
0x1d9: {  	vm5 =	vmand vm15, vm6;
	vm4 =	vmand vm4, vm2;
	vm3 =	vmand vm13, vm6;
	[tilespmem:v14+s1+$0x0] =	vst.idx.msk vm2, v24  }
0x1da: {  	v11 =	vadd.s32 v61, v11;
	vm3 =	vmand vm3, vm2;
	[tilespmem:v13+s17+$0x0] =	vst.idx.msk vm2, v18;
	vm2 =	vmand vm5, vm2  }
0x1db: {  	s30 =	sadd.s32 $0x1, s30;
	v9 =	vsel vm4, v63, v9;
	v8 =	vsel vm3, v63, v8;
	v10 =	vsel vm2, v63, v10  }
.LBB2_8:
0x1dc: {  	v12 =	vmax.f32 v6, v7  }
0x1dd: {  	v12 =	vmax.f32 v12, v8  }
0x1de: {  	v12 =	vmax.f32 v12, v9  }
0x1df: {  	v12 =	vmax.f32 v12, v10  }
0x1e0: {  	v13 =	vperm.xlane v12, v56;
	_ =	sdelay $0x1  }
0x1e1: {  	v12 =	vmax.f32 v12, v13  }
0x1e2: {  	v13 =	vperm.xlane v12, v58;
	_ =	sdelay $0x1  }
0x1e3: {  	v12 =	vmax.f32 v12, v13  }
0x1e4: {  	v13 =	vperm.xlane v12, v60;
	_ =	sdelay $0x1  }
0x1e5: {  	v12 =	vmax.f32 v12, v13  }
0x1e6: {  	v13 =	vperm.xlane v12, v62;
	_ =	sdelay $0x1  }
0x1e7: {  	v12 =	vmax.f32 v12, v13  }
0x1e8: {  	vm2 =	veq.f32 v6, v12  }
0x1e9: {  	v13 =	vmctz.xlane vm2;
	_ =	sdelay $0x1  }
0x1ea: {  	vm2 =	veq.f32 v7, v12;
	vm3 =	vlt.s32 v13, $0x2D0  }
0x1eb: {  	v14 =	vmctz.xlane vm2;
	vm2 =	vlt.s32 v13, $0x10;
	v13 =	vnsel vm3, $0x2D0, v13  }
0x1ec: {  	v13 =	vnsel vm2, $0x2D0, v13;
	vm2 =	veq.f32 v8, v12  }
0x1ed: {  	v15 =	vadd.s32 $0x10, v14;
	v16 =	vmctz.xlane vm2  }
0x1ee: {  	vm4 =	veq.f32 v9, v12;
	vm3 =	vlt.s32 v13, v15;
	vm2 =	vlt.s32 v14, $0x10  }
0x1ef: {  	v14 =	vsel vm3, v13, v15;
	vm3 =	vlt.s32 v16, $0x10;
	v15 =	vadd.s32 $0x20, v16  }
0x1f0: {  	v13 =	vsel vm2, v14, v13;
	v14 =	vnsel vm3, $0x2D0, v15;
	v15 =	vmctz.xlane vm4  }
0x1f1: {  	vm3 =	veq.f32 v10, v12;
	vm2 =	vlt.s32 v13, v14  }
0x1f2: {  	v16 =	vmctz.xlane vm3;
	vm3 =	vlt.s32 v15, $0x10;
	v15 =	vadd.s32 $0x30, v15  }
0x1f3: {  	v13 =	vsel vm2, v13, v14;
	v14 =	vnsel vm3, $0x2D0, v15  }
0x1f4: {  	vm3 =	vlt.s32 v16, $0x10;
	v15 =	vadd.s32 $0x40, v16;
	vm2 =	vlt.s32 v13, v14  }
0x1f5: {  	v13 =	vsel vm2, v13, v14;
	v14 =	vnsel vm3, $0x2D0, v15  }
0x1f6: {  	vm2 =	vlt.s32 v13, v14  }
0x1f7: {  	v13 =	vsel vm2, v13, v14  }
0x1f8: {  	vm2 =	vlt.s32 v13, $0x4E  }
0x1f9: {  	v16 =	vnsel vm2, $0x4E, v13  }
0x1fa: {  	v14 =	vshll.u32 v16, $0x4  }
0x1fb: {  	v13 =	vor.u32 v0, v14;
	_ =	sdelay $0x4  }
0x1fc: {  	v18 =	vld.idx.msk [tilespmem:v13+s17+$0x0], $0xffff;
	_ =	sdelay $0x4  }
0x1fd: {  	vm2 =	veq.f32 v18, v12  }
0x1fe: {  	v15 =	vmctz.xlane vm2;
	_ =	sdelay $0x1  }
0x1ff: {  	vm2 =	vlt.s32 v15, $0xF  }
0x200: {  	v22 =	vnsel vm2, $0xF, v15  }
0x201: {  	v14 =	vadd.s32 v22, v14  }
0x202: {  	v15 =	vshll.u32 v14, $0x4  }
0x203: {  	v14 =	vor.u32 v0, v15;
	_ =	sdelay $0x4  }
0x204: {  	v24 =	vld.idx.msk [tilespmem:v14+s1+$0x0], $0xffff;
	_ =	sdelay $0x4  }
0x205: {  	vm2 =	veq.f32 v24, v12  }
0x206: {  	v17 =	vmctz.xlane vm2;
	_ =	sdelay $0x1  }
0x207: {  	vm2 =	vlt.s32 v17, $0xF  }
0x208: {  	v25 =	vnsel vm2, $0xF, v17  }
0x209: {  	s0 =	sadd.s32 $0xF, s31;
	(v2sf) =	vpush v12, $0x0;
	v15 =	vadd.s32 v25, v15  }
0x20a: {  	s2 =	sand.u32 $0xF, s0  }
0x20b: {  	p0 =	slt.s32 s31, $0xFFFFFFF2;
	s3 =	sshra.s32 s0, $0x1F;
	p1 =	sne.s32 s2, $0x0  }
0x20c: {  	s26 =	sshrl.u32 s3, $0x1C;
	p0 =	por !p0, !p1  }
0x20d: {  	s2 =	simm.s32 $0x1;
	s0 =	sadd.s32 s26, s0;
	p0 =	por !p0, !p0  }
0x20e: {  	s0 =	sshra.s32 s0, $0x4;
	s2 =	simm.s32 @!p0 $0x0;
	v21 =	vld.idx.msk [tilespmem:v15+s12+$0x0], $0xffff  }
0x20f: {  	s7 =	ssub.s32 s0, s2;
	v20 =	vld.idx.msk [tilespmem:v15+s13+$0x0], $0xffff  }
0x210: {  	s0 =	sshrl.u32 s7, $0x1F;
	v19 =	vld.idx.msk [tilespmem:v15+s14+$0x0], $0xffff  }
0x211: {  	s0 =	sadd.s32 s0, s7;
	v17 =	vld.idx.msk [tilespmem:v15+s15+$0x0], $0xffff  }
0x212: {  	s11 =	sand.u32 $0xFFFFFFFE, s0  }
0x213: {  	p0 =	slt.s32 s11, $0x1  }
.Ltmp9:
0x214: {  	_ = 	snop;
	(pc) =	sbr.rel @p0 .LBB2_18-.Ltmp9, $3  }
0x215: {  	_ = 	snop  }
0x216: {  	v23 =	vsub.f32 v19, v21;
	v26 =	vsub.f32 v17, v20;
	_ =	sdelay $0x1  }
0x217: {  	s0 =	spop (v2sf);
	vm2 =	vmmov vm0;
	v23 =	vmul.f32 v26, v23  }
0x218: {  	s25 =	simm.s32 $0x19290  }
0x219: {  	v26 =	vld [tilespmem:s25+$0xFFFFFFF0]  }
0x21a: {  	s3 =	simm.s32 $0x19110;
	v28 =	vld [tilespmem:s25+$0x0]  }
0x21b: {  	s6 =	simm.s32 $0x18F90;
	v30 =	vld [tilespmem:s3+$0x0]  }
0x21c: {  	s5 =	simm.s32 $0x18E10;
	v34 =	vld [tilespmem:s6+$0x0]  }
0x21d: {  	p2 =	sgt.s32 s11, $0x2;
	v27 =	vld [tilespmem:s5+$0xFFFFFFF0]  }
.Ltmp10:
0x21e: {  	v32 =	vld [tilespmem:s6+$0xFFFFFFF0];
	(pc) =	sbr.rel @!p2 .LBB2_10-.Ltmp10, $4  }
0x21f: {  	v33 =	vld [tilespmem:s3+$0xFFFFFFF0]  }
0x220: {  	s2 =	simm.s32 $0x19410;
	v29 =	vld [tilespmem:s5+$0x0]  }
0x221: {  	v31 =	vld [tilespmem:s2+$0x0];
	v28 =	vmin.f32 v17, v28;
	v35 =	vmax.f32 v20, v34  }
0x222: {  	p0 =	por $0x0, $0x0;
	p1 =	por $0x0, $0x0;
	v34 =	vmin.f32 v17, v26;
	v30 =	vmin.f32 v19, v30;
	v26 =	vld [tilespmem:s2+$0xFFFFFFF0];
	s2 =	simm.s32 $0x192B0;
	v35 =	vsub.f32 v28, v35  }
0x223: {  	v36 =	vld [tilespmem:s2+$0xFFFFFFF0]  }
0x224: {  	s3 =	simm.s32 $0x19130;
	v37 =	vld [tilespmem:s2+$0x0]  }
0x225: {  	s25 =	simm.s32 $0x18FB0;
	v39 =	vld [tilespmem:s3+$0x0]  }
0x226: {  	v27 =	vmax.f32 v21, v27;
	v28 =	vmax.f32 v20, v32;
	v61 =	vmin.f32 v19, v33;
	v40 =	vld [tilespmem:s25+$0x0]  }
0x227: {  	s5 =	simm.s32 $0x18E30;
	p2 =	sgt.s32 s11, $0x4;
	v34 =	vsub.f32 v34, v28;
	v32 =	vld [tilespmem:s25+$0xFFFFFFF0];
	v33 =	vsub.f32 v61, v27;
	v28 =	vmax.f32 v21, v29  }
.Ltmp11:
0x228: {  	v35 =	vmax.f32 v35, $0.0e+00;
	v27 =	vld [tilespmem:s5+$0xFFFFFFF0];
	v29 =	vsub.f32 v30, v28;
	(pc) =	sbr.rel @!p2 .LBB2_12-.Ltmp11, $4  }
0x229: {  	v28 =	vadd.f32 v31, v23;
	v31 =	vmax.f32 v34, $0.0e+00;
	v30 =	vmax.f32 v33, $0.0e+00;
	v33 =	vld [tilespmem:s3+$0xFFFFFFF0]  }
0x22a: {  	s26 =	simm.s32 $0x19430;
	v41 =	vmax.f32 v29, $0.0e+00;
	v37 =	vmin.f32 v17, v37;
	v38 =	vmul.f32 v31, v30;
	v29 =	vld [tilespmem:s5+$0x0]  }
0x22b: {  	v34 =	vmin.f32 v17, v36;
	v31 =	vld [tilespmem:s26+$0x0];
	v30 =	vmin.f32 v19, v39;
	v63 =	vmax.f32 v20, v40  }
0x22c: {  	s2 =	simm.s32 $0x192D0;
	p0 =	por $0x1, $0x1;
	v39 =	vmul.f32 v35, v41;
	v40 =	vld [tilespmem:s26+$0xFFFFFFF0];
	v41 =	vadd.f32 v26, v23;
	v35 =	vsub.f32 v37, v63  }
0x22d: {  	_ = 	snop  }
0x22e: {  	v26 =	vld [tilespmem:s2+$0xFFFFFFF0];
	v27 =	vmax.f32 v21, v27;
	v32 =	vmax.f32 v20, v32;
	v37 =	vsub.f32 v41, v38  }
0x22f: {  	s26 =	simm.s32 $0x19150;
	v36 =	vld [tilespmem:s2+$0x0];
	v33 =	vmin.f32 v19, v33;
	v55 =	vsub.f32 v28, v39;
	v34 =	vsub.f32 v34, v32  }
0x230: {  	s25 =	simm.s32 $0x18FD0;
	v42 =	vld [tilespmem:s26+$0x0];
	v35 =	vmax.f32 v35, $0.0e+00;
	v33 =	vsub.f32 v33, v27;
	v27 =	vmax.f32 v21, v29  }
0x231: {  	v43 =	vld [tilespmem:s25+$0x0];
	v29 =	vsub.f32 v30, v27;
	v28 =	vadd.f32 v31, v23;
	v30 =	vmax.f32 v55, $9.999999930e-09  }
0x232: {  	s2 =	simm.s32 $0x18E50;
	p2 =	sgt.s32 s11, $0x6;
	v32 =	vld [tilespmem:s25+$0xFFFFFFF0];
	v57 =	vmax.f32 v37, $9.999999930e-09;
	v34 =	vmax.f32 v34, $0.0e+00;
	v31 =	vmax.f32 v33, $0.0e+00  }
.Ltmp12:
0x233: {  	v27 =	vld [tilespmem:s2+$0xFFFFFFF0];
	v61 =	vmul.f32 $5.000000000e-01, v57;
	v45 =	vmul.f32 $5.000000000e-01, v30;
	v41 =	vadd.f32 v40, v23;
	(pc) =	sbr.rel @!p2 .LBB2_14-.Ltmp12, $4  }
0x234: {  	v33 =	vld [tilespmem:s26+$0xFFFFFFF0];
	v59 =	vmax.f32 v29, $0.0e+00;
	v44 =	vmin.f32 v17, v36;
	v36 =	vmul.f32 v34, v31  }
0x235: {  	s3 =	simm.s32 $0x19450;
	v34 =	vmin.f32 v17, v26;
	v29 =	vld [tilespmem:s2+$0x0];
	v30 =	vmin.f32 v19, v42;
	vm2 =	vgt.f32 v38, v61  }
0x236: {  	v31 =	vld [tilespmem:s3+$0x0];
	v63 =	vmax.f32 v20, v43;
	v37 =	vmul.f32 v35, v59;
	vm3 =	vgt.f32 v39, v45  }
0x237: {  	s5 =	simm.s32 $0x6;
	s6 =	simm.s32 $0x192F0;
	p1 =	por $0x1, $0x1;
	v26 =	vld [tilespmem:s3+$0xFFFFFFF0];
	v35 =	vsub.f32 v44, v63;
	vm3 =	vmor vm2, vm3;
	vm2 =	vmmov vm0  }
.LBB2_15:
0x238: {  	v38 =	vld [tilespmem:s6+$0xFFFFFFF0];
	v27 =	vmax.f32 v21, v27;
	v32 =	vmax.f32 v20, v32;
	s26 =	sadd.s32 $0x20, s26;
	s25 =	sadd.s32 $0x20, s25;
	s2 =	sadd.s32 $0x20, s2;
	vm2 =	vmor vm2, vm3  }
0x239: {  	s5 =	sadd.s32 $0x2, s5;
	v39 =	vld [tilespmem:s6+$0x0];
	v33 =	vmin.f32 v19, v33;
	v40 =	vsub.f32 v41, v36;
	v41 =	vsub.f32 v28, v37  }
0x23a: {  	p2 =	slt.s32 s5, s11;
	v34 =	vsub.f32 v34, v32;
	v42 =	vld [tilespmem:s26+$0x0];
	v33 =	vsub.f32 v33, v27;
	v27 =	vmax.f32 v21, v29  }
0x23b: {  	v43 =	vld [tilespmem:s25+$0x0];
	v29 =	vsub.f32 v30, v27;
	v28 =	vadd.f32 v31, v23;
	v30 =	vmax.f32 v41, $9.999999930e-09  }
0x23c: {  	v35 =	vmax.f32 v35, $0.0e+00;
	v27 =	vld [tilespmem:s2+$0xFFFFFFF0];
	v31 =	vmax.f32 v33, $0.0e+00;
	v33 =	vmax.f32 v40, $9.999999930e-09  }
.Ltmp13:
0x23d: {  	s3 =	sadd.s32 $0x20, s3;
	v34 =	vmax.f32 v34, $0.0e+00;
	v32 =	vld [tilespmem:s25+$0xFFFFFFF0];
	v40 =	vmax.f32 v29, $0.0e+00;
	v41 =	vmul.f32 $5.000000000e-01, v33;
	(pc) =	sbr.rel @p2 .LBB2_15-.Ltmp13, $4  }
0x23e: {  	v45 =	vmul.f32 $5.000000000e-01, v30;
	v44 =	vmul.f32 v34, v31;
	v33 =	vld [tilespmem:s26+$0xFFFFFFF0];
	v39 =	vmin.f32 v17, v39  }
0x23f: {  	v34 =	vmin.f32 v17, v38;
	v29 =	vld [tilespmem:s2+$0x0];
	v30 =	vmin.f32 v19, v42;
	vm3 =	vgt.f32 v36, v41  }
0x240: {  	vm4 =	vgt.f32 v37, v45;
	v37 =	vmul.f32 v35, v40;
	v36 =	vmovc v44;
	v31 =	vld [tilespmem:s3+$0x0];
	v38 =	vmax.f32 v20, v43  }
0x241: {  	s6 =	sadd.s32 $0x20, s6;
	v41 =	vadd.f32 v26, v23;
	vm3 =	vmor vm3, vm4;
	v35 =	vsub.f32 v39, v38;
	v26 =	vld [tilespmem:s3+$0xFFFFFFF0]  }
.Ltmp14:
0x242: {  	(pc) =	sbr.rel .LBB2_17-.Ltmp14, $2  }
0x243: {  	_ =	sdelay $0x2  }
0x244: {  	v38 =	vmov v36;
	v39 =	vmov v37  }
.LBB2_12:
.Ltmp15:
0x245: {  	_ = 	snop;
	(pc) =	sbr.rel .LBB2_17-.Ltmp15, $2  }
0x246: {  	_ =	sdelay $0x2  }
0x247: {  	vm2 =	vmmov vm0;
	v26 =	vmov v40  }
.LBB2_14:
.Ltmp16:
0x248: {  	(pc) =	sbr.rel .LBB2_17-.Ltmp16, $2  }
0x249: {  	_ =	sdelay $0x2  }
0x24a: {  	vm2 =	vmmov vm0;
	v38 =	vmov v36;
	v39 =	vmov v37  }
.LBB2_22:
0x24b: {  	_ =	sfence.sel $0x180000  }
0x24c: {  	[bflag:$0x0] =	sbarrier.arrive $0xFFFF  }
0x24d: {  	_ =	strace $0x90000047  }
0x24e: {  	s0 =	stileid.u32;
	[bflag:$0x2] =	sbarrier.arrive $0xFFFF  }
0x24f: {  	p0 =	sne.s32 s0, $0x0;
	s0 =	rddreg [dreg:$0x1]  }
0x250: {  	s0 =	sadd.s32 @!p0 $0x100000, s0  }
0x251: {  	[sflag:s0] =	ssyncadd.tile.s32 @!p0 $0x1;
	_ =	shalt  }
.Lfunc_end2:
_tile_overlayer_lowered:
.L_overlay_start_2:
0x252: {  	(tag) =	ssettag $0x2  }
0x253: {  	s0 =	rddreg [dreg:$0x0];
	s2 =	stileid.u32  }
0x254: {  	s1 =	rddreg [dreg:$0x1];
	p0 =	sne.s32 s2, $0x0  }
0x255: {  	s3 =	rddreg [dreg:$0x2];
	[bflag:$0x3] =	sbarrier.arrive $0xFFFF;
	s2 =	simm.s32 @!p0 $0x1C02  }
0x256: {  	[timem:s3], [sflag:s2] =	dma.local @!p0 [hbm:s0], s1  }
0x257: {  	s0 =	simm.s32 @!p0 $0x2  }
0x258: {  	_ =	swait.ge @!p0 [sflag:s0], s1  }
0x259: {  	s1 =	ssub.s32 @!p0 $0x0, s1;
	[sflag:s0] =	ssyncset.done @!p0 $0x0  }
0x25a: {  	[sflag:s0] =	ssyncadd.s32 @!p0 s1  }
0x25b: {  	[bflag:$0x3] =	sbarrier.arrive $0xFFFF  }
0x25c: {  	_ =	shalt  }

// kernel: kernel.7.cloned.1.call-start
scs
__scs_entry_jumppad:
0x0: {  	(pc) =	sbr.rel $0x88, $3  }
0x1: {  	(tag) =	ssettag $0x0;
	lr =	simm.s32 $0x1  }
0x2: {  	[smem:$0x3F9E] =	sst lr;
	_ =	strace $0xD0000000  }
0x3: {  	_ = 	snop  }
0x4: {  	_ = 	snop  }
0x5: {  	_ = 	snop  }
0x6: {  	_ = 	snop  }
0x7: {  	_ = 	snop  }
__scs_overlays_trampoline_lowered:
0x8: {  	[smem:$0x3FAD] =	sst s0  }
0x9: {  	[smem:$0x3FAE] =	sst s1  }
0xa: {  	[smem:$0x3FAF] =	sst s2  }
0xb: {  	[smem:$0x3FB0] =	sst s3  }
0xc: {  	[smem:$0x3FB1] =	sst s4  }
0xd: {  	[smem:$0x3FB2] =	sst s5  }
0xe: {  	[smem:$0x3FB3] =	sst s6  }
0xf: {  	[smem:$0x3FB4] =	sst s7  }
0x10: {  	[smem:$0x3FB5] =	sst s8  }
0x11: {  	[smem:$0x3FB6] =	sst s9;
	s0 =	simm.s32 @!p0 $0x0  }
0x12: {  	s1 =	sld [smem:$0x3F9C];
	s0 =	simm.s32 @p0 $0x1  }
0x13: {  	[smem:$0x3FB7] =	sst s0;
	s0 =	simm.s32 @!p1 $0x0  }
0x14: {  	s2 =	sld [smem:$0x3F9B];
	s0 =	simm.s32 @p1 $0x1  }
0x15: {  	[smem:$0x3FB8] =	sst s0;
	s0 =	simm.s32 @!p2 $0x0  }
0x16: {  	s3 =	sld [smem:$0x3FDB];
	s0 =	simm.s32 @p2 $0x1  }
0x17: {  	s4 =	simm.s32 $0x1BF5;
	[smem:$0x3FBA] =	sst s0  }
0x18: {  	s0 =	sld [smem:$0x3F9D];
	_ =	swait.ge [sflag:s4], $0x0  }
0x19: {  	s7 =	sld [smem:$0x3F9E]  }
0x1a: {  	s8 =	sadd.s32 $0xFFFFE003, lr  }
0x1b: {  	s9 =	sadd.s32 $0xFFFFFEF7, lr;
	s5 =	simm.s32 $0xFFFFFFFF;
	p2 =	slt.u32 s8, $0xFFFFF086  }
0x1c: {  	p1 =	slt.u32 s9, $0xF7A;
	s5 =	simm.s32 @!p2 $0x0  }
0x1d: {  	s5 =	simm.s32 @p1 $0x1;
	p0 =	seq.s32 s7, s2  }
0x1e: {  	s7 =	smul.u32 @!p0 $0xF7A, s2;
	p2 =	seq.s32 @!p0 s5, $0x0  }
0x1f: {  	s9 =	smul.u32 $0xF7A, s1;
	s8 =	simm.s32 @!p0 $0x1BF5;
	p2 =	por !p2, p0  }
0x20: {  	[sflag:s8] =	ssyncset.s32 @!p0 $0xFFFFF086;
	s6 =	sadd.s32 @!p0 s3, s7;
	s7 =	simm.s32 @!p0 $0x108  }
0x21: {  	s3 =	sadd.s32 s3, s9;
	s6 =	sadd.s32 @!p0 $0x88, s6;
	s7 =	simm.s32 @p2 $0x1082  }
0x22: {  	[simem:s7], [sflag:s8] =	dma.local @!p0 [hbm:s6], $0xF7A  }
0x23: {  	s9 =	sor.u32 $0xD0000000, s2;
	s6 =	simm.s32 $0x108;
	_ =	swait.ge @!p0 [sflag:s8], $0x0  }
0x24: {  	s3 =	sadd.s32 $0x88, s3;
	s6 =	simm.s32 @!p1 $0x1082;
	[sflag:s4] =	ssyncset.s32 $0xFFFFF086  }
0x25: {  	[simem:s6], [sflag:s4] =	dma.local [hbm:s3], $0xF7A  }
0x26: {  	[smem:$0x3F9E] =	sst s1;
	(tag) =	ssettag s2;
	_ =	strace s9  }
0x27: {  	s1 =	sld [smem:$0x3FAE]  }
0x28: {  	s2 =	sld [smem:$0x3FAF]  }
0x29: {  	s4 =	sld [smem:$0x3FB1]  }
0x2a: {  	p0 =	seq.s32 s5, $0x0;
	s5 =	sld [smem:$0x3FB2]  }
0x2b: {  	s6 =	sld [smem:$0x3FB3]  }
0x2c: {  	s7 =	sld [smem:$0x3FB4]  }
0x2d: {  	s3 =	simm.s32 $0x108;
	s8 =	sld [smem:$0x3FB5]  }
0x2e: {  	s3 =	simm.s32 @!p0 $0x1082;
	s9 =	sld [smem:$0x3FB6]  }
0x2f: {  	lr =	sadd.s32 s0, s3;
	s0 =	sld [smem:$0x3FAD]  }
0x30: {  	s3 =	sld [smem:$0x3FB0]  }
0x31: {  	[smem:$0x3FB9] =	sst s10  }
0x32: {  	s10 =	sld [smem:$0x3FB7];
	_ =	sdelay $0x3  }
0x33: {  	p0 =	seq.s32 s10, $0x1;
	s10 =	sld [smem:$0x3FB9];
	_ =	sdelay $0x3  }
0x34: {  	[smem:$0x3FB9] =	sst s10  }
0x35: {  	s10 =	sld [smem:$0x3FB8];
	_ =	sdelay $0x3  }
0x36: {  	p1 =	seq.s32 s10, $0x1;
	s10 =	sld [smem:$0x3FB9];
	_ =	sdelay $0x3  }
0x37: {  	[smem:$0x3FB9] =	sst s10  }
0x38: {  	s10 =	sld [smem:$0x3FBA]  }
0x39: {  	_ = 	snop;
	(pc) =	sbr.ind lr, $3  }
0x3a: {  	_ = 	snop  }
0x3b: {  	_ = 	snop  }
0x3c: {  	p2 =	seq.s32 s10, $0x1;
	s10 =	sld [smem:$0x3FB9]  }
0x3d: {  	_ =	shalt  }
0x3e: {  	_ =	shalt  }
0x3f: {  	_ =	shalt  }
0x40: {  	_ =	shalt  }
0x41: {  	_ =	shalt  }
0x42: {  	_ =	shalt  }
0x43: {  	_ =	shalt  }
0x44: {  	_ =	shalt  }
0x45: {  	_ =	shalt  }
0x46: {  	_ =	shalt  }
0x47: {  	_ =	shalt  }
0x48: {  	_ =	shalt  }
0x49: {  	_ =	shalt  }
0x4a: {  	_ =	shalt  }
0x4b: {  	_ =	shalt  }
0x4c: {  	_ =	shalt  }
0x4d: {  	_ =	shalt  }
0x4e: {  	_ =	shalt  }
0x4f: {  	_ =	shalt  }
0x50: {  	_ =	shalt  }
0x51: {  	_ =	shalt  }
0x52: {  	_ =	shalt  }
0x53: {  	_ =	shalt  }
0x54: {  	_ =	shalt  }
0x55: {  	_ =	shalt  }
0x56: {  	_ =	shalt  }
0x57: {  	_ =	shalt  }
0x58: {  	_ =	shalt  }
0x59: {  	_ =	shalt  }
0x5a: {  	_ =	shalt  }
0x5b: {  	_ =	shalt  }
0x5c: {  	_ =	shalt  }
0x5d: {  	_ =	shalt  }
0x5e: {  	_ =	shalt  }
0x5f: {  	_ =	shalt  }
0x60: {  	_ =	shalt  }
0x61: {  	_ =	shalt  }
0x62: {  	_ =	shalt  }
0x63: {  	_ =	shalt  }
0x64: {  	_ =	shalt  }
0x65: {  	_ =	shalt  }
0x66: {  	_ =	shalt  }
0x67: {  	_ =	shalt  }
0x68: {  	_ =	shalt  }
0x69: {  	_ =	shalt  }
0x6a: {  	_ =	shalt  }
0x6b: {  	_ =	shalt  }
0x6c: {  	_ =	shalt  }
0x6d: {  	_ =	shalt  }
0x6e: {  	_ =	shalt  }
0x6f: {  	_ =	shalt  }
0x70: {  	_ =	shalt  }
0x71: {  	_ =	shalt  }
0x72: {  	_ =	shalt  }
0x73: {  	_ =	shalt  }
0x74: {  	_ =	shalt  }
0x75: {  	_ =	shalt  }
0x76: {  	_ =	shalt  }
0x77: {  	_ =	shalt  }
0x78: {  	_ =	shalt  }
0x79: {  	_ =	shalt  }
0x7a: {  	_ =	shalt  }
0x7b: {  	_ =	shalt  }
0x7c: {  	_ =	shalt  }
0x7d: {  	_ =	shalt  }
0x7e: {  	_ =	shalt  }
0x7f: {  	_ =	shalt  }
0x80: {  	_ =	shalt  }
0x81: {  	_ =	shalt  }
0x82: {  	_ =	shalt  }
0x83: {  	_ =	shalt  }
0x84: {  	_ =	shalt  }
0x85: {  	_ =	shalt  }
0x86: {  	_ =	shalt  }
0x87: {  	_ =	shalt  }
.Lfunc_end0:
.L_simem_size_0:
called_computation.1_lowered:
.L_overlay_start_0:
0x88: {  	s2 =	sld [smem:$0x3FD9]  }
0x89: {  	s3 =	sld [smem:$0x3FFE];
	_ =	sdelay $0x1  }
0x8a: {  	s1 =	srdreg.scid  }
0x8b: {  	s0 =	sand.u32 $0x1, s1  }
0x8c: {  	s14 =	sshll.u32 s0, $0xA;
	s2 =	sadd.s32 s3, s2  }
0x8d: {  	s2 =	sadd.s32 s2, s14  }
0x8e: {  	[smem:$0x3FC5] =	sst s2  }
0x8f: {  	_ = 	snop  }
0x90: {  	s2 =	sld [smem:$0x3FD0];
	_ =	sdelay $0x2  }
0x91: {  	s15 =	simm.s32 $0xA;
	s4 =	simm.s32 $0x10  }
0x92: {  	[smem:s4], [sflag:s15] =	dma.local [hbm:s2], $0x1  }
0x93: {  	_ =	swait.eq [sflag:s15], $0x1  }
0x94: {  	[sflag:s15] =	ssyncset.done $0x0  }
0x95: {  	[sflag:s15] =	ssyncadd.s32 $0xFFFFFFFF  }
0x96: {  	s16 =	sld [smem:$0x10];
	(tm) =	ssettm $0x1  }
0x97: {  	s17 =	sld [smem:$0x3FFB];
	_ =	sdelay $0x3  }
0x98: {  	_ =	strace s17  }
0x99: {  	s3 =	sld [smem:$0x3FFC];
	_ =	sdelay $0x3  }
0x9a: {  	_ =	strace s3  }
0x9b: {  	s3 =	sld [smem:$0x3FFD];
	_ =	sdelay $0x3  }
0x9c: {  	_ =	strace s3  }
0x9d: {  	_ =	strace $0x8FFFFFFF  }
0x9e: {  	s18 =	sld [smem:$0x3FDB];
	_ =	sdelay $0x1  }
0x9f: {  	s19 =	simm.s32 $_scs_section_size  }
0xa0: {  	s5 =	simm.s32 $_size__tile_overlayer_lowered;
	s6 =	simm.s32 $_tile_overlayer_lowered  }
0xa1: {  	s22 =	simm.s32 $0x1BFF;
	s21 =	sshll.u32 s6, $0x1;
	s3 =	sadd.s32 s19, s18  }
0xa2: {  	s7 =	simm.s32 $0x0;
	s20 =	sshll.u32 s5, $0x1;
	s5 =	sadd.s32 s21, s3  }
0xa3: {  	[timem:s7], [sflag:s22] =	dma.local [hbm:s5], s20  }
0xa4: {  	_ =	swait.ge [sflag:s22], s20  }
0xa5: {  	s4 =	ssub.s32 $0x0, s20;
	[sflag:s22] =	ssyncset.done $0x0  }
0xa6: {  	[sflag:s22] =	ssyncadd.s32 s4;
	_ =	sdelay $0x1  }
0xa7: {  	s23 =	simm.s32 $0x1B8B  }
0xa8: {  	_ =	swait.ge [sflag:s23], $0x1  }
0xa9: {  	[sflag:s23] =	ssyncset.done $0x0  }
0xaa: {  	s25 =	simm.s32 $0x1B8E;
	s24 =	sld [smem:$0x3FFE];
	[sflag:s23] =	ssyncadd.s32 $0xFFFFFFFF  }
0xab: {  	s26 =	simm.s32 $execute0_lowered;
	[smem:$0x3FD2] =	sst s25  }
0xac: {  	s5 =	sshll.u32 s26, $0x1;
	_ =	strace $0x80000049;
	[dreg:$0x1] =	wrdreg $0xFFFFFFFF  }
0xad: {  	s28 =	simm.s32 $_size_execute0_lowered;
	s3 =	sadd.s32 s3, s5;
	[dreg:$0x0] =	wrdreg $0x0  }
0xae: {  	s5 =	sshll.u32 s28, $0x1;
	[dreg:$0x2] =	wrdreg s3  }
0xaf: {  	[dreg:$0x3] =	wrdreg s5  }
0xb0: {  	[dreg:$0x4] =	wrdreg $0xC0  }
0xb1: {  	_ =	task [dreg:s7], $0x5FFFF  }
0xb2: {  	[dreg:$0x1] =	wrdreg $0xFFFFFFFF  }
0xb3: {  	[dreg:$0x0] =	wrdreg $0x60  }
0xb4: {  	[dreg:$0x2] =	wrdreg s24  }
0xb5: {  	[dreg:$0x3] =	wrdreg s16  }
0xb6: {  	[dreg:$0x4] =	wrdreg $0x9  }
0xb7: {  	_ =	task.clear_ibuf [dreg:s7], $0x5FFFF;
	_ =	strace $0x90000049  }
0xb8: {  	s29 =	simm.s32 $0x9;
	_ =	strace $0x8000004B  }
0xb9: {  	_ =	swait.ge [sflag:s29], $0x1  }
0xba: {  	[sflag:s29] =	ssyncadd.s32 $0xFFFFFFFF  }
0xbb: {  	_ =	strace $0x9000004B  }
0xbc: {  	_ =	sfence  }
0xbd: {  	s30 =	sld [smem:$0x0];
	_ =	sdelay $0x2  }
0xbe: {  	s31 =	sshll.u32 s1, $0xD;
	s1 =	sshrl.u32 s1, $0x2  }
0xbf: {  	s3 =	sand.u32 $0x4000, s31;
	s1 =	sadd.s32 s1, s30  }
0xc0: {  	s0 =	sor.u32 s3, s0;
	s1 =	sshll.u32 s1, $0x11  }
0xc1: {  	s0 =	sor.u32 s1, s0  }
0xc2: {  	s0 =	sadd.s32 $0x8F2B, s0  }
0xc3: {  	[sflag:s0] =	ssyncadd.remote.s32 $0x1  }
0xc4: {  	_ =	sfence.sel $0xFFFF  }
0xc5: {  	[dreg:$0x0] =	wrdreg $0xFFFFFFFF;
	(pc) =	sbr.abs _section_cstart, $3  }
0xc6: {  	[dreg:$0x1] =	wrdreg $0xFFFFFFFF  }
0xc7: {  	_ =	task.clear_ibuf [dreg:s7], $0x2FFFF;
	_ =	strace $0x9FFFFFFF  }
0xc8: {  	(tm) =	ssettm $0x7FFFFFFF  }
0xc9: {  	_ =	shalt  }
tec
execute0_lowered:
.L_overlay_start_1:
0x0: {  	(tag) =	ssettag $0x1  }
0x1: {  	s3 =	stileid.u32  }
0x2: {  	p0 =	sgt.u32 s3, $0x1  }
.Ltmp0:
0x3: {  	_ = 	snop;
	(pc) =	sbr.rel @p0 .LBB2_24-.Ltmp0, $4  }
0x4: {  	_ = 	snop  }
0x5: {  	s0 =	rddreg [dreg:$0x0];
	s2 =	simm.s32 $0x0  }
0x6: {  	[smem:$0x7FF] =	sst s2  }
0x7: {  	s1 =	rddreg [dreg:$0x1];
	_ =	strace $0x8000004A  }
0x8: {  	v1 =	vimm.f32 $-1.000000000e+00  }
0x9: {  	vm1 =	vcmask $0x300;
	v3 =	vimm.s32 $0x130;
	v2 =	vimm.s32 $0xFFFFFFFF  }
0xa: {  	vm2 =	vcmask $0x704;
	vm3 =	vcmask $0xB08;
	v8 =	vimm.s32 $0x1690  }
0xb: {  	v9 =	vimm.s32 $0x76543210;
	v10 =	vimm.s32 $0xBA98FEDC;
	v11 =	vimm.s32 $0xFEDCBA98  }
0xc: {  	s3 =	srdreg.scid;
	v13 =	vimm.s32 $0xDCFE98BA;
	v14 =	vimm.s32 $0x54761032;
	v15 =	vimm.s32 $0xEFCDAB89  }
0xd: {  	s23 =	stileid.u32;
	s12 =	sadd.s32 $0x3BE00, s0;
	s11 =	sadd.s32 $0x3CA00, s0;
	v16 =	vimm.s32 $0x67452301;
	vm0 =	vmmov $0xf;
	v4 =	vsel vm1, $0x100, v3  }
0xe: {  	s10 =	sadd.s32 $0x3D600, s0;
	s6 =	sand.u32 $0x1, s3;
	s3 =	sshll.u32 s23, $0x1;
	v3 =	vlaneseq.u32;
	v8 =	vsel vm1, $0x1300, v8;
	v9 =	vunpack.c.l.s4.s8 v9  }
0xf: {  	s9 =	sadd.s32 $0x40600, s0;
	s17 =	simm.s32 $0x1;
	v10 =	vunpack.c.l.s4.s8 v10;
	v13 =	vunpack.c.l.s4.s8 v13;
	v14 =	vunpack.c.l.s4.s8 v14;
	s7 =	sor.u32 s6, s3  }
0x10: {  	s18 =	simm.s32 $0x80;
	s19 =	simm.s32 $0x9B80;
	v15 =	vunpack.c.l.s4.s8 v15;
	v16 =	vunpack.c.l.s4.s8 v16;
	v6 =	vsel vm2, $0x110, v4;
	s3 =	smul.u32 $0x4E20, s7  }
0x11: {  	s20 =	simm.s32 $0x9E80;
	s21 =	simm.s32 $0x9C00;
	v4 =	vimm.s32 $0x0;
	v5 =	vmul.u32 $0x10, v3;
	v7 =	vmul.u32 $0x130, v3;
	s4 =	smul.u32 $0x26, s7  }
0x12: {  	s28 =	simm.s32 $0x9880;
	s29 =	simm.s32 $0x9A00;
	s5 =	smul.u32 $0x98, s7;
	v12 =	vunpack.c.0.s8.s32 v9;
	v9 =	vunpack.c.l.s4.s8 v11;
	v11 =	vimm.s32 $0x32107654  }
0x13: {  	s30 =	simm.s32 $0x9080;
	v8 =	vsel vm2, $0x1430, v8;
	s13 =	ssub.s32 $0x2, s6;
	v6 =	vsel vm3, $0x120, v6;
	s25 =	smul.u32 $0x28, s7;
	v11 =	vunpack.c.l.s4.s8 v11  }
0x14: {  	s31 =	simm.s32 $0x9580;
	v8 =	vsel vm3, $0x1560, v8;
	v10 =	vunpack.c.0.s8.s32 v10;
	s14 =	smul.u32 $0xBE0, s7;
	s15 =	sshrl.u32 s13, $0x1;
	v13 =	vunpack.c.0.s8.s32 v13  }
0x15: {  	s16 =	smul.u32 $0x2F8, s7;
	v14 =	vunpack.c.0.s8.s32 v14;
	s26 =	ssub.s32 s13, s15;
	s15 =	simm.s32 $0x3000;
	v17 =	vunpack.c.0.s8.s32 v9;
	v11 =	vunpack.c.0.s8.s32 v11  }
0x16: {  	v15 =	vunpack.c.0.s8.s32 v15;
	v16 =	vunpack.c.0.s8.s32 v16;
	v0 =	vmov s3;
	s3 =	sadd.s32 $0x40800, s0;
	s24 =	sadd.s32 s4, s0;
	s1 =	sadd.s32 s1, s5  }
0x17: {  	s9 =	sadd.s32 s9, s25;
	s10 =	sadd.s32 s10, s14;
	s11 =	sadd.s32 s11, s16;
	v9 =	vcombine.low v11, v10;
	v11 =	vand.u32 $0xF, v17;
	v10 =	vcombine.low v14, v13  }
.Ltmp1:
0x18: {  	s12 =	sadd.s32 s12, s16;
	s13 =	smax.u32 s26, $0x1;
	v17 =	vimm.s32 $0x3020100;
	v11 =	vcombine.low v11, v12;
	v12 =	vcombine.low v16, v15;
	(pc) =	sbr.rel .LBB2_2-.Ltmp1, $4  }
0x19: {  	s14 =	simm.s32 $0x1800;
	s16 =	simm.s32 $0x8F00;
	s26 =	simm.s32 $0x9D00;
	v16 =	vimm.s32 $0x390;
	v17 =	vunpack.c.0.s8.s32 v17;
	v13 =	vand.u32 $0xF, v9  }
0x1a: {  	s0 =	simm.s32 $0x9700;
	[dreg:$0x3] =	wrdreg s1;
	s4 =	sadd.s32 $0x1200, s24;
	v14 =	vand.u32 $0xF, v10;
	v16 =	vsel vm1, $0x0, v16;
	vm1 =	vmmov $0x1  }
0x1b: {  	s6 =	sadd.s32 $0x1400, s24;
	s7 =	sadd.s32 $0x1600, s24;
	s8 =	sadd.s32 $0x1800, s24;
	v15 =	vand.u32 $0xF, v12;
	v16 =	vsel vm2, $0x130, v16;
	vm2 =	vcmask $0xF00  }
0x1c: {  	s24 =	simm.s32 $0x9C80;
	s1 =	simm.s32 $0x0;
	[dreg:$0x4] =	wrdreg s4;
	v16 =	vsel vm3, $0x260, v16;
	v17 =	vnsel vm2, $0x3, v17;
	vm2 =	vmxor vm2, vm2  }
.LBB2_23:
0x1d: {  	s4 =	rddreg [dreg:$0x3]  }
0x1e: {  	[hbm4b:s4+s2] =	stream.linear.scatter [tilespmem:s30], [sflag:$0x1], $0x4C0, $0x38;
	[tilespmem:$0x13680] =	vst v63  }
0x1f: {  	s25 =	rddreg [dreg:$0x4]  }
0x20: {  	[hbm4b:s25+s2] =	stream.linear.scatter [tilespmem:s31], [sflag:$0x1], $0x130, $0x38;
	[tilespmem:$0x13680] =	vst v63  }
0x21: {  	_ = 	snop  }
0x22: {  	[hbm4b:s6+s2] =	stream.linear.scatter [tilespmem:s0], [sflag:$0x1], $0x130, $0x38;
	[tilespmem:$0x13680] =	vst v63  }
0x23: {  	_ = 	snop  }
0x24: {  	[hbm4b:s7+s2] =	stream.linear.scatter [tilespmem:s28], [sflag:$0x1], $0x130, $0x38;
	[tilespmem:$0x13680] =	vst v63  }
0x25: {  	_ = 	snop  }
0x26: {  	[hbm4b:s8+s2] =	stream.linear.scatter [tilespmem:s29], [sflag:$0x1], $0x130, $0x38;
	[tilespmem:$0x13680] =	vst v63  }
0x27: {  	_ =	swait.ge [sflag:s17], $0x4C0  }
0x28: {  	[sflag:s17] =	ssyncset.done $0x0  }
0x29: {  	[sflag:s17] =	ssyncadd.s32 $0xFFFFFB40  }
0x2a: {  	_ =	swait.ge [sflag:s17], $0x130  }
0x2b: {  	[sflag:s17] =	ssyncset.done $0x0  }
0x2c: {  	[sflag:s17] =	ssyncadd.s32 $0xFFFFFED0  }
0x2d: {  	_ =	swait.ge [sflag:s17], $0x130  }
0x2e: {  	[sflag:s17] =	ssyncset.done $0x0  }
0x2f: {  	s1 =	sadd.s32 $0x1, s1;
	[sflag:s17] =	ssyncadd.s32 $0xFFFFFED0  }
0x30: {  	p0 =	sne.s32 s1, s13;
	_ =	swait.ge [sflag:s17], $0x130  }
.Ltmp2:
0x31: {  	[sflag:s17] =	ssyncset.done $0x0;
	(pc) =	sbr.rel @!p0 .LBB2_24-.Ltmp2, $4  }
0x32: {  	[sflag:s17] =	ssyncadd.s32 $0xFFFFFED0  }
0x33: {  	_ =	swait.ge [sflag:s17], $0x130  }
0x34: {  	[sflag:s17] =	ssyncset.done $0x0  }
0x35: {  	[sflag:s17] =	ssyncadd.s32 $0xFFFFFED0  }
.LBB2_2:
0x36: {  	s22 =	simm.s32 $0x0  }
0x37: {  	[tilespmem:s22], [sflag:$0x1] =	stream.linear.gather [hbm4b:s12+s22], $0x17C0, $0x38;
	[tilespmem:$0x13680] =	vst v63  }
0x38: {  	_ = 	snop  }
0x39: {  	[tilespmem:s14], [sflag:$0x1] =	stream.linear.gather [hbm4b:s11+s22], $0x17C0, $0x38;
	[tilespmem:$0x13680] =	vst v63  }
0x3a: {  	_ = 	snop  }
0x3b: {  	[tilespmem:s15], [sflag:$0x1] =	stream.linear.gather [hbm4b:s10+s22], $0x5F00, $0x38;
	[tilespmem:$0x13680] =	vst v63  }
0x3c: {  	_ = 	snop  }
0x3d: {  	[tilespmem:s16], [sflag:$0x1] =	stream.linear.gather [hbm4b:s9+s22], $0x140, $0x38;
	[tilespmem:$0x13680] =	vst v63  }
0x3e: {  	_ =	swait.ge [sflag:s17], $0x17C0  }
0x3f: {  	[sflag:s17] =	ssyncset.done $0x0  }
0x40: {  	[sflag:s17] =	ssyncadd.s32 $0xFFFFE840  }
0x41: {  	_ =	swait.ge [sflag:s17], $0x17C0  }
0x42: {  	[sflag:s17] =	ssyncset.done $0x0  }
0x43: {  	[sflag:s17] =	ssyncadd.s32 $0xFFFFE840  }
0x44: {  	_ =	swait.ge [sflag:s17], $0x5F00  }
0x45: {  	[sflag:s17] =	ssyncset.done $0x0  }
0x46: {  	[sflag:s17] =	ssyncadd.s32 $0xFFFFA100  }
0x47: {  	_ =	swait.ge [sflag:s17], $0x140  }
0x48: {  	[sflag:s17] =	ssyncset.done $0x0  }
0x49: {  	s23 =	simm.s32 $0x40;
	s22 =	simm.s32 $0x0;
	[sflag:s17] =	ssyncadd.s32 $0xFFFFFEC0  }
.LBB2_3:
0x4a: {  	p0 =	sne.s32 s23, $0x480;
	[tilespmem:s22+$0x9D00] =	vst v4;
	s25 =	smov.u32 s23;
	s23 =	sadd.s32 $0x40, s23  }
.Ltmp3:
0x4b: {  	[tilespmem:s22+$0x9A00] =	vst v2;
	(pc) =	sbr.rel @p0 .LBB2_3-.Ltmp3, $4  }
0x4c: {  	[tilespmem:s22+$0x9700] =	vst v2  }
0x4d: {  	[tilespmem:s22+$0x9580] =	vst v1  }
0x4e: {  	[tilespmem:s22+$0x9880] =	vst v1  }
0x4f: {  	s22 =	sshra.s32 s25, $0x2  }
0x50: {  	[tilespmem:s22+$0x9D00] =	vst v4  }
0x51: {  	[tilespmem:s22+$0x9A00] =	vst v2  }
0x52: {  	[tilespmem:s22+$0x9700] =	vst v2  }
0x53: {  	[tilespmem:s22+$0x9580] =	vst v1  }
0x54: {  	[tilespmem:s22+$0x9880] =	vst v1;
	s22 =	simm.s32 $0x40;
	s23 =	simm.s32 $0x0  }
.LBB2_5:
0x55: {  	p0 =	sne.s32 s22, $0x12C0;
	[tilespmem:s23+$0x9080] =	vst v1;
	s23 =	smov.u32 s22;
	s22 =	sadd.s32 $0x40, s22  }
.Ltmp4:
0x56: {  	(pc) =	sbr.rel @p0 .LBB2_5-.Ltmp4, $2  }
0x57: {  	_ =	sdelay $0x2  }
0x58: {  	s23 =	sshra.s32 s23, $0x2  }
0x59: {  	[tilespmem:s23+$0x9080] =	vst v1;
	v18 =	vimm.s32 $0x0  }
0x5a: {  	[tilespmem:$0x9B80] =	vst v18  }
0x5b: {  	[tilespmem:$0x9C00] =	vst v18  }
0x5c: {  	[tilespmem:$0x9C80] =	vst v18  }
0x5d: {  	[tilespmem:$0x9B90] =	vst v18  }
0x5e: {  	[tilespmem:$0x9C10] =	vst v18  }
0x5f: {  	[tilespmem:$0x9C90] =	vst v18  }
0x60: {  	[tilespmem:$0x9BA0] =	vst v18  }
0x61: {  	[tilespmem:$0x9C20] =	vst v18  }
0x62: {  	[tilespmem:$0x9CA0] =	vst v18  }
0x63: {  	[tilespmem:$0x9BB0] =	vst v18  }
0x64: {  	[tilespmem:$0x9C30] =	vst v18  }
0x65: {  	[tilespmem:$0x9BC0] =	vst v18  }
0x66: {  	[tilespmem:$0x9C40] =	vst v18  }
0x67: {  	[tilespmem:$0x9BD0] =	vst v18  }
0x68: {  	[tilespmem:$0x9C50] =	vst v18  }
0x69: {  	[tilespmem:$0x9BE0] =	vst v18  }
0x6a: {  	[tilespmem:$0x9C60] =	vst v18  }
0x6b: {  	[tilespmem:$0x9BF0] =	vst v18  }
0x6c: {  	[tilespmem:$0x9C70] =	vst v18  }
0x6d: {  	v19 =	vld.idx.msk [tilespmem:v5+s16+$0x0], $0xffff  }
0x6e: {  	s22 =	simm.s32 $0x0;
	v20 =	vld.idx.msk [tilespmem:v6+s16+$0x0], $0xffff  }
0x6f: {  	v21 =	vld.idx.msk [tilespmem:v7+s22+$0x0], $0xffff  }
0x70: {  	v22 =	vld.idx.msk [tilespmem:v8+s22+$0x0], $0xffff;
	_ =	sdelay $0x2  }
0x71: {  	vm3 =	vgt.s32 v20, $0x0  }
0x72: {  	vm4 =	vgt.s32 v19, $0x0;
	vm3 =	vmand vm3, vm0  }
0x73: {  	s23 =	simm.s32 $0xFFFFFFFF;
	v19 =	vnsel vm4, $0xFF800000, v21;
	v21 =	vimm.s32 $0x0;
	v20 =	vnsel vm3, $0xFF800000, v22  }
.LBB2_7:
0x74: {  	v22 =	vmax.f32 v19, v20  }
0x75: {  	v23 =	vperm.xlane v22, v11;
	_ =	sdelay $0x1  }
0x76: {  	v22 =	vmax.f32 v22, v23  }
0x77: {  	v23 =	vperm.xlane v22, v9;
	_ =	sdelay $0x1  }
0x78: {  	v22 =	vmax.f32 v22, v23  }
0x79: {  	v23 =	vperm.xlane v22, v10;
	_ =	sdelay $0x1  }
0x7a: {  	v22 =	vmax.f32 v22, v23  }
0x7b: {  	v23 =	vperm.xlane v22, v12;
	_ =	sdelay $0x1  }
0x7c: {  	v22 =	vmax.f32 v22, v23  }
0x7d: {  	(v2sf) =	vpush v22, $0x0;
	_ =	sdelay $0xe  }
0x7e: {  	s25 =	spop (v2sf)  }
0x7f: {  	p0 =	slt.f32 s25, $-Inf;
	p1 =	sgt.f32 s25, $-Inf  }
0x80: {  	_ = 	snop  }
0x81: {  	p0 =	por p1, p0  }
0x82: {  	p0 =	por !p0, !p0  }
.Ltmp5:
0x83: {  	_ = 	snop;
	(pc) =	sbr.rel @p0 .LBB2_10-.Ltmp5, $1  }
0x84: {  	_ =	sdelay $0x3  }
0x85: {  	vm3 =	veq.f32 v19, v22;
	vm4 =	veq.f32 v20, v22  }
0x86: {  	v23 =	vmctz.xlane vm3;
	v24 =	vmctz.xlane vm4;
	_ =	sdelay $0x1  }
0x87: {  	vm3 =	vlt.s32 v23, $0x10;
	v24 =	vadd.s32 $0x10, v24  }
0x88: {  	v23 =	vsel vm3, v23, v24  }
0x89: {  	vm3 =	vlt.s32 v23, $0x10  }
0x8a: {  	v24 =	vand.u32 $0xF, v23;
	v25 =	vsel vm3, v21, v18  }
0x8b: {  	s23 =	sadd.s32 $0x1, s23;
	v26 =	vmul.u32 $0x4C0, v23;
	v25 =	vperm.xlane v25, v24  }
0x8c: {  	v27 =	vmov s23  }
0x8d: {  	v26 =	vadd.s32 v26, v25  }
0x8e: {  	v26 =	vadd.s32 v16, v26;
	_ =	sdelay $0x2  }
0x8f: {  	[tilespmem:v27+s31+$0x0] =	vst.idx.msk $0x1, v22  }
0x90: {  	v22 =	vmul.u32 $0x130, v23;
	[tilespmem:v27+s0+$0x0] =	vst.idx.msk $0x1, v23  }
0x91: {  	v28 =	vor.u32 s22, v17;
	v26 =	vld.idx.msk [tilespmem:v26+s15+$0x0], $0xffff  }
0x92: {  	v29 =	vadd.s32 v25, v22  }
0x93: {  	p0 =	slt.s32 s23, $0x7F  }
0x94: {  	s25 =	smov.u32 s23;
	p6 =	sgt.u32 s23, $0x7F;
	p1 =	slt.u32 s23, $0x100  }
0x95: {  	p2 =	sgt.s32 s23, $0x80;
	s4 =	smov.u32 s23;
	s5 =	smov.u32 s23  }
0x96: {  	vm4 =	vmmov vm2;
	s25 =	simm.s32 @!p0 $0x7F;
	p0 =	por !p1, !p6;
	p1 =	slt.u32 s23, $0x80;
	[tilespmem:v28+s30+$0x0] =	vst.idx.msk $0xf, v26  }
0x97: {  	vm5 =	vmmov vm2;
	s4 =	simm.s32 @!p2 $0x80;
	vm4 =	vmneg @p1 vm4;
	p1 =	sgt.s32 s23, $0x100;
	p0 =	por !p0, !p0;
	v26 =	vld.idx.msk [tilespmem:v29+s14+$0x0], $0xffff  }
0x98: {  	vm6 =	vmmov vm2;
	s4 =	sadd.s32 $0xFFFFFF80, s4;
	s5 =	simm.s32 @!p1 $0x100;
	vm4 =	vmand vm4, vm1;
	vm5 =	vmneg @p0 vm5;
	p0 =	sgt.u32 s23, $0xFF  }
0x99: {  	v61 =	vmov s25;
	s4 =	smin.u32 s4, $0x7F;
	s5 =	sadd.s32 $0xFFFFFF00, s5;
	vm5 =	vmand vm5, vm1;
	vm6 =	vmneg @p0 vm6  }
0x9a: {  	v62 =	vmov s4;
	s25 =	smin.u32 s5, $0x2F;
	vm6 =	vmand vm6, vm1;
	v25 =	vadd.s32 $0x1, v25  }
0x9b: {  	v33 =	vshll.u32 v23, $0x4;
	v31 =	vmov s25;
	vm7 =	vlt.s32 v25, $0x12F  }
0x9c: {  	v30 =	vnsel vm7, $0x12F, v25;
	v32 =	vadd.s32 v0, v26;
	v26 =	vand.u32 $0x7, v26  }
0x9d: {  	v22 =	vadd.s32 v30, v22;
	[tilespmem:v27+s26+$0x0] =	vst.idx.msk $0x1, v26;
	v63 =	vshra.s32 v32, $0x3  }
0x9e: {  	[tilespmem:v61+s19+$0x0] =	vst.idx.msk vm4, v63  }
0x9f: {  	[tilespmem:v62+s21+$0x0] =	vst.idx.msk vm5, v63  }
0xa0: {  	[tilespmem:v31+s24+$0x0] =	vst.idx.msk vm6, v63  }
0xa1: {  	v26 =	vld.idx.msk [tilespmem:v33+s16+$0x0], $0xffff  }
0xa2: {  	v22 =	vld.idx.msk [tilespmem:v22+s2+$0x0], $0xffff  }
0xa3: {  	p0 =	slt.u32 s23, $0x12B  }
.Ltmp6:
0xa4: {  	vm13 =	veq.s32 v24, v3;
	(pc) =	sbr.rel @p0 .LBB2_7-.Ltmp6, $4  }
0xa5: {  	vm14 =	vge.s32 v23, $0x10;
	vm3 =	vmand vm3, vm13  }
0xa6: {  	v23 =	vsel vm3, $0x1, v4;
	vm4 =	vmand vm13, vm14;
	vm15 =	vlt.s32 v25, v26  }
0xa7: {  	v21 =	vadd.s32 v23, v21;
	v23 =	vsel vm4, $0x1, v4;
	v22 =	vnsel vm15, $0xFF800000, v22  }
0xa8: {  	s22 =	sadd.s32 $0x4, s22;
	v18 =	vadd.s32 v23, v18;
	v19 =	vsel vm3, v22, v19;
	v20 =	vsel vm4, v22, v20  }
.Ltmp7:
0xa9: {  	(pc) =	sbr.rel .LBB2_11-.Ltmp7, $2  }
0xaa: {  	_ =	sdelay $0x2  }
0xab: {  	s22 =	sadd.s32 $0x1, s23  }
.LBB2_10:
0xac: {  	s22 =	sadd.s32 $0x1, s23  }
.LBB2_11:
0xad: {  	[tilespmem:s20], [sflag:$0x1] =	stream.indirect.gather [hbm4b:s3+s18], $0x80, s19, s18, $0xb8;
	[tilespmem:$0x13680] =	vst v63  }
0xae: {  	s4 =	simm.s32 $0xDE80  }
0xaf: {  	[tilespmem:s4], [sflag:$0x1] =	stream.indirect.gather [hbm4b:s3+s18], $0x80, s21, s18, $0xb8;
	[tilespmem:$0x13680] =	vst v63  }
0xb0: {  	s23 =	simm.s32 $0x30;
	s5 =	simm.s32 $0x11E80  }
0xb1: {  	[tilespmem:s5], [sflag:$0x1] =	stream.indirect.gather [hbm4b:s3+s23], $0x80, s24, s23, $0xb8;
	[tilespmem:$0x13680] =	vst v63  }
0xb2: {  	s25 =	sshrl.u32 s22, $0x1F;
	_ =	swait.ge [sflag:s17], $0x4000  }
0xb3: {  	s4 =	sadd.s32 s25, s22;
	[sflag:s17] =	ssyncset.done $0x0  }
0xb4: {  	s23 =	sand.u32 $0xFFFFFFFE, s4;
	[sflag:s17] =	ssyncadd.s32 $0xFFFFC000  }
0xb5: {  	p0 =	slt.s32 s23, $0x1;
	_ =	swait.ge [sflag:s17], $0x4000  }
.Ltmp8:
0xb6: {  	[sflag:s17] =	ssyncset.done $0x0;
	(pc) =	sbr.rel @p0 .LBB2_21-.Ltmp8, $4  }
0xb7: {  	[sflag:s17] =	ssyncadd.s32 $0xFFFFC000  }
0xb8: {  	_ =	swait.ge [sflag:s17], $0x1800  }
0xb9: {  	[sflag:s17] =	ssyncset.done $0x0  }
0xba: {  	[sflag:s17] =	ssyncadd.s32 $0xFFFFE800  }
0xbb: {  	s25 =	simm.s32 $0x0  }
0xbc: {  	p2 =	sgt.s32 s23, $0x2;
	v20 =	vmov s25  }
.Ltmp9:
0xbd: {  	_ = 	snop;
	(pc) =	sbr.rel @!p2 .LBB2_13-.Ltmp9, $3  }
0xbe: {  	_ =	sdelay $0x1  }
0xbf: {  	s4 =	simm.s32 $0x1  }
0xc0: {  	p0 =	por $0x0, $0x0;
	p1 =	por $0x0, $0x0;
	v18 =	vmov s4;
	s25 =	simm.s32 $0x2;
	v25 =	vld.idx.msk [tilespmem:v20+s26+$0x0], $0xffff  }
0xc1: {  	_ =	sdelay $0x3  }
0xc2: {  	v21 =	vld.idx.msk [tilespmem:v18+s26+$0x0], $0xffff;
	v19 =	vshll.u32 v25, $0x4  }
0xc3: {  	v22 =	vshll.u32 v20, $0x7;
	v24 =	vor.u32 v3, v19;
	v19 =	vand.u32 $0xFFFFFF80, v19  }
0xc4: {  	v23 =	vmov s25;
	v24 =	vand.u32 $0x7F, v24;
	v19 =	vadd.s32 v22, v19  }
0xc5: {  	p2 =	sgt.s32 s23, $0x4;
	v19 =	vor.u32 v24, v19  }
.Ltmp10:
0xc6: {  	_ = 	snop;
	(pc) =	sbr.rel @!p2 .LBB2_15-.Ltmp10, $4  }
0xc7: {  	v21 =	vshll.u32 v21, $0x4  }
0xc8: {  	v22 =	vor.u32 v3, v21;
	v21 =	vand.u32 $0xFFFFFF80, v21;
	v24 =	vshll.u32 v18, $0x7  }
0xc9: {  	s4 =	simm.s32 $0x3;
	v25 =	vld.idx.msk [tilespmem:v23+s26+$0x0], $0xffff;
	v22 =	vand.u32 $0x7F, v22;
	v24 =	vadd.s32 v24, v21  }
0xca: {  	s25 =	simm.s32 $0x4;
	p0 =	por $0x1, $0x1;
	v26 =	vmov s4;
	v27 =	vor.u32 v22, v24;
	v21 =	vld.idx.msk [tilespmem:v19+s20+$0x0], $0xffff  }
0xcb: {  	_ =	sdelay $0x3  }
0xcc: {  	v22 =	vld.idx.msk [tilespmem:v26+s26+$0x0], $0xffff  }
0xcd: {  	v19 =	vshll.u32 v25, $0x4  }
0xce: {  	v24 =	vld.idx.msk [tilespmem:v27+s20+$0x0], $0xffff;
	v27 =	vor.u32 v3, v19;
	v28 =	vand.u32 $0xFFFFFF80, v19;
	v19 =	vmov s25  }
0xcf: {  	v25 =	vshll.u32 v23, $0x7  }
0xd0: {  	v27 =	vand.u32 $0x7F, v27;
	v25 =	vadd.s32 v25, v28  }
0xd1: {  	v29 =	vperm.xlane v21, v11;
	v22 =	vshll.u32 v22, $0x4;
	v27 =	vor.u32 v27, v25  }
0xd2: {  	s4 =	simm.s32 $0x5;
	v32 =	vshll.u32 v26, $0x7;
	p2 =	sgt.s32 s23, $0x6;
	v25 =	vor.u32 v3, v22  }
.Ltmp11:
0xd3: {  	v28 =	vmov s4;
	v29 =	vmax.f32 v21, v29;
	v33 =	vand.u32 $0x7F, v25;
	v25 =	vld.idx.msk [tilespmem:v19+s26+$0x0], $0xffff;
	(pc) =	sbr.rel @!p2 .LBB2_17-.Ltmp11, $4  }
0xd4: {  	v31 =	vperm.xlane v24, v11;
	v22 =	vand.u32 $0xFFFFFF80, v22;
	v30 =	vperm.xlane v29, v13  }
0xd5: {  	v32 =	vadd.s32 v32, v22  }
0xd6: {  	v31 =	vmax.f32 v24, v31;
	v30 =	vmax.f32 v29, v30;
	v22 =	vld.idx.msk [tilespmem:v27+s20+$0x0], $0xffff;
	v27 =	vor.u32 v33, v32  }
0xd7: {  	p1 =	por $0x1, $0x1;
	s25 =	simm.s32 $0x6;
	v34 =	vperm.xlane v31, v13;
	v33 =	vperm.xlane v30, v14  }
.LBB2_18:
0xd8: {  	v29 =	vmov s25;
	v25 =	vshll.u32 v25, $0x4;
	v32 =	vshll.u32 v19, $0x7;
	v35 =	vmovc v18;
	v18 =	vmovc v26  }
0xd9: {  	v36 =	vor.u32 v3, v25;
	v37 =	vld.idx.msk [tilespmem:v28+s26+$0x0], $0xffff;
	v30 =	vmax.f32 v30, v33;
	v31 =	vmax.f32 v31, v34  }
0xda: {  	v26 =	vmovc v28;
	v25 =	vand.u32 $0xFFFFFF80, v25;
	v33 =	vperm.xlane v30, v15;
	v34 =	vperm.xlane v31, v14  }
0xdb: {  	v28 =	vand.u32 $0x7F, v36;
	v25 =	vadd.s32 v32, v25;
	v32 =	vperm.xlane v22, v11;
	v36 =	vld.idx.msk [tilespmem:v27+s20+$0x0], $0xffff  }
0xdc: {  	v27 =	vor.u32 v28, v25;
	v30 =	vmax.f32 v30, v33;
	v31 =	vmax.f32 v31, v34  }
0xdd: {  	v32 =	vmax.f32 v22, v32;
	vm3 =	veq.f32 v21, v30;
	v33 =	vperm.xlane v31, v15;
	v21 =	vmovc v22  }
0xde: {  	s4 =	sadd.s32 $0x1, s25;
	s25 =	sadd.s32 $0x2, s25;
	v34 =	vperm.xlane v32, v13;
	v38 =	vmctz.xlane vm3  }
0xdf: {  	p2 =	slt.s32 s25, s23;
	v28 =	vmov s4;
	v37 =	vshll.u32 v37, $0x4;
	v25 =	vld.idx.msk [tilespmem:v29+s26+$0x0], $0xffff;
	v31 =	vmax.f32 v31, v33  }
.Ltmp12:
0xe0: {  	v39 =	vshll.u32 v26, $0x7;
	v33 =	vor.u32 v3, v37;
	[tilespmem:v20+s28+$0x0] =	vst.idx.msk $0x1, v30;
	vm3 =	veq.f32 v24, v31;
	(pc) =	sbr.rel @p2 .LBB2_18-.Ltmp12, $4  }
0xe1: {  	v24 =	vand.u32 $0xFFFFFF80, v37;
	v37 =	vperm.xlane v36, v11;
	v22 =	vld.idx.msk [tilespmem:v27+s20+$0x0], $0xffff;
	[tilespmem:v20+s29+$0x0] =	vst.idx.msk $0x1, v38;
	v38 =	vmctz.xlane vm3  }
0xe2: {  	v30 =	vmax.f32 v32, v34;
	v27 =	vand.u32 $0x7F, v33;
	v39 =	vadd.s32 v39, v24;
	[tilespmem:v35+s28+$0x0] =	vst.idx.msk $0x1, v31  }
0xe3: {  	v20 =	vmov v23;
	v27 =	vor.u32 v27, v39;
	v31 =	vmax.f32 v36, v37;
	[tilespmem:v35+s29+$0x0] =	vst.idx.msk $0x1, v38  }
0xe4: {  	v33 =	vperm.xlane v30, v14;
	v23 =	vmovc v19;
	v19 =	vmovc v29;
	v34 =	vperm.xlane v31, v13;
	v24 =	vmov v36  }
0xe5: {  	v32 =	vmovc v18;
	v35 =	vmovc v20;
	v29 =	vmov v26;
	v18 =	vmov v28;
	v20 =	vmov v23  }
.LBB2_20:
0xe6: {  	_ =	sdelay $0x3  }
0xe7: {  	v23 =	vld.idx.msk [tilespmem:v18+s26+$0x0], $0xffff  }
0xe8: {  	v25 =	vshll.u32 v25, $0x4  }
0xe9: {  	v26 =	vshll.u32 v19, $0x7;
	v28 =	vor.u32 v3, v25;
	v25 =	vand.u32 $0xFFFFFF80, v25  }
0xea: {  	v28 =	vand.u32 $0x7F, v28;
	v25 =	vadd.s32 v26, v25  }
0xeb: {  	v25 =	vor.u32 v28, v25  }
0xec: {  	v30 =	vmax.f32 @p1 v30, v33;
	v23 =	vshll.u32 v23, $0x4  }
0xed: {  	v52 =	vshll.u32 v18, $0x7;
	v51 =	vor.u32 v3, v23;
	v23 =	vand.u32 $0xFFFFFF80, v23  }
0xee: {  	v26 =	vmax.f32 @p1 v31, v34;
	v28 =	vand.u32 $0x7F, v51;
	v23 =	vadd.s32 v52, v23  }
0xef: {  	v27 =	vld.idx.msk @p0 [tilespmem:v27+s20+$0x0], $0xffff;
	v31 =	vperm.xlane @p1 v30, v15;
	v33 =	vperm.xlane @p1 v26, v14;
	v23 =	vor.u32 v28, v23  }
0xf0: {  	v34 =	vperm.xlane @p0 v22, v11;
	v25 =	vld.idx.msk [tilespmem:v25+s20+$0x0], $0xffff  }
0xf1: {  	v29 =	vpsel p0, v29, v0;
	v30 =	vmax.f32 @p1 v30, v31;
	v26 =	vmax.f32 @p1 v26, v33;
	v28 =	vmovc @p1 v32  }
0xf2: {  	v31 =	vmax.f32 @p0 v22, v34;
	vm3 =	veq.f32 @p1 v21, v30;
	v32 =	vperm.xlane @p1 v26, v15  }
0xf3: {  	v20 =	vpsel p0, v20, v0;
	v21 =	vperm.xlane @p0 v31, v13;
	v33 =	vmctz.xlane @p1 vm3  }
0xf4: {  	[tilespmem:v35+s28+$0x0] =	vst.idx.msk @p1 $0x1, v30;
	v26 =	vmax.f32 @p1 v26, v32;
	v32 =	vperm.xlane @p0 v27, v11;
	v23 =	vld.idx.msk [tilespmem:v23+s20+$0x0], $0xffff  }
0xf5: {  	[tilespmem:v35+s29+$0x0] =	vst.idx.msk @p1 $0x1, v33;
	vm3 =	veq.f32 @p1 v24, v26;
	v53 =	vperm.xlane v25, v11  }
0xf6: {  	v21 =	vmax.f32 @p0 v31, v21;
	v24 =	vmctz.xlane @p1 vm3;
	v30 =	vmax.f32 @p0 v27, v32;
	[tilespmem:v28+s28+$0x0] =	vst.idx.msk @p1 $0x1, v26  }
0xf7: {  	v26 =	vperm.xlane @p0 v21, v14;
	v31 =	vperm.xlane @p0 v30, v13;
	v32 =	vmax.f32 v25, v53  }
0xf8: {  	v21 =	vpsel p0, v21, v0;
	v30 =	vpsel p0, v30, v0;
	v55 =	vperm.xlane v32, v13  }
0xf9: {  	v26 =	vpsel p0, v26, v0;
	v31 =	vpsel p0, v31, v0;
	v54 =	vperm.xlane v23, v11  }
0xfa: {  	v30 =	vmax.f32 @p0 v30, v31;
	v21 =	vmax.f32 @p0 v21, v26;
	v31 =	vmax.f32 v32, v55  }
0xfb: {  	v26 =	vperm.xlane @p0 v30, v14;
	v34 =	vperm.xlane @p0 v21, v15;
	v33 =	vmax.f32 v23, v54  }
0xfc: {  	v22 =	vpsel p0, v22, v0;
	v57 =	vperm.xlane v31, v14;
	v56 =	vperm.xlane v33, v13  }
0xfd: {  	[tilespmem:v28+s29+$0x0] =	vst.idx.msk @p1 $0x1, v24;
	v26 =	vmax.f32 @p0 v30, v26;
	v21 =	vmax.f32 @p0 v21, v34  }
0xfe: {  	v58 =	vmax.f32 v31, v57;
	v34 =	vperm.xlane @p0 v26, v15;
	v32 =	vmax.f32 v33, v56  }
0xff: {  	vm3 =	veq.f32 @p0 v22, v21;
	v60 =	vperm.xlane v58, v15;
	v59 =	vperm.xlane v32, v14  }
0x100: {  	v27 =	vpsel p0, v27, v0;
	[tilespmem:v20+s28+$0x0] =	vst.idx.msk @p0 $0x1, v21;
	v24 =	vmctz.xlane @p0 vm3  }
0x101: {  	v26 =	vmax.f32 @p0 v26, v34;
	v22 =	vmax.f32 v58, v60;
	v61 =	vmax.f32 v32, v59  }
0x102: {  	vm3 =	veq.f32 @p0 v27, v26;
	[tilespmem:v20+s29+$0x0] =	vst.idx.msk @p0 $0x1, v24;
	v62 =	vperm.xlane v61, v15  }
0x103: {  	[tilespmem:v29+s28+$0x0] =	vst.idx.msk @p0 $0x1, v26;
	v20 =	vmctz.xlane @p0 vm3;
	vm3 =	veq.f32 v25, v22  }
0x104: {  	[tilespmem:v19+s28+$0x0] =	vst.idx.msk $0x1, v22;
	v63 =	vmctz.xlane vm3;
	v21 =	vmax.f32 v61, v62  }
0x105: {  	[tilespmem:v29+s29+$0x0] =	vst.idx.msk @p0 $0x1, v20;
	vm3 =	veq.f32 v23, v21  }
0x106: {  	[tilespmem:v19+s29+$0x0] =	vst.idx.msk $0x1, v63;
	v19 =	vmctz.xlane vm3  }
0x107: {  	[tilespmem:v18+s28+$0x0] =	vst.idx.msk $0x1, v21  }
0x108: {  	[tilespmem:v18+s29+$0x0] =	vst.idx.msk $0x1, v19  }
.LBB2_21:
0x109: {  	p0 =	sge.s32 s23, s22  }
.Ltmp13:
0x10a: {  	_ = 	snop;
	(pc) =	sbr.rel @p0 .LBB2_23-.Ltmp13, $1  }
0x10b: {  	_ =	sdelay $0x3  }
.LBB2_22:
0x10c: {  	v18 =	vmov s23;
	_ =	sdelay $0x4  }
0x10d: {  	v19 =	vld.idx.msk [tilespmem:v18+s26+$0x0], $0xffff;
	_ =	sdelay $0x4  }
0x10e: {  	v19 =	vshll.u32 v19, $0x4  }
0x10f: {  	v21 =	vshll.u32 v18, $0x7;
	v20 =	vor.u32 v3, v19;
	v19 =	vand.u32 $0xFFFFFF80, v19  }
0x110: {  	v20 =	vand.u32 $0x7F, v20;
	v19 =	vadd.s32 v21, v19  }
0x111: {  	v19 =	vor.u32 v20, v19;
	_ =	sdelay $0x4  }
0x112: {  	v19 =	vld.idx.msk [tilespmem:v19+s20+$0x0], $0xffff;
	_ =	sdelay $0x4  }
0x113: {  	v62 =	vperm.xlane v19, v11;
	_ =	sdelay $0x1  }
0x114: {  	v20 =	vmax.f32 v19, v62  }
0x115: {  	v63 =	vperm.xlane v20, v9;
	_ =	sdelay $0x1  }
0x116: {  	v20 =	vmax.f32 v20, v63  }
0x117: {  	v21 =	vperm.xlane v20, v10;
	_ =	sdelay $0x1  }
0x118: {  	v20 =	vmax.f32 v20, v21  }
0x119: {  	s23 =	sadd.s32 $0x1, s23;
	v21 =	vperm.xlane v20, v12  }
0x11a: {  	p0 =	sne.s32 s22, s23  }
.Ltmp14:
0x11b: {  	v20 =	vmax.f32 v20, v21;
	(pc) =	sbr.rel @p0 .LBB2_22-.Ltmp14, $4  }
0x11c: {  	vm3 =	veq.f32 v19, v20  }
0x11d: {  	v19 =	vmctz.xlane vm3  }
0x11e: {  	[tilespmem:v18+s28+$0x0] =	vst.idx.msk $0x1, v20  }
0x11f: {  	[tilespmem:v18+s29+$0x0] =	vst.idx.msk $0x1, v19  }
.Ltmp15:
0x120: {  	_ = 	snop;
	(pc) =	sbr.rel .LBB2_23-.Ltmp15, $1  }
0x121: {  	_ =	sdelay $0x3  }
.LBB2_13:
.Ltmp16:
0x122: {  	(pc) =	sbr.rel .LBB2_20-.Ltmp16, $2  }
0x123: {  	_ =	sdelay $0x2  }
0x124: {  	v19 =	vmov v20  }
.LBB2_15:
.Ltmp17:
0x125: {  	_ = 	snop;
	(pc) =	sbr.rel .LBB2_20-.Ltmp17, $2  }
0x126: {  	_ =	sdelay $0x2  }
0x127: {  	v29 =	vmovc v18;
	v19 =	vmov v23;
	v18 =	vmov v26;
	v22 =	vmov v21  }
.LBB2_17:
.Ltmp18:
0x128: {  	(pc) =	sbr.rel .LBB2_20-.Ltmp18, $2  }
0x129: {  	_ =	sdelay $0x2  }
0x12a: {  	v32 =	vmovc v18;
	v35 =	vmovc v20;
	v29 =	vmov v26;
	v18 =	vmov v28;
	v20 =	vmov v23  }
.LBB2_24:
0x12b: {  	_ =	sfence.sel $0x180000  }
0x12c: {  	[bflag:$0x0] =	sbarrier.arrive $0xFFFF  }
0x12d: {  	_ =	strace $0x9000004A  }
0x12e: {  	s0 =	stileid.u32;
	[bflag:$0x2] =	sbarrier.arrive $0xFFFF  }
0x12f: {  	p0 =	sne.s32 s0, $0x0;
	s0 =	rddreg [dreg:$0x2]  }
0x130: {  	s0 =	sadd.s32 @!p0 $0x100000, s0  }
0x131: {  	[sflag:s0] =	ssyncadd.tile.s32 @!p0 $0x1;
	_ =	shalt  }
.Lfunc_end2:
_tile_overlayer_lowered:
.L_overlay_start_2:
0x132: {  	(tag) =	ssettag $0x2  }
0x133: {  	s0 =	rddreg [dreg:$0x0];
	s2 =	stileid.u32  }
0x134: {  	s1 =	rddreg [dreg:$0x1];
	p0 =	sne.s32 s2, $0x0  }
0x135: {  	s3 =	rddreg [dreg:$0x2];
	[bflag:$0x3] =	sbarrier.arrive $0xFFFF;
	s2 =	simm.s32 @!p0 $0x1C02  }
0x136: {  	[timem:s3], [sflag:s2] =	dma.local @!p0 [hbm:s0], s1  }
0x137: {  	s0 =	simm.s32 @!p0 $0x2  }
0x138: {  	_ =	swait.ge @!p0 [sflag:s0], s1  }
0x139: {  	s1 =	ssub.s32 @!p0 $0x0, s1;
	[sflag:s0] =	ssyncset.done @!p0 $0x0  }
0x13a: {  	[sflag:s0] =	ssyncadd.s32 @!p0 s1  }
0x13b: {  	[bflag:$0x3] =	sbarrier.arrive $0xFFFF  }
0x13c: {  	_ =	shalt  }

</sc_bundles>
